<compile_context>
chip_gen: v7x
topology: tpu7x:2x2x1
jax: 0.10.2.dev20260603
libtpu: 0.0.44.dev20260713+nightly
codegen_flags: <defaults>
</compile_context>

<pallas_src>
import functools

import jax
import jax.numpy as jnp
import numpy as np
from jax.experimental import pallas as pl
from jax.experimental.pallas import tpu as pltpu
from jax.experimental.pallas import tpu_sc as plsc

DIM = 192
NH = 6
HD = DIM // NH
WS = (6, 8, 8)
N = WS[0] * WS[1] * WS[2]
NW = 36
E = 8
DH = 384
T = 6 * 48 * 48


def _rel_index_np(ws):
    wd, wh, ww = ws
    coords = np.stack(
        np.meshgrid(np.arange(wd), np.arange(wh), np.arange(ww), indexing="ij"))
    cf = coords.reshape(3, -1)
    rel = cf[:, :, None] - cf[:, None, :]
    rel = rel.transpose(1, 2, 0).astype(np.int64)
    rel[..., 0] += wd - 1
    rel[..., 1] += wh - 1
    rel[..., 2] += ww - 1
    rel[..., 0] *= (2 * wh - 1) * (2 * ww - 1)
    rel[..., 1] *= (2 * ww - 1)
    return rel.sum(-1)


_REL_FLAT = _rel_index_np(WS).reshape(-1)


def _ln(x, w, b):
    m = jnp.mean(x, axis=-1, keepdims=True)
    xc = x - m
    v = jnp.mean(xc * xc, axis=-1, keepdims=True)
    return xc * jax.lax.rsqrt(v + 1e-5) * w + b


def _attn_body(xw_ref, bias_ref, n1w_ref, n1b_ref, qkvw_ref, qkvb_ref,
               projw_ref, projb_ref, out_ref):
    x = xw_ref[...].reshape(N, DIM)
    xn = _ln(x, n1w_ref[0], n1b_ref[0]).astype(jnp.bfloat16)
    qkv = (jax.lax.dot_general(xn, qkvw_ref[...].astype(jnp.bfloat16),
                               (((1,), (1,)), ((), ())),
                               preferred_element_type=jnp.float32)
           + qkvb_ref[0]).astype(jnp.bfloat16)
    scale = HD ** -0.5
    outs = []
    for h in range(NH):
        q = qkv[:, h * HD:(h + 1) * HD]
        k = qkv[:, DIM + h * HD:DIM + (h + 1) * HD]
        v = qkv[:, 2 * DIM + h * HD:2 * DIM + (h + 1) * HD]
        s = (jnp.dot(q, k.T, preferred_element_type=jnp.float32) * scale
             + bias_ref[h])
        p = jnp.exp(s - jnp.max(s, axis=-1, keepdims=True))
        r = 1.0 / jnp.sum(p, axis=-1, keepdims=True)
        outs.append(
            jnp.dot(p.astype(jnp.bfloat16), v,
                    preferred_element_type=jnp.float32) * r)
    o = jnp.concatenate(outs, axis=-1).astype(jnp.bfloat16)
    res = x + jax.lax.dot_general(o, projw_ref[...].astype(jnp.bfloat16),
                                  (((1,), (1,)), ((), ())),
                                  preferred_element_type=jnp.float32) + projb_ref[0]
    out_ref[...] = res.reshape(WS[0], WS[1], WS[2], DIM)


def _attention(x4, bias, norm1_w, norm1_b, qkv_w, qkv_b, proj_w, proj_b):
    wd, wh, ww = WS
    return pl.pallas_call(
        _attn_body,
        grid=(48 // wh, 48 // ww),
        in_specs=[
            pl.BlockSpec((wd, wh, ww, DIM), lambda i, j: (0, i, j, 0)),
            pl.BlockSpec((NH, N, N), lambda i, j: (0, 0, 0)),
            pl.BlockSpec((1, DIM), lambda i, j: (0, 0)),
            pl.BlockSpec((1, DIM), lambda i, j: (0, 0)),
            pl.BlockSpec((3 * DIM, DIM), lambda i, j: (0, 0)),
            pl.BlockSpec((1, 3 * DIM), lambda i, j: (0, 0)),
            pl.BlockSpec((DIM, DIM), lambda i, j: (0, 0)),
            pl.BlockSpec((1, DIM), lambda i, j: (0, 0)),
        ],
        out_specs=pl.BlockSpec((wd, wh, ww, DIM), lambda i, j: (0, i, j, 0)),
        out_shape=jax.ShapeDtypeStruct((wd, 48, 48, DIM), jnp.float32),
        compiler_params=pltpu.CompilerParams(
            dimension_semantics=("parallel", "parallel")),
    )(x4, bias, norm1_w.reshape(1, DIM), norm1_b.reshape(1, DIM), qkv_w,
      qkv_b.reshape(1, 3 * DIM), proj_w, proj_b.reshape(1, DIM))


def _gelu(x):
    return 0.5 * x * (1.0 + jax.lax.erf(x * (2.0 ** -0.5)))


def _top2(logits):
    M = logits.shape[0]
    m0 = jnp.full((M, 1), -jnp.inf, jnp.float32)
    e0 = jnp.zeros((M, 1), jnp.int32)
    for e in range(E):
        le = logits[:, e:e + 1]
        c = le > m0
        e0 = jnp.where(c, e, e0)
        m0 = jnp.where(c, le, m0)
    m1 = jnp.full((M, 1), -jnp.inf, jnp.float32)
    e1 = jnp.zeros((M, 1), jnp.int32)
    for e in range(E):
        le = logits[:, e:e + 1]
        c = (le > m1) & (e0 != e)
        e1 = jnp.where(c, e, e1)
        m1 = jnp.where(c, le, m1)
    g0 = 1.0 / (1.0 + jnp.exp(m1 - m0))
    g1 = 1.0 - g0
    return g0, g1, e0, e1


BT = 1024
NT = (2 * T + E * (BT - 1) + BT - 1) // BT
L = NT * BT
NC = T // 128
DP = 256


TMA = 1728


def _gate_body(x1_ref, n2w_ref, n2b_ref, gw_ref, tln_ref, es_ref, gwt_ref):
    x = x1_ref[...]
    t = _ln(x, n2w_ref[0], n2b_ref[0])
    tln_ref[...] = jnp.concatenate(
        [t, jnp.zeros((TMA, DP - DIM), jnp.float32)], axis=-1)
    logitsT = jax.lax.dot_general(gw_ref[...], t, (((1,), (1,)), ((), ())),
                                  preferred_element_type=jnp.float32)
    m0 = jnp.full((1, TMA), -jnp.inf, jnp.float32)
    e0 = jnp.zeros((1, TMA), jnp.float32)
    for e in range(E):
        le = logitsT[e:e + 1, :]
        c = le > m0
        e0 = jnp.where(c, float(e), e0)
        m0 = jnp.where(c, le, m0)
    m1 = jnp.full((1, TMA), -jnp.inf, jnp.float32)
    e1 = jnp.zeros((1, TMA), jnp.float32)
    for e in range(E):
        le = logitsT[e:e + 1, :]
        c = (le > m1) & (e0 != float(e))
        e1 = jnp.where(c, float(e), e1)
        m1 = jnp.where(c, le, m1)
    g0 = 1.0 / (1.0 + jnp.exp(m1 - m0))
    es_ref[0] = jnp.concatenate([e0, e1], axis=0)
    gwt_ref[0] = jnp.concatenate([g0, 1.0 - g0], axis=0)


def _gate(x1, norm2_w, norm2_b, gate_w):
    return pl.pallas_call(
        _gate_body,
        grid=(T // TMA,),
        in_specs=[
            pl.BlockSpec((TMA, DIM), lambda i: (i, 0)),
            pl.BlockSpec((1, DIM), lambda i: (0, 0)),
            pl.BlockSpec((1, DIM), lambda i: (0, 0)),
            pl.BlockSpec((E, DIM), lambda i: (0, 0)),
        ],
        out_specs=[
            pl.BlockSpec((TMA, DP), lambda i: (i, 0)),
            pl.BlockSpec((1, 2, TMA), lambda i: (i, 0, 0)),
            pl.BlockSpec((1, 2, TMA), lambda i: (i, 0, 0)),
        ],
        out_shape=[
            jax.ShapeDtypeStruct((T, DP), jnp.float32),
            jax.ShapeDtypeStruct((T // TMA, 2, TMA), jnp.float32),
            jax.ShapeDtypeStruct((T // TMA, 2, TMA), jnp.float32),
        ],
        compiler_params=pltpu.CompilerParams(
            dimension_semantics=("parallel",)),
    )(x1, norm2_w.reshape(1, DIM), norm2_b.reshape(1, DIM), gate_w)


def _pos_body(es_ref, pos_ref, tm_ref):
    es = es_ref[...].transpose(1, 0, 2).reshape(2, T)
    e0 = es[0:1, :]
    e1 = es[1:2, :]
    eio = jax.lax.broadcasted_iota(jnp.int32, (E, 1), 0).astype(jnp.float32)
    oh0 = (eio == e0).astype(jnp.float32)
    oh1 = (eio == e1).astype(jnp.float32)

    i0 = jax.lax.broadcasted_iota(jnp.int32, (128, 128), 0)
    i1 = jax.lax.broadcasted_iota(jnp.int32, (128, 128), 1)
    teu128 = (i0 < i1).astype(jnp.float32)
    j0 = jax.lax.broadcasted_iota(jnp.int32, (NC, NC), 0)
    j1 = jax.lax.broadcasted_iota(jnp.int32, (NC, NC), 1)
    teuN = (j0 < j1).astype(jnp.float32)

    def ranks(oh):
        ohc = oh.reshape(E, NC, 128)
        intra = jax.lax.dot_general(ohc, teu128, (((2,), (0,)), ((), ())),
                                    preferred_element_type=jnp.float32)
        s = jnp.sum(ohc, axis=2)
        cs = jax.lax.dot_general(s, teuN, (((1,), (0,)), ((), ())),
                                 preferred_element_type=jnp.float32)
        r = intra + cs[:, :, None]
        return r.reshape(E, T), jnp.sum(s, axis=1, keepdims=True)

    r0, c0 = ranks(oh0)
    r1, c1 = ranks(oh1)
    counts = c0 + c1
    padded = jnp.floor((counts + (BT - 1)) * (1.0 / BT)) * BT
    k0 = jax.lax.broadcasted_iota(jnp.int32, (E, E), 0)
    k1 = jax.lax.broadcasted_iota(jnp.int32, (E, E), 1)
    tel8 = (k1 < k0).astype(jnp.float32)
    pstart = jax.lax.dot_general(tel8, padded, (((1,), (0,)), ((), ())),
                                 preferred_element_type=jnp.float32)
    pend = pstart + padded

    def sel(oh, v):
        return jnp.sum(oh * v, axis=0, keepdims=True)

    pos0 = sel(oh0, pstart) + jnp.sum(oh0 * r0, axis=0, keepdims=True)
    pos1 = (sel(oh1, pstart) + sel(oh1, c0)
            + jnp.sum(oh1 * r1, axis=0, keepdims=True))
    pos_ref[...] = jnp.concatenate([pos0, pos1], axis=0).astype(jnp.int32)
    ti = jax.lax.broadcasted_iota(jnp.int32, (1, NT), 1).astype(jnp.float32) * BT
    tm = jnp.sum((pend <= ti).astype(jnp.int32), axis=0, keepdims=True)
    tm_ref[...] = jnp.minimum(tm, E - 1)


def _positions(es):
    return pl.pallas_call(
        _pos_body,
        in_specs=[pl.BlockSpec((T // TMA, 2, TMA), lambda: (0, 0, 0))],
        out_specs=[
            pl.BlockSpec((2, T), lambda: (0, 0)),
            pl.BlockSpec((1, NT), lambda: (0, 0)),
        ],
        out_shape=[
            jax.ShapeDtypeStruct((2, T), jnp.int32),
            jax.ShapeDtypeStruct((1, NT), jnp.int32),
        ],
    )(es)


def _routing(x1, norm2_w, norm2_b, gate_w):
    t_ln, es, gwt = _gate(x1, norm2_w, norm2_b, gate_w)
    pos, tile_map = _positions(es)
    return t_ln, pos, gwt, tile_map


_SC_MESH = None


def _sc_mesh():
    global _SC_MESH
    if _SC_MESH is None:
        _SC_MESH = plsc.VectorSubcoreMesh(core_axis_name="core",
                                          subcore_axis_name="subcore")
    return _SC_MESH


def _sc_scatter(t_ln, pos):
    SW = 128

    @functools.partial(
        pl.kernel,
        out_type=jax.ShapeDtypeStruct((L, DP), jnp.float32),
        mesh=_sc_mesh())
    def scatter_kernel(t_hbm, p_hbm, o_hbm):
        def body(x_vmem, i_vmem):
            pltpu.sync_copy(x_vmem, o_hbm.at[i_vmem.at[0]])

        pltpu.emit_pipeline(
            body,
            grid=(2, T // SW),
            in_specs=[
                pl.BlockSpec((SW, DP), lambda k, i: (i, 0)),
                pl.BlockSpec((1, SW), lambda k, i: (k, i)),
            ],
            out_specs=[],
            core_axis_name=("core", "subcore"),
            dimension_semantics=(pltpu.PARALLEL, pltpu.PARALLEL),
        )(t_hbm, p_hbm)

    return scatter_kernel(t_ln, pos)


def _sc_gather(y, pos_flat):
    GW = 128

    @functools.partial(
        pl.kernel,
        out_type=jax.ShapeDtypeStruct((2 * T, DP), jnp.float32),
        mesh=_sc_mesh())
    def gather_kernel(y_hbm, p_hbm, o_hbm):
        def body(i_vmem, o_vmem):
            pltpu.sync_copy(y_hbm.at[i_vmem.at[0]], o_vmem)

        pltpu.emit_pipeline(
            body,
            grid=(2 * T // GW,),
            in_specs=[pl.BlockSpec((1, GW), lambda i: (0, i))],
            out_specs=[pl.BlockSpec((GW, DP), lambda i: (i, 0))],
            core_axis_name=("core", "subcore"),
            dimension_semantics=(pltpu.PARALLEL,),
        )(p_hbm, o_hbm)

    return gather_kernel(y, pos_flat)


def _gmm_body(tm_ref, xg_ref, w1_ref, b1_ref, w2_ref, b2_ref, o_ref):
    x = xg_ref[...].astype(jnp.bfloat16)
    w1p = w1_ref[0].astype(jnp.bfloat16)
    w1p = jnp.concatenate(
        [w1p, jnp.zeros((DH, DP - DIM), jnp.bfloat16)], axis=-1)
    h = jax.lax.dot_general(x, w1p, (((1,), (1,)), ((), ())),
                            preferred_element_type=jnp.float32) + b1_ref[0, 0]
    h = _gelu(h).astype(jnp.bfloat16)
    y = jax.lax.dot_general(h, w2_ref[0].astype(jnp.bfloat16),
                            (((1,), (1,)), ((), ())),
                            preferred_element_type=jnp.float32) + b2_ref[0, 0]
    o_ref[...] = jnp.concatenate(
        [y, jnp.zeros((BT, DP - DIM), jnp.float32)], axis=-1)


def _grouped_mlp(tile_map, xg, w1, b1, w2, b2):
    grid_spec = pltpu.PrefetchScalarGridSpec(
        num_scalar_prefetch=1,
        grid=(NT,),
        in_specs=[
            pl.BlockSpec((BT, DP), lambda i, tm: (i, 0)),
            pl.BlockSpec((1, DH, DIM), lambda i, tm: (tm[i], 0, 0)),
            pl.BlockSpec((1, 1, DH), lambda i, tm: (tm[i], 0, 0)),
            pl.BlockSpec((1, DIM, DH), lambda i, tm: (tm[i], 0, 0)),
            pl.BlockSpec((1, 1, DIM), lambda i, tm: (tm[i], 0, 0)),
        ],
        out_specs=pl.BlockSpec((BT, DP), lambda i, tm: (i, 0)),
    )
    return pl.pallas_call(
        _gmm_body,
        grid_spec=grid_spec,
        out_shape=jax.ShapeDtypeStruct((L, DP), jnp.float32),
        compiler_params=pltpu.CompilerParams(
            dimension_semantics=("parallel",)),
    )(tile_map.reshape(NT), xg, w1, b1.reshape(E, 1, DH), w2,
      b2.reshape(E, 1, DIM))


def _moe_sparse(x1, norm2_w, norm2_b, gate_w, w1, b1, w2, b2):
    t_ln, pos, gwt, tile_map = _routing(x1, norm2_w, norm2_b, gate_w)
    xg = _sc_scatter(t_ln, pos)
    y = _grouped_mlp(tile_map, xg, w1, b1, w2, b2)
    yg = _sc_gather(y, pos.reshape(1, 2 * T))
    w0 = gwt[:, 0, :].reshape(T, 1)
    w1g = gwt[:, 1, :].reshape(T, 1)
    return x1 + w0 * yg[:T, :DIM] + w1g * yg[T:, :DIM]


def kernel(x, mask_matrix, norm1_w, norm1_b, qkv_w, qkv_b, rpb, proj_w,
           proj_b, norm2_w, norm2_b, gate_w, w1, b1, w2, b2):
    del mask_matrix
    B, D, H, W, C = x.shape
    bias = jnp.take(rpb, _REL_FLAT, axis=0).reshape(N, N, NH).transpose(2, 0, 1)
    x1 = _attention(x.reshape(D, H, W, C), bias, norm1_w, norm1_b, qkv_w,
                    qkv_b, proj_w, proj_b)
    out = _moe_sparse(x1.reshape(T, C), norm2_w, norm2_b, gate_w, w1, b1, w2, b2)
    return out.reshape(B, D, H, W, C)

# --- scband reference (transcript-rebuilt; emitter-appended) ---
"""Pipeline reference for scband-tmsa-49813030699702 (READ-ONLY COPY).

The authoritative reference and input builder live on the scoring server;
editing this copy changes nothing except your own understanding.
"""

import jax, jax.numpy as jnp
import numpy as np

DIM = 192
NH = 6
WS = (6, 8, 8)
E = 8
TOPK = 2
DH = 384

def _rel_index(ws):
    wd, wh, ww = ws
    coords = np.stack(np.meshgrid(np.arange(wd), np.arange(wh), np.arange(ww), indexing='ij'))
    cf = coords.reshape(3, -1)
    rel = cf[:, :, None] - cf[:, None, :]
    rel = rel.transpose(1, 2, 0).astype(np.int64)
    rel[..., 0] += wd - 1
    rel[..., 1] += wh - 1
    rel[..., 2] += ww - 1
    rel[..., 0] *= (2 * wh - 1) * (2 * ww - 1)
    rel[..., 1] *= (2 * ww - 1)
    return jnp.asarray(rel.sum(-1))

REL_IDX = _rel_index(WS)

def _ln(x, w, b):
    m = jnp.mean(x, -1, keepdims=True)
    v = jnp.mean((x - m) ** 2, -1, keepdims=True)
    return (x - m) / jnp.sqrt(v + 1e-5) * w + b

def setup_inputs(seed: int = 0):
    key = jax.random.key(seed)
    ks = jax.random.split(key, 16)
    inp = {}
    inp['x'] = jax.random.normal(ks[0], (1, 6, 48, 48, DIM), dtype=jnp.float32)
    inp['mask_matrix'] = jnp.zeros((36, 384, 384), dtype=jnp.float32)
    inp['norm1_w'] = jnp.ones((DIM,), jnp.float32)
    inp['norm1_b'] = jnp.zeros((DIM,), jnp.float32)
    inp['qkv_w'] = jax.random.normal(ks[1], (3 * DIM, DIM), jnp.float32) * 0.02
    inp['qkv_b'] = jnp.zeros((3 * DIM,), jnp.float32)
    inp['rpb'] = jax.random.normal(ks[2], ((2 * WS[0] - 1) * (2 * WS[1] - 1) * (2 * WS[2] - 1), NH), jnp.float32) * 0.02
    inp['proj_w'] = jax.random.normal(ks[3], (DIM, DIM), jnp.float32) * 0.02
    inp['proj_b'] = jnp.zeros((DIM,), jnp.float32)
    inp['norm2_w'] = jnp.ones((DIM,), jnp.float32)
    inp['norm2_b'] = jnp.zeros((DIM,), jnp.float32)
    inp['gate_w'] = jax.random.normal(ks[4], (E, DIM), jnp.float32) * 0.02
    inp['w1'] = jax.random.normal(ks[5], (E, DH, DIM), jnp.float32) * 0.02
    inp['b1'] = jnp.zeros((E, DH), jnp.float32)
    inp['w2'] = jax.random.normal(ks[6], (E, DIM, DH), jnp.float32) * 0.02
    inp['b2'] = jnp.zeros((E, DIM), jnp.float32)
    return inp

def _attn_part(x, norm1_w, norm1_b, qkv_w, qkv_b, rpb, proj_w, proj_b):
    B, D, H, W, C = x.shape
    xn = _ln(x, norm1_w, norm1_b)
    wd, wh, ww = WS
    pd = (wd - D % wd) % wd
    ph = (wh - H % wh) % wh
    pw = (ww - W % ww) % ww
    xn = jnp.pad(xn, ((0, 0), (0, pd), (0, ph), (0, pw), (0, 0)))
    _, Dp, Hp, Wp, _ = xn.shape
    # shift_size == (0,0,0): no cyclic roll, attn_mask is None
    xw = xn.reshape(B, Dp // wd, wd, Hp // wh, wh, Wp // ww, ww, C)
    xw = xw.transpose(0, 1, 3, 5, 2, 4, 6, 7).reshape(-1, wd * wh * ww, C)
    Bw, N, _ = xw.shape
    hd = C // NH
    qkv = xw @ qkv_w.T + qkv_b
    qkv = qkv.reshape(Bw, N, 3, NH, hd).transpose(2, 0, 3, 1, 4)
    q, k, v = qkv[0] * (hd ** -0.5), qkv[1], qkv[2]
    attn = q @ k.transpose(0, 1, 3, 2)
    bias = rpb[REL_IDX.reshape(-1)].reshape(N, N, NH).transpose(2, 0, 1)
    attn = jax.nn.softmax(attn + bias[None], axis=-1)
    out = (attn @ v).transpose(0, 2, 1, 3).reshape(Bw, N, C)
    out = out @ proj_w.T + proj_b
    out = out.reshape(B, Dp // wd, Hp // wh, Wp // ww, wd, wh, ww, C)
    out = out.transpose(0, 1, 4, 2, 5, 3, 6, 7).reshape(B, Dp, Hp, Wp, C)
    return out[:, :D, :H, :W, :]

def _moe_part(x, norm2_w, norm2_b, gate_w, w1, b1, w2, b2):
    B, D, H, W, C = x.shape
    t = _ln(x, norm2_w, norm2_b).reshape(-1, C)
    T = t.shape[0]
    logits = t @ gate_w.T
    topv, topi = jax.lax.top_k(logits, TOPK)
    gsc = jax.nn.softmax(topv, axis=-1)
    comb = jnp.zeros((T, E), jnp.float32).at[jnp.arange(T)[:, None], topi].add(gsc)
    h = jax.nn.gelu(jnp.einsum('tc,ehc->teh', t, w1) + b1, approximate=False)
    y = jnp.einsum('teh,ech->tec', h, w2) + b2
    out = jnp.einsum('tec,te->tc', y, comb)
    return out.reshape(B, D, H, W, C)

def reference(x, mask_matrix, norm1_w, norm1_b, qkv_w, qkv_b, rpb, proj_w, proj_b, norm2_w, norm2_b, gate_w, w1, b1, w2, b2):
    # mask_matrix is unused because shift_size == (0,0,0) (faithful to torch forward)
    x = x + _attn_part(x, norm1_w, norm1_b, qkv_w, qkv_b, rpb, proj_w, proj_b)
    x = x + _moe_part(x, norm2_w, norm2_b, gate_w, w1, b1, w2, b2)
    return x

if __name__ == "__main__":
    import jax
    _d = setup_inputs()
    print(jax.jit(kernel)(*tuple(_d.values())))

</pallas_src>

<mosaic_0001>
#map = affine_map<(d0, d1) -> (0, 0)>
module attributes {stable_mosaic.version = 14 : i64} {
  func.func @scatter_kernel(%arg0: i32, %arg1: i32, %arg2: memref<13824x256xf32, #tpu.memory_space<hbm>>, %arg3: memref<2x13824xi32, #tpu.memory_space<hbm>>, %arg4: memref<35840x256xf32, #tpu.memory_space<hbm>>) attributes {dimension_semantics = [#tpu.dimension_semantics<core_parallel>, #tpu.dimension_semantics<subcore_parallel>], iteration_bounds = array<i64: 2, 16>, scalar_prefetch = 0 : i64, scratch_operands = 0 : i64, tpu.core_type = #tpu.core_type<sc_vector_subcore>, window_params = [{transform_indices = #map}, {transform_indices = #map}, {transform_indices = #map}]} {
    %mul3A = arith.constant 1 : i32
    %mul3A_0 = arith.muli %arg1, %mul3A : i32
    %add3A = arith.constant 0 : i32
    %add3A_1 = arith.addi %add3A, %mul3A_0 : i32
    %mul3A_2 = arith.constant 16 : i32
    %mul3A_3 = arith.muli %arg0, %mul3A_2 : i32
    %add3A_4 = arith.addi %add3A_1, %mul3A_3 : i32
    %lt3A = arith.constant 12 : i32
    %lt3A_5 = arith.cmpi slt, %add3A_4, %lt3A : i32
    %jit3A = arith.constant 4 : i32
    %jit3A_6 = arith.constant 3 : i32
    %select_n3A = arith.select %lt3A_5, %jit3A, %jit3A_6 : i32
    %lt3A_7 = arith.constant 12 : i32
    %lt3A_8 = arith.cmpi slt, %add3A_4, %lt3A_7 : i32
    %mul3A_9 = arith.muli %add3A_4, %select_n3A : i32
    %mul3A_10 = arith.constant 3 : i32
    %mul3A_11 = arith.muli %add3A_4, %mul3A_10 : i32
    %add3A_12 = arith.constant 12 : i32
    %add3A_13 = arith.addi %mul3A_11, %add3A_12 : i32
    %select_n3A_14 = arith.select %lt3A_8, %mul3A_9, %add3A_13 : i32
    %mul3A_15 = arith.constant 2 : i32
    %mul3A_16 = arith.muli %mul3A_15, %select_n3A : i32
    "tpu.region"() ({
      %run_scoped3A = memref.alloca() : memref<2x128x256xf32, #tpu.memory_space<vmem>>
      %run_scoped3A_17 = tpu.sem_alloc : memref<2x!tpu.dma_semaphore, #tpu.memory_space<semaphore_mem>>
      %run_scoped3A_18 = memref.alloca() : memref<2x1x128xi32, #tpu.memory_space<vmem>>
      %run_scoped3A_19 = tpu.sem_alloc : memref<2x!tpu.dma_semaphore, #tpu.memory_space<semaphore_mem>>
      %gt3A = arith.constant 0 : i32
      %gt3A_20 = arith.cmpi sgt, %mul3A_16, %gt3A : i32
      %convert_element_type3A = arith.extui %gt3A_20 : i1 to i32
      %cond3A = arith.constant 0 : i32
      %cond3A_21 = arith.cmpi ne, %convert_element_type3A, %cond3A : i32
      scf.if %cond3A_21 {
        %mul3A_22 = arith.constant 2 : i32
        %mul3A_23 = arith.muli %mul3A_22, %select_n3A : i32
        %sub3A = arith.constant 1 : i32
        %sub3A_24 = arith.subi %mul3A_23, %sub3A : i32
        %eq3A = arith.constant 0 : i32
        %eq3A_25 = arith.cmpi eq, %sub3A_24, %eq3A : i32
        %add3A_26 = arith.constant 0 : i32
        %add3A_27 = arith.addi %add3A_26, %select_n3A_14 : i32
        %select_n3A_28 = arith.constant true
        %select_n3A_29 = arith.constant 0 : i32
        %select_n3A_30 = arith.constant -1 : i32
        %select_n3A_31 = arith.select %select_n3A_28, %select_n3A_30, %select_n3A_29 : i32
        %eq3A_32 = arith.constant -1 : i32
        %eq3A_33 = arith.cmpi eq, %select_n3A_31, %eq3A_32 : i32
        %sub3A_34 = arith.constant 1 : i32
        %sub3A_35 = arith.subi %select_n3A, %sub3A_34 : i32
        %select_n3A_36 = arith.select %eq3A_33, %sub3A_35, %select_n3A_31 : i32
        %select_n3A_37 = arith.constant 0 : i32
        %select_n3A_38 = arith.constant -1 : i32
        %select_n3A_39 = arith.select %eq3A_33, %select_n3A_38, %select_n3A_37 : i32
        %eq3A_40 = arith.constant -1 : i32
        %eq3A_41 = arith.cmpi eq, %select_n3A_39, %eq3A_40 : i32
        %select_n3A_42 = arith.constant 1 : i32
        %select_n3A_43 = arith.select %eq3A_41, %select_n3A_42, %select_n3A_39 : i32
        %add3A_44 = arith.constant 0 : i32
        %add3A_45 = arith.addi %select_n3A_43, %add3A_44 : i32
        %add3A_46 = arith.addi %select_n3A_36, %select_n3A_14 : i32
        %select_n3A_47 = arith.constant true
        %select_n3A_48 = arith.constant 0 : i32
        %select_n3A_49 = arith.constant 1 : i32
        %select_n3A_50 = arith.select %select_n3A_47, %select_n3A_49, %select_n3A_48 : i32
        %eq3A_51 = arith.cmpi eq, %select_n3A_50, %select_n3A : i32
        %select_n3A_52 = arith.constant 0 : i32
        %select_n3A_53 = arith.select %eq3A_51, %select_n3A_52, %select_n3A_50 : i32
        %select_n3A_54 = arith.constant 0 : i32
        %select_n3A_55 = arith.constant 1 : i32
        %select_n3A_56 = arith.select %eq3A_51, %select_n3A_55, %select_n3A_54 : i32
        %eq3A_57 = arith.constant 2 : i32
        %eq3A_58 = arith.cmpi eq, %select_n3A_56, %eq3A_57 : i32
        %select_n3A_59 = arith.constant 0 : i32
        %select_n3A_60 = arith.select %eq3A_58, %select_n3A_59, %select_n3A_56 : i32
        %add3A_61 = arith.constant 0 : i32
        %add3A_62 = arith.addi %select_n3A_60, %add3A_61 : i32
        %add3A_63 = arith.addi %select_n3A_53, %select_n3A_14 : i32
        %add3A_64 = arith.constant 1 : i32
        %add3A_65 = arith.addi %select_n3A_53, %add3A_64 : i32
        %select_n3A_66 = arith.constant true
        %select_n3A_67 = arith.select %select_n3A_66, %add3A_65, %select_n3A_53 : i32
        %eq3A_68 = arith.cmpi eq, %select_n3A_67, %select_n3A : i32
        %select_n3A_69 = arith.constant 0 : i32
        %select_n3A_70 = arith.select %eq3A_68, %select_n3A_69, %select_n3A_67 : i32
        %add3A_71 = arith.constant 1 : i32
        %add3A_72 = arith.addi %select_n3A_60, %add3A_71 : i32
        %select_n3A_73 = arith.select %eq3A_68, %add3A_72, %select_n3A_60 : i32
        %eq3A_74 = arith.constant 2 : i32
        %eq3A_75 = arith.cmpi eq, %select_n3A_73, %eq3A_74 : i32
        %select_n3A_76 = arith.constant 0 : i32
        %select_n3A_77 = arith.select %eq3A_75, %select_n3A_76, %select_n3A_73 : i32
        %add3A_78 = arith.constant 0 : i32
        %add3A_79 = arith.addi %select_n3A_77, %add3A_78 : i32
        %add3A_80 = arith.addi %select_n3A_70, %select_n3A_14 : i32
        "tpu.trace_start"() <{level = 10 : i32, message = "ep_initialize_0"}> : () -> ()
        %rem3A = arith.constant 0 : i32
        %rem3A_81 = arith.constant 2 : i32
        %rem3A_82 = arith.remui %rem3A, %rem3A_81 : i32
        %mul3A_83 = arith.constant 128 : i32
        %mul3A_84 = arith.muli %mul3A_83, %add3A_27 : i32
        %dma_start3A = arith.constant 0 : i32
        %dma_start3A_85 = arith.constant 0 : i32
        %dma_start3A_86 = tpu.memref_slice %run_scoped3A[%rem3A_82, %dma_start3A, %dma_start3A_85] : memref<2x128x256xf32, #tpu.memory_space<vmem>> -> memref<1x128x256xf32, #tpu.memory_space<vmem>>
        %dma_start3A_87 = tpu.memref_squeeze %dma_start3A_86 : memref<1x128x256xf32, #tpu.memory_space<vmem>> -> memref<128x256xf32, #tpu.memory_space<vmem>>
        %dma_start3A_88 = arith.constant 0 : i32
        %dma_start3A_89 = tpu.memref_slice %arg2[%mul3A_84, %dma_start3A_88] : memref<13824x256xf32, #tpu.memory_space<hbm>> -> memref<128x256xf32, #tpu.memory_space<hbm>>
        %dma_start3A_90 = tpu.memref_slice %run_scoped3A_17[%rem3A_82] : memref<2x!tpu.dma_semaphore, #tpu.memory_space<semaphore_mem>> -> memref<1x!tpu.dma_semaphore, #tpu.memory_space<semaphore_mem>>
        %dma_start3A_91 = tpu.memref_squeeze %dma_start3A_90 : memref<1x!tpu.dma_semaphore, #tpu.memory_space<semaphore_mem>> -> memref<!tpu.dma_semaphore, #tpu.memory_space<semaphore_mem>>
        %dma_start3A_92 = arith.constant 0 : i32
        %dma_start3A_93 = arith.constant 0 : i32
        %dma_start3A_94 = tpu.memref_slice %run_scoped3A[%rem3A_82, %dma_start3A_92, %dma_start3A_93] : memref<2x128x256xf32, #tpu.memory_space<vmem>> -> memref<1x128x256xf32, #tpu.memory_space<vmem>>
        %dma_start3A_95 = tpu.memref_squeeze %dma_start3A_94 : memref<1x128x256xf32, #tpu.memory_space<vmem>> -> memref<128x256xf32, #tpu.memory_space<vmem>>
        %dma_start3A_96 = arith.constant 0 : i32
        %dma_start3A_97 = tpu.memref_slice %arg2[%mul3A_84, %dma_start3A_96] : memref<13824x256xf32, #tpu.memory_space<hbm>> -> memref<128x256xf32, #tpu.memory_space<hbm>>
        tpu.enqueue_dma source(%dma_start3A_97 : memref<128x256xf32, #tpu.memory_space<hbm>>) target(%dma_start3A_95 : memref<128x256xf32, #tpu.memory_space<vmem>>) target_semaphore(%dma_start3A_91 : memref<!tpu.dma_semaphore, #tpu.memory_space<semaphore_mem>>)
        %add3A_98 = arith.constant 0 : i32
        %add3A_99 = arith.constant 1 : i32
        %add3A_100 = arith.addi %add3A_98, %add3A_99 : i32
        %select_n3A_101 = arith.constant true
        %select_n3A_102 = arith.constant 0 : i32
        %select_n3A_103 = arith.select %select_n3A_101, %add3A_100, %select_n3A_102 : i32
        %rem3A_104 = arith.constant 0 : i32
        %rem3A_105 = arith.constant 2 : i32
        %rem3A_106 = arith.remui %rem3A_104, %rem3A_105 : i32
        %mul3A_107 = arith.constant 128 : i32
        %mul3A_108 = arith.muli %mul3A_107, %add3A_27 : i32
        %dma_start3A_109 = arith.constant 0 : i32
        %dma_start3A_110 = arith.constant 0 : i32
        %dma_start3A_111 = tpu.memref_slice %run_scoped3A_18[%rem3A_106, %dma_start3A_109, %dma_start3A_110] : memref<2x1x128xi32, #tpu.memory_space<vmem>> -> memref<1x1x128xi32, #tpu.memory_space<vmem>>
        %dma_start3A_112 = tpu.memref_squeeze %dma_start3A_111 : memref<1x1x128xi32, #tpu.memory_space<vmem>> -> memref<1x128xi32, #tpu.memory_space<vmem>>
        %dma_start3A_113 = arith.constant 0 : i32
        %dma_start3A_114 = tpu.memref_slice %arg3[%dma_start3A_113, %mul3A_108] : memref<2x13824xi32, #tpu.memory_space<hbm>> -> memref<1x128xi32, #tpu.memory_space<hbm>>
        %dma_start3A_115 = tpu.memref_slice %run_scoped3A_19[%rem3A_106] : memref<2x!tpu.dma_semaphore, #tpu.memory_space<semaphore_mem>> -> memref<1x!tpu.dma_semaphore, #tpu.memory_space<semaphore_mem>>
        %dma_start3A_116 = tpu.memref_squeeze %dma_start3A_115 : memref<1x!tpu.dma_semaphore, #tpu.memory_space<semaphore_mem>> -> memref<!tpu.dma_semaphore, #tpu.memory_space<semaphore_mem>>
        %dma_start3A_117 = arith.constant 0 : i32
        %dma_start3A_118 = arith.constant 0 : i32
        %dma_start3A_119 = tpu.memref_slice %run_scoped3A_18[%rem3A_106, %dma_start3A_117, %dma_start3A_118] : memref<2x1x128xi32, #tpu.memory_space<vmem>> -> memref<1x1x128xi32, #tpu.memory_space<vmem>>
        %dma_start3A_120 = tpu.memref_squeeze %dma_start3A_119 : memref<1x1x128xi32, #tpu.memory_space<vmem>> -> memref<1x128xi32, #tpu.memory_space<vmem>>
        %dma_start3A_121 = arith.constant 0 : i32
        %dma_start3A_122 = tpu.memref_slice %arg3[%dma_start3A_121, %mul3A_108] : memref<2x13824xi32, #tpu.memory_space<hbm>> -> memref<1x128xi32, #tpu.memory_space<hbm>>
        tpu.enqueue_dma source(%dma_start3A_122 : memref<1x128xi32, #tpu.memory_space<hbm>>) target(%dma_start3A_120 : memref<1x128xi32, #tpu.memory_space<vmem>>) target_semaphore(%dma_start3A_116 : memref<!tpu.dma_semaphore, #tpu.memory_space<semaphore_mem>>)
        %add3A_123 = arith.constant 0 : i32
        %add3A_124 = arith.constant 1 : i32
        %add3A_125 = arith.addi %add3A_123, %add3A_124 : i32
        %select_n3A_126 = arith.constant true
        %select_n3A_127 = arith.constant 0 : i32
        %select_n3A_128 = arith.select %select_n3A_126, %add3A_125, %select_n3A_127 : i32
        %while3A = arith.constant 0 : i32
        %while3A_129 = arith.constant 0 : i32
        %while3A_130 = arith.constant 0 : i32
        %while3A_131 = arith.constant 0 : i32
        %while3A_132 = arith.constant 0 : i32
        "tpu.trace_stop"() : () -> ()
        %while3A_133 = arith.subi %mul3A_16, %while3A : i32
        %while3A_134 = arith.addi %while3A, %while3A_133 : i32
        %while3A_135 = arith.constant 1 : i32
        %while3A_136 = arith.divsi %while3A_133, %while3A_135 : i32
        %while3A_137 = arith.muli %while3A_136, %while3A_135 : i32
        %while3A_138 = arith.addi %while3A, %while3A_137 : i32
        %while3A_139 = arith.constant 1 : i32
        %while3A_140:6 = scf.for %while3A_230 = %while3A to %while3A_138 step %while3A_139 iter_args(%while3A_231 = %select_n3A_103, %while3A_232 = %while3A_129, %while3A_233 = %select_n3A_128, %while3A_234 = %while3A_130, %while3A_235 = %while3A_131, %while3A_236 = %while3A_132) -> (i32, i32, i32, i32, i32, i32)  : i32 {
          %mul3A_237 = arith.constant 2 : i32
          %mul3A_238 = arith.muli %mul3A_237, %select_n3A : i32
          %eq3A_239 = arith.constant 0 : i32
          %eq3A_240 = arith.cmpi eq, %while3A_230, %eq3A_239 : i32
          %sub3A_241 = arith.constant 1 : i32
          %sub3A_242 = arith.subi %mul3A_238, %sub3A_241 : i32
          %eq3A_243 = arith.cmpi eq, %while3A_230, %sub3A_242 : i32
          %add3A_244 = arith.constant 0 : i32
          %add3A_245 = arith.addi %while3A_235, %add3A_244 : i32
          %add3A_246 = arith.addi %while3A_236, %select_n3A_14 : i32
          %sub3A_247 = arith.constant 1 : i32
          %sub3A_248 = arith.subi %while3A_236, %sub3A_247 : i32
          %select_n3A_249 = arith.constant true
          %select_n3A_250 = arith.select %select_n3A_249, %sub3A_248, %while3A_236 : i32
          %eq3A_251 = arith.constant -1 : i32
          %eq3A_252 = arith.cmpi eq, %select_n3A_250, %eq3A_251 : i32
          %sub3A_253 = arith.constant 1 : i32
          %sub3A_254 = arith.subi %select_n3A, %sub3A_253 : i32
          %select_n3A_255 = arith.select %eq3A_252, %sub3A_254, %select_n3A_250 : i32
          %sub3A_256 = arith.constant 1 : i32
          %sub3A_257 = arith.subi %while3A_235, %sub3A_256 : i32
          %select_n3A_258 = arith.select %eq3A_252, %sub3A_257, %while3A_235 : i32
          %eq3A_259 = arith.constant -1 : i32
          %eq3A_260 = arith.cmpi eq, %select_n3A_258, %eq3A_259 : i32
          %select_n3A_261 = arith.constant 1 : i32
          %select_n3A_262 = arith.select %eq3A_260, %select_n3A_261, %select_n3A_258 : i32
          %add3A_263 = arith.constant 0 : i32
          %add3A_264 = arith.addi %select_n3A_262, %add3A_263 : i32
          %add3A_265 = arith.addi %select_n3A_255, %select_n3A_14 : i32
          %add3A_266 = arith.constant 1 : i32
          %add3A_267 = arith.addi %while3A_236, %add3A_266 : i32
          %select_n3A_268 = arith.constant true
          %select_n3A_269 = arith.select %select_n3A_268, %add3A_267, %while3A_236 : i32
          %eq3A_270 = arith.cmpi eq, %select_n3A_269, %select_n3A : i32
          %select_n3A_271 = arith.constant 0 : i32
          %select_n3A_272 = arith.select %eq3A_270, %select_n3A_271, %select_n3A_269 : i32
          %add3A_273 = arith.constant 1 : i32
          %add3A_274 = arith.addi %while3A_235, %add3A_273 : i32
          %select_n3A_275 = arith.select %eq3A_270, %add3A_274, %while3A_235 : i32
          %eq3A_276 = arith.constant 2 : i32
          %eq3A_277 = arith.cmpi eq, %select_n3A_275, %eq3A_276 : i32
          %select_n3A_278 = arith.constant 0 : i32
          %select_n3A_279 = arith.select %eq3A_277, %select_n3A_278, %select_n3A_275 : i32
          %add3A_280 = arith.constant 0 : i32
          %add3A_281 = arith.addi %select_n3A_279, %add3A_280 : i32
          %add3A_282 = arith.addi %select_n3A_272, %select_n3A_14 : i32
          %add3A_283 = arith.constant 1 : i32
          %add3A_284 = arith.addi %select_n3A_272, %add3A_283 : i32
          %select_n3A_285 = arith.constant true
          %select_n3A_286 = arith.select %select_n3A_285, %add3A_284, %select_n3A_272 : i32
          %eq3A_287 = arith.cmpi eq, %select_n3A_286, %select_n3A : i32
          %select_n3A_288 = arith.constant 0 : i32
          %select_n3A_289 = arith.select %eq3A_287, %select_n3A_288, %select_n3A_286 : i32
          %add3A_290 = arith.constant 1 : i32
          %add3A_291 = arith.addi %select_n3A_279, %add3A_290 : i32
          %select_n3A_292 = arith.select %eq3A_287, %add3A_291, %select_n3A_279 : i32
          %eq3A_293 = arith.constant 2 : i32
          %eq3A_294 = arith.cmpi eq, %select_n3A_292, %eq3A_293 : i32
          %select_n3A_295 = arith.constant 0 : i32
          %select_n3A_296 = arith.select %eq3A_294, %select_n3A_295, %select_n3A_292 : i32
          %add3A_297 = arith.constant 0 : i32
          %add3A_298 = arith.addi %select_n3A_296, %add3A_297 : i32
          %add3A_299 = arith.addi %select_n3A_289, %select_n3A_14 : i32
          %ne3A = arith.cmpi ne, %add3A_246, %add3A_282 : i32
          %or3A = arith.constant false
          %or3A_300 = arith.ori %or3A, %ne3A : i1
          %or3A_301 = arith.constant false
          %or3A_302 = arith.ori %or3A_300, %or3A_301 : i1
          %sub3A_303 = arith.constant 2 : i32
          %sub3A_304 = arith.subi %mul3A_238, %sub3A_303 : i32
          %add3A_305 = arith.constant 1 : i32
          %add3A_306 = arith.addi %sub3A_304, %add3A_305 : i32
          %ge3A = arith.cmpi sge, %while3A_230, %add3A_306 : i32
          %not3A = arith.constant true
          %not3A_307 = arith.xori %ge3A, %not3A : i1
          %and3A = arith.andi %or3A_302, %not3A_307 : i1
          %convert_element_type3A_308 = arith.extui %and3A : i1 to i32
          %cond3A_309 = arith.constant 0 : i32
          %cond3A_310 = arith.cmpi ne, %convert_element_type3A_308, %cond3A_309 : i32
          scf.if %cond3A_310 {
            "tpu.trace_start"() <{level = 10 : i32, message = "ep_copy_in"}> : () -> ()
            %rem3A_440 = arith.constant 2 : i32
            %rem3A_441 = arith.remui %while3A_231, %rem3A_440 : i32
            %mul3A_442 = arith.constant 128 : i32
            %mul3A_443 = arith.muli %mul3A_442, %add3A_282 : i32
            %dma_start3A_444 = arith.constant 0 : i32
            %dma_start3A_445 = arith.constant 0 : i32
            %dma_start3A_446 = tpu.memref_slice %run_scoped3A[%rem3A_441, %dma_start3A_444, %dma_start3A_445] : memref<2x128x256xf32, #tpu.memory_space<vmem>> -> memref<1x128x256xf32, #tpu.memory_space<vmem>>
            %dma_start3A_447 = tpu.memref_squeeze %dma_start3A_446 : memref<1x128x256xf32, #tpu.memory_space<vmem>> -> memref<128x256xf32, #tpu.memory_space<vmem>>
            %dma_start3A_448 = arith.constant 0 : i32
            %dma_start3A_449 = tpu.memref_slice %arg2[%mul3A_443, %dma_start3A_448] : memref<13824x256xf32, #tpu.memory_space<hbm>> -> memref<128x256xf32, #tpu.memory_space<hbm>>
            %dma_start3A_450 = tpu.memref_slice %run_scoped3A_17[%rem3A_441] : memref<2x!tpu.dma_semaphore, #tpu.memory_space<semaphore_mem>> -> memref<1x!tpu.dma_semaphore, #tpu.memory_space<semaphore_mem>>
            %dma_start3A_451 = tpu.memref_squeeze %dma_start3A_450 : memref<1x!tpu.dma_semaphore, #tpu.memory_space<semaphore_mem>> -> memref<!tpu.dma_semaphore, #tpu.memory_space<semaphore_mem>>
            %dma_start3A_452 = arith.constant 0 : i32
            %dma_start3A_453 = arith.constant 0 : i32
            %dma_start3A_454 = tpu.memref_slice %run_scoped3A[%rem3A_441, %dma_start3A_452, %dma_start3A_453] : memref<2x128x256xf32, #tpu.memory_space<vmem>> -> memref<1x128x256xf32, #tpu.memory_space<vmem>>
            %dma_start3A_455 = tpu.memref_squeeze %dma_start3A_454 : memref<1x128x256xf32, #tpu.memory_space<vmem>> -> memref<128x256xf32, #tpu.memory_space<vmem>>
            %dma_start3A_456 = arith.constant 0 : i32
            %dma_start3A_457 = tpu.memref_slice %arg2[%mul3A_443, %dma_start3A_456] : memref<13824x256xf32, #tpu.memory_space<hbm>> -> memref<128x256xf32, #tpu.memory_space<hbm>>
            tpu.enqueue_dma source(%dma_start3A_457 : memref<128x256xf32, #tpu.memory_space<hbm>>) target(%dma_start3A_455 : memref<128x256xf32, #tpu.memory_space<vmem>>) target_semaphore(%dma_start3A_451 : memref<!tpu.dma_semaphore, #tpu.memory_space<semaphore_mem>>)
            "tpu.trace_stop"() : () -> ()
          } else {
          }
          %and3A_311 = arith.constant true
          %and3A_312 = arith.andi %and3A, %and3A_311 : i1
          %add3A_313 = arith.constant 1 : i32
          %add3A_314 = arith.addi %while3A_231, %add3A_313 : i32
          %select_n3A_315 = arith.select %and3A_312, %add3A_314, %while3A_231 : i32
          %ne3A_316 = arith.cmpi ne, %add3A_245, %add3A_281 : i32
          %ne3A_317 = arith.cmpi ne, %add3A_246, %add3A_282 : i32
          %or3A_318 = arith.constant false
          %or3A_319 = arith.ori %or3A_318, %ne3A_316 : i1
          %or3A_320 = arith.ori %or3A_319, %ne3A_317 : i1
          %sub3A_321 = arith.constant 2 : i32
          %sub3A_322 = arith.subi %mul3A_238, %sub3A_321 : i32
          %add3A_323 = arith.constant 1 : i32
          %add3A_324 = arith.addi %sub3A_322, %add3A_323 : i32
          %ge3A_325 = arith.cmpi sge, %while3A_230, %add3A_324 : i32
          %not3A_326 = arith.constant true
          %not3A_327 = arith.xori %ge3A_325, %not3A_326 : i1
          %and3A_328 = arith.andi %or3A_320, %not3A_327 : i1
          %convert_element_type3A_329 = arith.extui %and3A_328 : i1 to i32
          %cond3A_330 = arith.constant 0 : i32
          %cond3A_331 = arith.cmpi ne, %convert_element_type3A_329, %cond3A_330 : i32
          scf.if %cond3A_331 {
            "tpu.trace_start"() <{level = 10 : i32, message = "ep_copy_in"}> : () -> ()
            %rem3A_440 = arith.constant 2 : i32
            %rem3A_441 = arith.remui %while3A_233, %rem3A_440 : i32
            %mul3A_442 = arith.constant 1 : i32
            %mul3A_443 = arith.muli %mul3A_442, %add3A_281 : i32
            %mul3A_444 = arith.constant 128 : i32
            %mul3A_445 = arith.muli %mul3A_444, %add3A_282 : i32
            %dma_start3A_446 = arith.constant 0 : i32
            %dma_start3A_447 = arith.constant 0 : i32
            %dma_start3A_448 = tpu.memref_slice %run_scoped3A_18[%rem3A_441, %dma_start3A_446, %dma_start3A_447] : memref<2x1x128xi32, #tpu.memory_space<vmem>> -> memref<1x1x128xi32, #tpu.memory_space<vmem>>
            %dma_start3A_449 = tpu.memref_squeeze %dma_start3A_448 : memref<1x1x128xi32, #tpu.memory_space<vmem>> -> memref<1x128xi32, #tpu.memory_space<vmem>>
            %dma_start3A_450 = tpu.memref_slice %arg3[%mul3A_443, %mul3A_445] : memref<2x13824xi32, #tpu.memory_space<hbm>> -> memref<1x128xi32, #tpu.memory_space<hbm>>
            %dma_start3A_451 = tpu.memref_slice %run_scoped3A_19[%rem3A_441] : memref<2x!tpu.dma_semaphore, #tpu.memory_space<semaphore_mem>> -> memref<1x!tpu.dma_semaphore, #tpu.memory_space<semaphore_mem>>
            %dma_start3A_452 = tpu.memref_squeeze %dma_start3A_451 : memref<1x!tpu.dma_semaphore, #tpu.memory_space<semaphore_mem>> -> memref<!tpu.dma_semaphore, #tpu.memory_space<semaphore_mem>>
            %dma_start3A_453 = arith.constant 0 : i32
            %dma_start3A_454 = arith.constant 0 : i32
            %dma_start3A_455 = tpu.memref_slice %run_scoped3A_18[%rem3A_441, %dma_start3A_453, %dma_start3A_454] : memref<2x1x128xi32, #tpu.memory_space<vmem>> -> memref<1x1x128xi32, #tpu.memory_space<vmem>>
            %dma_start3A_456 = tpu.memref_squeeze %dma_start3A_455 : memref<1x1x128xi32, #tpu.memory_space<vmem>> -> memref<1x128xi32, #tpu.memory_space<vmem>>
            %dma_start3A_457 = tpu.memref_slice %arg3[%mul3A_443, %mul3A_445] : memref<2x13824xi32, #tpu.memory_space<hbm>> -> memref<1x128xi32, #tpu.memory_space<hbm>>
            tpu.enqueue_dma source(%dma_start3A_457 : memref<1x128xi32, #tpu.memory_space<hbm>>) target(%dma_start3A_456 : memref<1x128xi32, #tpu.memory_space<vmem>>) target_semaphore(%dma_start3A_452 : memref<!tpu.dma_semaphore, #tpu.memory_space<semaphore_mem>>)
            "tpu.trace_stop"() : () -> ()
          } else {
          }
          %and3A_332 = arith.constant true
          %and3A_333 = arith.andi %and3A_328, %and3A_332 : i1
          %add3A_334 = arith.constant 1 : i32
          %add3A_335 = arith.addi %while3A_233, %add3A_334 : i32
          %select_n3A_336 = arith.select %and3A_333, %add3A_335, %while3A_233 : i32
          %ne3A_337 = arith.cmpi ne, %add3A_246, %add3A_265 : i32
          %or3A_338 = arith.constant false
          %or3A_339 = arith.ori %or3A_338, %ne3A_337 : i1
          %or3A_340 = arith.constant false
          %or3A_341 = arith.ori %or3A_339, %or3A_340 : i1
          %or3A_342 = arith.ori %or3A_341, %eq3A_240 : i1
          %convert_element_type3A_343 = arith.extui %or3A_342 : i1 to i32
          %cond3A_344 = arith.constant 0 : i32
          %cond3A_345 = arith.cmpi ne, %convert_element_type3A_343, %cond3A_344 : i32
          scf.if %cond3A_345 {
            "tpu.trace_start"() <{level = 10 : i32, message = "ep_wait_in"}> : () -> ()
            %mul3A_440 = arith.constant 128 : i32
            %mul3A_441 = arith.muli %mul3A_440, %add3A_246 : i32
            %rem3A_442 = arith.constant 2 : i32
            %rem3A_443 = arith.remui %while3A_232, %rem3A_442 : i32
            %dma_wait3A = arith.constant 0 : i32
            %dma_wait3A_444 = arith.constant 0 : i32
            %dma_wait3A_445 = tpu.memref_slice %run_scoped3A[%rem3A_443, %dma_wait3A, %dma_wait3A_444] : memref<2x128x256xf32, #tpu.memory_space<vmem>> -> memref<1x128x256xf32, #tpu.memory_space<vmem>>
            %dma_wait3A_446 = tpu.memref_squeeze %dma_wait3A_445 : memref<1x128x256xf32, #tpu.memory_space<vmem>> -> memref<128x256xf32, #tpu.memory_space<vmem>>
            %dma_wait3A_447 = arith.constant 0 : i32
            %dma_wait3A_448 = tpu.memref_slice %arg2[%mul3A_441, %dma_wait3A_447] : memref<13824x256xf32, #tpu.memory_space<hbm>> -> memref<128x256xf32, #tpu.memory_space<hbm>>
            %dma_wait3A_449 = tpu.memref_slice %run_scoped3A_17[%rem3A_443] : memref<2x!tpu.dma_semaphore, #tpu.memory_space<semaphore_mem>> -> memref<1x!tpu.dma_semaphore, #tpu.memory_space<semaphore_mem>>
            %dma_wait3A_450 = tpu.memref_squeeze %dma_wait3A_449 : memref<1x!tpu.dma_semaphore, #tpu.memory_space<semaphore_mem>> -> memref<!tpu.dma_semaphore, #tpu.memory_space<semaphore_mem>>
            %dma_wait3A_451 = arith.constant 0 : i32
            %dma_wait3A_452 = arith.constant 0 : i32
            %dma_wait3A_453 = tpu.memref_slice %run_scoped3A[%rem3A_443, %dma_wait3A_451, %dma_wait3A_452] : memref<2x128x256xf32, #tpu.memory_space<vmem>> -> memref<1x128x256xf32, #tpu.memory_space<vmem>>
            %dma_wait3A_454 = tpu.memref_squeeze %dma_wait3A_453 : memref<1x128x256xf32, #tpu.memory_space<vmem>> -> memref<128x256xf32, #tpu.memory_space<vmem>>
            %dma_wait3A_455 = arith.constant 0 : i32
            %dma_wait3A_456 = tpu.memref_slice %arg2[%mul3A_441, %dma_wait3A_455] : memref<13824x256xf32, #tpu.memory_space<hbm>> -> memref<128x256xf32, #tpu.memory_space<hbm>>
            tpu.wait_dma2 semaphore(%dma_wait3A_450 : memref<!tpu.dma_semaphore, #tpu.memory_space<semaphore_mem>>) src(%dma_wait3A_456 : memref<128x256xf32, #tpu.memory_space<hbm>>) dst(%dma_wait3A_454 : memref<128x256xf32, #tpu.memory_space<vmem>>)
            "tpu.trace_stop"() : () -> ()
          } else {
          }
          %ne3A_346 = arith.cmpi ne, %add3A_245, %add3A_264 : i32
          %ne3A_347 = arith.cmpi ne, %add3A_246, %add3A_265 : i32
          %or3A_348 = arith.constant false
          %or3A_349 = arith.ori %or3A_348, %ne3A_346 : i1
          %or3A_350 = arith.ori %or3A_349, %ne3A_347 : i1
          %or3A_351 = arith.ori %or3A_350, %eq3A_240 : i1
          %convert_element_type3A_352 = arith.extui %or3A_351 : i1 to i32
          %cond3A_353 = arith.constant 0 : i32
          %cond3A_354 = arith.cmpi ne, %convert_element_type3A_352, %cond3A_353 : i32
          scf.if %cond3A_354 {
            "tpu.trace_start"() <{level = 10 : i32, message = "ep_wait_in"}> : () -> ()
            %mul3A_440 = arith.constant 1 : i32
            %mul3A_441 = arith.muli %mul3A_440, %add3A_245 : i32
            %mul3A_442 = arith.constant 128 : i32
            %mul3A_443 = arith.muli %mul3A_442, %add3A_246 : i32
            %rem3A_444 = arith.constant 2 : i32
            %rem3A_445 = arith.remui %while3A_234, %rem3A_444 : i32
            %dma_wait3A = arith.constant 0 : i32
            %dma_wait3A_446 = arith.constant 0 : i32
            %dma_wait3A_447 = tpu.memref_slice %run_scoped3A_18[%rem3A_445, %dma_wait3A, %dma_wait3A_446] : memref<2x1x128xi32, #tpu.memory_space<vmem>> -> memref<1x1x128xi32, #tpu.memory_space<vmem>>
            %dma_wait3A_448 = tpu.memref_squeeze %dma_wait3A_447 : memref<1x1x128xi32, #tpu.memory_space<vmem>> -> memref<1x128xi32, #tpu.memory_space<vmem>>
            %dma_wait3A_449 = tpu.memref_slice %arg3[%mul3A_441, %mul3A_443] : memref<2x13824xi32, #tpu.memory_space<hbm>> -> memref<1x128xi32, #tpu.memory_space<hbm>>
            %dma_wait3A_450 = tpu.memref_slice %run_scoped3A_19[%rem3A_445] : memref<2x!tpu.dma_semaphore, #tpu.memory_space<semaphore_mem>> -> memref<1x!tpu.dma_semaphore, #tpu.memory_space<semaphore_mem>>
            %dma_wait3A_451 = tpu.memref_squeeze %dma_wait3A_450 : memref<1x!tpu.dma_semaphore, #tpu.memory_space<semaphore_mem>> -> memref<!tpu.dma_semaphore, #tpu.memory_space<semaphore_mem>>
            %dma_wait3A_452 = arith.constant 0 : i32
            %dma_wait3A_453 = arith.constant 0 : i32
            %dma_wait3A_454 = tpu.memref_slice %run_scoped3A_18[%rem3A_445, %dma_wait3A_452, %dma_wait3A_453] : memref<2x1x128xi32, #tpu.memory_space<vmem>> -> memref<1x1x128xi32, #tpu.memory_space<vmem>>
            %dma_wait3A_455 = tpu.memref_squeeze %dma_wait3A_454 : memref<1x1x128xi32, #tpu.memory_space<vmem>> -> memref<1x128xi32, #tpu.memory_space<vmem>>
            %dma_wait3A_456 = tpu.memref_slice %arg3[%mul3A_441, %mul3A_443] : memref<2x13824xi32, #tpu.memory_space<hbm>> -> memref<1x128xi32, #tpu.memory_space<hbm>>
            tpu.wait_dma2 semaphore(%dma_wait3A_451 : memref<!tpu.dma_semaphore, #tpu.memory_space<semaphore_mem>>) src(%dma_wait3A_456 : memref<1x128xi32, #tpu.memory_space<hbm>>) dst(%dma_wait3A_455 : memref<1x128xi32, #tpu.memory_space<vmem>>)
            "tpu.trace_stop"() : () -> ()
          } else {
          }
          %rem3A_355 = arith.constant 2 : i32
          %rem3A_356 = arith.remui %while3A_232, %rem3A_355 : i32
          %rem3A_357 = arith.constant 2 : i32
          %rem3A_358 = arith.remui %while3A_234, %rem3A_357 : i32
          %run_scoped3A_359 = arith.constant 0 : i32
          "tpu.trace_start"() <{level = 10 : i32, message = "ep_run_kernel"}> : () -> ()
          "tpu.region"() ({
            %run_scoped3A_440 = tpu.sem_alloc : memref<!tpu.dma_semaphore, #tpu.memory_space<semaphore_mem>>
            %dma_start3A_441 = arith.constant 0 : i32
            %dma_start3A_442 = arith.constant 0 : i32
            %dma_start3A_443 = tpu.memref_slice %run_scoped3A[%rem3A_356, %dma_start3A_441, %dma_start3A_442] : memref<2x128x256xf32, #tpu.memory_space<vmem>> -> memref<1x128x256xf32, #tpu.memory_space<vmem>>
            %dma_start3A_444 = tpu.memref_squeeze %dma_start3A_443 : memref<1x128x256xf32, #tpu.memory_space<vmem>> -> memref<128x256xf32, #tpu.memory_space<vmem>>
            %dma_start3A_445 = arith.constant 0 : i32
            %dma_start3A_446 = arith.constant 0 : i32
            %dma_start3A_447 = tpu.memref_slice %run_scoped3A_18[%rem3A_358, %dma_start3A_445, %dma_start3A_446] : memref<2x1x128xi32, #tpu.memory_space<vmem>> -> memref<1x1x128xi32, #tpu.memory_space<vmem>>
            %dma_start3A_448 = tpu.memref_squeeze %dma_start3A_447 : memref<1x1x128xi32, #tpu.memory_space<vmem>> -> memref<1x128xi32, #tpu.memory_space<vmem>>
            %dma_start3A_449 = arith.constant 0 : i32
            %dma_start3A_450 = tpu.memref_slice %dma_start3A_448[%run_scoped3A_359, %dma_start3A_449] : memref<1x128xi32, #tpu.memory_space<vmem>> -> memref<1x128xi32, #tpu.memory_space<vmem>>
            %dma_start3A_451 = tpu.memref_squeeze %dma_start3A_450 : memref<1x128xi32, #tpu.memory_space<vmem>> -> memref<128xi32, #tpu.memory_space<vmem>>
            %dma_start3A_452 = arith.constant 0 : i32
            %dma_start3A_453 = arith.constant 0 : i32
            %dma_start3A_454 = tpu.memref_slice %arg4[%dma_start3A_452, %dma_start3A_453] : memref<35840x256xf32, #tpu.memory_space<hbm>> -> memref<35840x256xf32, #tpu.memory_space<hbm>>
            tpu.enqueue_indirect_dma source(%dma_start3A_444 : memref<128x256xf32, #tpu.memory_space<vmem>>) target(%dma_start3A_454 : memref<35840x256xf32, #tpu.memory_space<hbm>>) offsets(%dma_start3A_451 : memref<128xi32, #tpu.memory_space<vmem>>) semaphore(%run_scoped3A_440 : memref<!tpu.dma_semaphore, #tpu.memory_space<semaphore_mem>>)
            %dma_wait3A = arith.constant 0 : i32
            %dma_wait3A_455 = arith.constant 0 : i32
            %dma_wait3A_456 = tpu.memref_slice %run_scoped3A[%rem3A_356, %dma_wait3A, %dma_wait3A_455] : memref<2x128x256xf32, #tpu.memory_space<vmem>> -> memref<1x128x256xf32, #tpu.memory_space<vmem>>
            %dma_wait3A_457 = tpu.memref_squeeze %dma_wait3A_456 : memref<1x128x256xf32, #tpu.memory_space<vmem>> -> memref<128x256xf32, #tpu.memory_space<vmem>>
            %dma_wait3A_458 = arith.constant 0 : i32
            %dma_wait3A_459 = arith.constant 0 : i32
            %dma_wait3A_460 = tpu.memref_slice %run_scoped3A_18[%rem3A_358, %dma_wait3A_458, %dma_wait3A_459] : memref<2x1x128xi32, #tpu.memory_space<vmem>> -> memref<1x1x128xi32, #tpu.memory_space<vmem>>
            %dma_wait3A_461 = tpu.memref_squeeze %dma_wait3A_460 : memref<1x1x128xi32, #tpu.memory_space<vmem>> -> memref<1x128xi32, #tpu.memory_space<vmem>>
            %dma_wait3A_462 = arith.constant 0 : i32
            %dma_wait3A_463 = tpu.memref_slice %dma_wait3A_461[%run_scoped3A_359, %dma_wait3A_462] : memref<1x128xi32, #tpu.memory_space<vmem>> -> memref<1x128xi32, #tpu.memory_space<vmem>>
            %dma_wait3A_464 = tpu.memref_squeeze %dma_wait3A_463 : memref<1x128xi32, #tpu.memory_space<vmem>> -> memref<128xi32, #tpu.memory_space<vmem>>
            %dma_wait3A_465 = arith.constant 0 : i32
            %dma_wait3A_466 = arith.constant 0 : i32
            %dma_wait3A_467 = tpu.memref_slice %arg4[%dma_wait3A_465, %dma_wait3A_466] : memref<35840x256xf32, #tpu.memory_space<hbm>> -> memref<35840x256xf32, #tpu.memory_space<hbm>>
            tpu.wait_indirect_dma semaphore(%run_scoped3A_440 : memref<!tpu.dma_semaphore, #tpu.memory_space<semaphore_mem>>) src(%dma_wait3A_457 : memref<128x256xf32, #tpu.memory_space<vmem>>) dst(%dma_wait3A_467 : memref<35840x256xf32, #tpu.memory_space<hbm>>)
            tpu.yield
          }) : () -> ()
          "tpu.trace_stop"() : () -> ()
          %ne3A_360 = arith.cmpi ne, %add3A_246, %add3A_282 : i32
          %or3A_361 = arith.constant false
          %or3A_362 = arith.ori %or3A_361, %ne3A_360 : i1
          %or3A_363 = arith.constant false
          %or3A_364 = arith.ori %or3A_362, %or3A_363 : i1
          %or3A_365 = arith.ori %or3A_364, %eq3A_243 : i1
          %convert_element_type3A_366 = arith.extui %or3A_365 : i1 to i32
          %cond3A_367 = arith.constant 0 : i32
          %cond3A_368 = arith.cmpi ne, %convert_element_type3A_366, %cond3A_367 : i32
          scf.if %cond3A_368 {
          } else {
          }
          %and3A_369 = arith.constant false
          %and3A_370 = arith.andi %or3A_365, %and3A_369 : i1
          %ne3A_371 = arith.cmpi ne, %add3A_245, %add3A_281 : i32
          %ne3A_372 = arith.cmpi ne, %add3A_246, %add3A_282 : i32
          %or3A_373 = arith.constant false
          %or3A_374 = arith.ori %or3A_373, %ne3A_371 : i1
          %or3A_375 = arith.ori %or3A_374, %ne3A_372 : i1
          %or3A_376 = arith.ori %or3A_375, %eq3A_243 : i1
          %convert_element_type3A_377 = arith.extui %or3A_376 : i1 to i32
          %cond3A_378 = arith.constant 0 : i32
          %cond3A_379 = arith.cmpi ne, %convert_element_type3A_377, %cond3A_378 : i32
          scf.if %cond3A_379 {
          } else {
          }
          %and3A_380 = arith.constant false
          %and3A_381 = arith.andi %or3A_376, %and3A_380 : i1
          %ne3A_382 = arith.cmpi ne, %add3A_246, %add3A_265 : i32
          %or3A_383 = arith.constant false
          %or3A_384 = arith.ori %or3A_383, %ne3A_382 : i1
          %or3A_385 = arith.constant false
          %or3A_386 = arith.ori %or3A_384, %or3A_385 : i1
          %not3A_387 = arith.constant true
          %not3A_388 = arith.xori %eq3A_240, %not3A_387 : i1
          %and3A_389 = arith.andi %or3A_386, %not3A_388 : i1
          %convert_element_type3A_390 = arith.extui %and3A_389 : i1 to i32
          %cond3A_391 = arith.constant 0 : i32
          %cond3A_392 = arith.cmpi ne, %convert_element_type3A_390, %cond3A_391 : i32
          scf.if %cond3A_392 {
          } else {
          }
          %and3A_393 = arith.constant false
          %and3A_394 = arith.andi %and3A_389, %and3A_393 : i1
          %ne3A_395 = arith.cmpi ne, %add3A_245, %add3A_264 : i32
          %ne3A_396 = arith.cmpi ne, %add3A_246, %add3A_265 : i32
          %or3A_397 = arith.constant false
          %or3A_398 = arith.ori %or3A_397, %ne3A_395 : i1
          %or3A_399 = arith.ori %or3A_398, %ne3A_396 : i1
          %not3A_400 = arith.constant true
          %not3A_401 = arith.xori %eq3A_240, %not3A_400 : i1
          %and3A_402 = arith.andi %or3A_399, %not3A_401 : i1
          %convert_element_type3A_403 = arith.extui %and3A_402 : i1 to i32
          %cond3A_404 = arith.constant 0 : i32
          %cond3A_405 = arith.cmpi ne, %convert_element_type3A_403, %cond3A_404 : i32
          scf.if %cond3A_405 {
          } else {
          }
          %and3A_406 = arith.constant false
          %and3A_407 = arith.andi %and3A_402, %and3A_406 : i1
          %ne3A_408 = arith.cmpi ne, %add3A_246, %add3A_282 : i32
          %or3A_409 = arith.constant false
          %or3A_410 = arith.ori %or3A_409, %ne3A_408 : i1
          %or3A_411 = arith.constant false
          %or3A_412 = arith.ori %or3A_410, %or3A_411 : i1
          %or3A_413 = arith.ori %or3A_412, %eq3A_243 : i1
          %add3A_414 = arith.constant 1 : i32
          %add3A_415 = arith.addi %while3A_232, %add3A_414 : i32
          %select_n3A_416 = arith.select %or3A_413, %add3A_415, %while3A_232 : i32
          %ne3A_417 = arith.cmpi ne, %add3A_245, %add3A_281 : i32
          %ne3A_418 = arith.cmpi ne, %add3A_246, %add3A_282 : i32
          %or3A_419 = arith.constant false
          %or3A_420 = arith.ori %or3A_419, %ne3A_417 : i1
          %or3A_421 = arith.ori %or3A_420, %ne3A_418 : i1
          %or3A_422 = arith.ori %or3A_421, %eq3A_243 : i1
          %add3A_423 = arith.constant 1 : i32
          %add3A_424 = arith.addi %while3A_234, %add3A_423 : i32
          %select_n3A_425 = arith.select %or3A_422, %add3A_424, %while3A_234 : i32
          %add3A_426 = arith.constant 1 : i32
          %add3A_427 = arith.addi %while3A_236, %add3A_426 : i32
          %select_n3A_428 = arith.constant true
          %select_n3A_429 = arith.select %select_n3A_428, %add3A_427, %while3A_236 : i32
          %eq3A_430 = arith.cmpi eq, %select_n3A_429, %select_n3A : i32
          %select_n3A_431 = arith.constant 0 : i32
          %select_n3A_432 = arith.select %eq3A_430, %select_n3A_431, %select_n3A_429 : i32
          %add3A_433 = arith.constant 1 : i32
          %add3A_434 = arith.addi %while3A_235, %add3A_433 : i32
          %select_n3A_435 = arith.select %eq3A_430, %add3A_434, %while3A_235 : i32
          %eq3A_436 = arith.constant 2 : i32
          %eq3A_437 = arith.cmpi eq, %select_n3A_435, %eq3A_436 : i32
          %select_n3A_438 = arith.constant 0 : i32
          %select_n3A_439 = arith.select %eq3A_437, %select_n3A_438, %select_n3A_435 : i32
          scf.yield %select_n3A_315, %select_n3A_416, %select_n3A_336, %select_n3A_425, %select_n3A_439, %select_n3A_432 : i32, i32, i32, i32, i32, i32
        }
        %while3A_141 = arith.constant 1 : i32
        %while3A_142:6 = scf.for %while3A_230 = %while3A_138 to %while3A_134 step %while3A_141 iter_args(%while3A_231 = %while3A_140#0, %while3A_232 = %while3A_140#1, %while3A_233 = %while3A_140#2, %while3A_234 = %while3A_140#3, %while3A_235 = %while3A_140#4, %while3A_236 = %while3A_140#5) -> (i32, i32, i32, i32, i32, i32)  : i32 {
          %mul3A_237 = arith.constant 2 : i32
          %mul3A_238 = arith.muli %mul3A_237, %select_n3A : i32
          %eq3A_239 = arith.constant 0 : i32
          %eq3A_240 = arith.cmpi eq, %while3A_230, %eq3A_239 : i32
          %sub3A_241 = arith.constant 1 : i32
          %sub3A_242 = arith.subi %mul3A_238, %sub3A_241 : i32
          %eq3A_243 = arith.cmpi eq, %while3A_230, %sub3A_242 : i32
          %add3A_244 = arith.constant 0 : i32
          %add3A_245 = arith.addi %while3A_235, %add3A_244 : i32
          %add3A_246 = arith.addi %while3A_236, %select_n3A_14 : i32
          %sub3A_247 = arith.constant 1 : i32
          %sub3A_248 = arith.subi %while3A_236, %sub3A_247 : i32
          %select_n3A_249 = arith.constant true
          %select_n3A_250 = arith.select %select_n3A_249, %sub3A_248, %while3A_236 : i32
          %eq3A_251 = arith.constant -1 : i32
          %eq3A_252 = arith.cmpi eq, %select_n3A_250, %eq3A_251 : i32
          %sub3A_253 = arith.constant 1 : i32
          %sub3A_254 = arith.subi %select_n3A, %sub3A_253 : i32
          %select_n3A_255 = arith.select %eq3A_252, %sub3A_254, %select_n3A_250 : i32
          %sub3A_256 = arith.constant 1 : i32
          %sub3A_257 = arith.subi %while3A_235, %sub3A_256 : i32
          %select_n3A_258 = arith.select %eq3A_252, %sub3A_257, %while3A_235 : i32
          %eq3A_259 = arith.constant -1 : i32
          %eq3A_260 = arith.cmpi eq, %select_n3A_258, %eq3A_259 : i32
          %select_n3A_261 = arith.constant 1 : i32
          %select_n3A_262 = arith.select %eq3A_260, %select_n3A_261, %select_n3A_258 : i32
          %add3A_263 = arith.constant 0 : i32
          %add3A_264 = arith.addi %select_n3A_262, %add3A_263 : i32
          %add3A_265 = arith.addi %select_n3A_255, %select_n3A_14 : i32
          %add3A_266 = arith.constant 1 : i32
          %add3A_267 = arith.addi %while3A_236, %add3A_266 : i32
          %select_n3A_268 = arith.constant true
          %select_n3A_269 = arith.select %select_n3A_268, %add3A_267, %while3A_236 : i32
          %eq3A_270 = arith.cmpi eq, %select_n3A_269, %select_n3A : i32
          %select_n3A_271 = arith.constant 0 : i32
          %select_n3A_272 = arith.select %eq3A_270, %select_n3A_271, %select_n3A_269 : i32
          %add3A_273 = arith.constant 1 : i32
          %add3A_274 = arith.addi %while3A_235, %add3A_273 : i32
          %select_n3A_275 = arith.select %eq3A_270, %add3A_274, %while3A_235 : i32
          %eq3A_276 = arith.constant 2 : i32
          %eq3A_277 = arith.cmpi eq, %select_n3A_275, %eq3A_276 : i32
          %select_n3A_278 = arith.constant 0 : i32
          %select_n3A_279 = arith.select %eq3A_277, %select_n3A_278, %select_n3A_275 : i32
          %add3A_280 = arith.constant 0 : i32
          %add3A_281 = arith.addi %select_n3A_279, %add3A_280 : i32
          %add3A_282 = arith.addi %select_n3A_272, %select_n3A_14 : i32
          %add3A_283 = arith.constant 1 : i32
          %add3A_284 = arith.addi %select_n3A_272, %add3A_283 : i32
          %select_n3A_285 = arith.constant true
          %select_n3A_286 = arith.select %select_n3A_285, %add3A_284, %select_n3A_272 : i32
          %eq3A_287 = arith.cmpi eq, %select_n3A_286, %select_n3A : i32
          %select_n3A_288 = arith.constant 0 : i32
          %select_n3A_289 = arith.select %eq3A_287, %select_n3A_288, %select_n3A_286 : i32
          %add3A_290 = arith.constant 1 : i32
          %add3A_291 = arith.addi %select_n3A_279, %add3A_290 : i32
          %select_n3A_292 = arith.select %eq3A_287, %add3A_291, %select_n3A_279 : i32
          %eq3A_293 = arith.constant 2 : i32
          %eq3A_294 = arith.cmpi eq, %select_n3A_292, %eq3A_293 : i32
          %select_n3A_295 = arith.constant 0 : i32
          %select_n3A_296 = arith.select %eq3A_294, %select_n3A_295, %select_n3A_292 : i32
          %add3A_297 = arith.constant 0 : i32
          %add3A_298 = arith.addi %select_n3A_296, %add3A_297 : i32
          %add3A_299 = arith.addi %select_n3A_289, %select_n3A_14 : i32
          %ne3A = arith.cmpi ne, %add3A_246, %add3A_282 : i32
          %or3A = arith.constant false
          %or3A_300 = arith.ori %or3A, %ne3A : i1
          %or3A_301 = arith.constant false
          %or3A_302 = arith.ori %or3A_300, %or3A_301 : i1
          %sub3A_303 = arith.constant 2 : i32
          %sub3A_304 = arith.subi %mul3A_238, %sub3A_303 : i32
          %add3A_305 = arith.constant 1 : i32
          %add3A_306 = arith.addi %sub3A_304, %add3A_305 : i32
          %ge3A = arith.cmpi sge, %while3A_230, %add3A_306 : i32
          %not3A = arith.constant true
          %not3A_307 = arith.xori %ge3A, %not3A : i1
          %and3A = arith.andi %or3A_302, %not3A_307 : i1
          %convert_element_type3A_308 = arith.extui %and3A : i1 to i32
          %cond3A_309 = arith.constant 0 : i32
          %cond3A_310 = arith.cmpi ne, %convert_element_type3A_308, %cond3A_309 : i32
          scf.if %cond3A_310 {
            "tpu.trace_start"() <{level = 10 : i32, message = "ep_copy_in"}> : () -> ()
            %rem3A_440 = arith.constant 2 : i32
            %rem3A_441 = arith.remui %while3A_231, %rem3A_440 : i32
            %mul3A_442 = arith.constant 128 : i32
            %mul3A_443 = arith.muli %mul3A_442, %add3A_282 : i32
            %dma_start3A_444 = arith.constant 0 : i32
            %dma_start3A_445 = arith.constant 0 : i32
            %dma_start3A_446 = tpu.memref_slice %run_scoped3A[%rem3A_441, %dma_start3A_444, %dma_start3A_445] : memref<2x128x256xf32, #tpu.memory_space<vmem>> -> memref<1x128x256xf32, #tpu.memory_space<vmem>>
            %dma_start3A_447 = tpu.memref_squeeze %dma_start3A_446 : memref<1x128x256xf32, #tpu.memory_space<vmem>> -> memref<128x256xf32, #tpu.memory_space<vmem>>
            %dma_start3A_448 = arith.constant 0 : i32
            %dma_start3A_449 = tpu.memref_slice %arg2[%mul3A_443, %dma_start3A_448] : memref<13824x256xf32, #tpu.memory_space<hbm>> -> memref<128x256xf32, #tpu.memory_space<hbm>>
            %dma_start3A_450 = tpu.memref_slice %run_scoped3A_17[%rem3A_441] : memref<2x!tpu.dma_semaphore, #tpu.memory_space<semaphore_mem>> -> memref<1x!tpu.dma_semaphore, #tpu.memory_space<semaphore_mem>>
            %dma_start3A_451 = tpu.memref_squeeze %dma_start3A_450 : memref<1x!tpu.dma_semaphore, #tpu.memory_space<semaphore_mem>> -> memref<!tpu.dma_semaphore, #tpu.memory_space<semaphore_mem>>
            %dma_start3A_452 = arith.constant 0 : i32
            %dma_start3A_453 = arith.constant 0 : i32
            %dma_start3A_454 = tpu.memref_slice %run_scoped3A[%rem3A_441, %dma_start3A_452, %dma_start3A_453] : memref<2x128x256xf32, #tpu.memory_space<vmem>> -> memref<1x128x256xf32, #tpu.memory_space<vmem>>
            %dma_start3A_455 = tpu.memref_squeeze %dma_start3A_454 : memref<1x128x256xf32, #tpu.memory_space<vmem>> -> memref<128x256xf32, #tpu.memory_space<vmem>>
            %dma_start3A_456 = arith.constant 0 : i32
            %dma_start3A_457 = tpu.memref_slice %arg2[%mul3A_443, %dma_start3A_456] : memref<13824x256xf32, #tpu.memory_space<hbm>> -> memref<128x256xf32, #tpu.memory_space<hbm>>
            tpu.enqueue_dma source(%dma_start3A_457 : memref<128x256xf32, #tpu.memory_space<hbm>>) target(%dma_start3A_455 : memref<128x256xf32, #tpu.memory_space<vmem>>) target_semaphore(%dma_start3A_451 : memref<!tpu.dma_semaphore, #tpu.memory_space<semaphore_mem>>)
            "tpu.trace_stop"() : () -> ()
          } else {
          }
          %and3A_311 = arith.constant true
          %and3A_312 = arith.andi %and3A, %and3A_311 : i1
          %add3A_313 = arith.constant 1 : i32
          %add3A_314 = arith.addi %while3A_231, %add3A_313 : i32
          %select_n3A_315 = arith.select %and3A_312, %add3A_314, %while3A_231 : i32
          %ne3A_316 = arith.cmpi ne, %add3A_245, %add3A_281 : i32
          %ne3A_317 = arith.cmpi ne, %add3A_246, %add3A_282 : i32
          %or3A_318 = arith.constant false
          %or3A_319 = arith.ori %or3A_318, %ne3A_316 : i1
          %or3A_320 = arith.ori %or3A_319, %ne3A_317 : i1
          %sub3A_321 = arith.constant 2 : i32
          %sub3A_322 = arith.subi %mul3A_238, %sub3A_321 : i32
          %add3A_323 = arith.constant 1 : i32
          %add3A_324 = arith.addi %sub3A_322, %add3A_323 : i32
          %ge3A_325 = arith.cmpi sge, %while3A_230, %add3A_324 : i32
          %not3A_326 = arith.constant true
          %not3A_327 = arith.xori %ge3A_325, %not3A_326 : i1
          %and3A_328 = arith.andi %or3A_320, %not3A_327 : i1
          %convert_element_type3A_329 = arith.extui %and3A_328 : i1 to i32
          %cond3A_330 = arith.constant 0 : i32
          %cond3A_331 = arith.cmpi ne, %convert_element_type3A_329, %cond3A_330 : i32
          scf.if %cond3A_331 {
            "tpu.trace_start"() <{level = 10 : i32, message = "ep_copy_in"}> : () -> ()
            %rem3A_440 = arith.constant 2 : i32
            %rem3A_441 = arith.remui %while3A_233, %rem3A_440 : i32
            %mul3A_442 = arith.constant 1 : i32
            %mul3A_443 = arith.muli %mul3A_442, %add3A_281 : i32
            %mul3A_444 = arith.constant 128 : i32
            %mul3A_445 = arith.muli %mul3A_444, %add3A_282 : i32
            %dma_start3A_446 = arith.constant 0 : i32
            %dma_start3A_447 = arith.constant 0 : i32
            %dma_start3A_448 = tpu.memref_slice %run_scoped3A_18[%rem3A_441, %dma_start3A_446, %dma_start3A_447] : memref<2x1x128xi32, #tpu.memory_space<vmem>> -> memref<1x1x128xi32, #tpu.memory_space<vmem>>
            %dma_start3A_449 = tpu.memref_squeeze %dma_start3A_448 : memref<1x1x128xi32, #tpu.memory_space<vmem>> -> memref<1x128xi32, #tpu.memory_space<vmem>>
            %dma_start3A_450 = tpu.memref_slice %arg3[%mul3A_443, %mul3A_445] : memref<2x13824xi32, #tpu.memory_space<hbm>> -> memref<1x128xi32, #tpu.memory_space<hbm>>
            %dma_start3A_451 = tpu.memref_slice %run_scoped3A_19[%rem3A_441] : memref<2x!tpu.dma_semaphore, #tpu.memory_space<semaphore_mem>> -> memref<1x!tpu.dma_semaphore, #tpu.memory_space<semaphore_mem>>
            %dma_start3A_452 = tpu.memref_squeeze %dma_start3A_451 : memref<1x!tpu.dma_semaphore, #tpu.memory_space<semaphore_mem>> -> memref<!tpu.dma_semaphore, #tpu.memory_space<semaphore_mem>>
            %dma_start3A_453 = arith.constant 0 : i32
            %dma_start3A_454 = arith.constant 0 : i32
            %dma_start3A_455 = tpu.memref_slice %run_scoped3A_18[%rem3A_441, %dma_start3A_453, %dma_start3A_454] : memref<2x1x128xi32, #tpu.memory_space<vmem>> -> memref<1x1x128xi32, #tpu.memory_space<vmem>>
            %dma_start3A_456 = tpu.memref_squeeze %dma_start3A_455 : memref<1x1x128xi32, #tpu.memory_space<vmem>> -> memref<1x128xi32, #tpu.memory_space<vmem>>
            %dma_start3A_457 = tpu.memref_slice %arg3[%mul3A_443, %mul3A_445] : memref<2x13824xi32, #tpu.memory_space<hbm>> -> memref<1x128xi32, #tpu.memory_space<hbm>>
            tpu.enqueue_dma source(%dma_start3A_457 : memref<1x128xi32, #tpu.memory_space<hbm>>) target(%dma_start3A_456 : memref<1x128xi32, #tpu.memory_space<vmem>>) target_semaphore(%dma_start3A_452 : memref<!tpu.dma_semaphore, #tpu.memory_space<semaphore_mem>>)
            "tpu.trace_stop"() : () -> ()
          } else {
          }
          %and3A_332 = arith.constant true
          %and3A_333 = arith.andi %and3A_328, %and3A_332 : i1
          %add3A_334 = arith.constant 1 : i32
          %add3A_335 = arith.addi %while3A_233, %add3A_334 : i32
          %select_n3A_336 = arith.select %and3A_333, %add3A_335, %while3A_233 : i32
          %ne3A_337 = arith.cmpi ne, %add3A_246, %add3A_265 : i32
          %or3A_338 = arith.constant false
          %or3A_339 = arith.ori %or3A_338, %ne3A_337 : i1
          %or3A_340 = arith.constant false
          %or3A_341 = arith.ori %or3A_339, %or3A_340 : i1
          %or3A_342 = arith.ori %or3A_341, %eq3A_240 : i1
          %convert_element_type3A_343 = arith.extui %or3A_342 : i1 to i32
          %cond3A_344 = arith.constant 0 : i32
          %cond3A_345 = arith.cmpi ne, %convert_element_type3A_343, %cond3A_344 : i32
          scf.if %cond3A_345 {
            "tpu.trace_start"() <{level = 10 : i32, message = "ep_wait_in"}> : () -> ()
            %mul3A_440 = arith.constant 128 : i32
            %mul3A_441 = arith.muli %mul3A_440, %add3A_246 : i32
            %rem3A_442 = arith.constant 2 : i32
            %rem3A_443 = arith.remui %while3A_232, %rem3A_442 : i32
            %dma_wait3A = arith.constant 0 : i32
            %dma_wait3A_444 = arith.constant 0 : i32
            %dma_wait3A_445 = tpu.memref_slice %run_scoped3A[%rem3A_443, %dma_wait3A, %dma_wait3A_444] : memref<2x128x256xf32, #tpu.memory_space<vmem>> -> memref<1x128x256xf32, #tpu.memory_space<vmem>>
            %dma_wait3A_446 = tpu.memref_squeeze %dma_wait3A_445 : memref<1x128x256xf32, #tpu.memory_space<vmem>> -> memref<128x256xf32, #tpu.memory_space<vmem>>
            %dma_wait3A_447 = arith.constant 0 : i32
            %dma_wait3A_448 = tpu.memref_slice %arg2[%mul3A_441, %dma_wait3A_447] : memref<13824x256xf32, #tpu.memory_space<hbm>> -> memref<128x256xf32, #tpu.memory_space<hbm>>
            %dma_wait3A_449 = tpu.memref_slice %run_scoped3A_17[%rem3A_443] : memref<2x!tpu.dma_semaphore, #tpu.memory_space<semaphore_mem>> -> memref<1x!tpu.dma_semaphore, #tpu.memory_space<semaphore_mem>>
            %dma_wait3A_450 = tpu.memref_squeeze %dma_wait3A_449 : memref<1x!tpu.dma_semaphore, #tpu.memory_space<semaphore_mem>> -> memref<!tpu.dma_semaphore, #tpu.memory_space<semaphore_mem>>
            %dma_wait3A_451 = arith.constant 0 : i32
            %dma_wait3A_452 = arith.constant 0 : i32
            %dma_wait3A_453 = tpu.memref_slice %run_scoped3A[%rem3A_443, %dma_wait3A_451, %dma_wait3A_452] : memref<2x128x256xf32, #tpu.memory_space<vmem>> -> memref<1x128x256xf32, #tpu.memory_space<vmem>>
            %dma_wait3A_454 = tpu.memref_squeeze %dma_wait3A_453 : memref<1x128x256xf32, #tpu.memory_space<vmem>> -> memref<128x256xf32, #tpu.memory_space<vmem>>
            %dma_wait3A_455 = arith.constant 0 : i32
            %dma_wait3A_456 = tpu.memref_slice %arg2[%mul3A_441, %dma_wait3A_455] : memref<13824x256xf32, #tpu.memory_space<hbm>> -> memref<128x256xf32, #tpu.memory_space<hbm>>
            tpu.wait_dma2 semaphore(%dma_wait3A_450 : memref<!tpu.dma_semaphore, #tpu.memory_space<semaphore_mem>>) src(%dma_wait3A_456 : memref<128x256xf32, #tpu.memory_space<hbm>>) dst(%dma_wait3A_454 : memref<128x256xf32, #tpu.memory_space<vmem>>)
            "tpu.trace_stop"() : () -> ()
          } else {
          }
          %ne3A_346 = arith.cmpi ne, %add3A_245, %add3A_264 : i32
          %ne3A_347 = arith.cmpi ne, %add3A_246, %add3A_265 : i32
          %or3A_348 = arith.constant false
          %or3A_349 = arith.ori %or3A_348, %ne3A_346 : i1
          %or3A_350 = arith.ori %or3A_349, %ne3A_347 : i1
          %or3A_351 = arith.ori %or3A_350, %eq3A_240 : i1
          %convert_element_type3A_352 = arith.extui %or3A_351 : i1 to i32
          %cond3A_353 = arith.constant 0 : i32
          %cond3A_354 = arith.cmpi ne, %convert_element_type3A_352, %cond3A_353 : i32
          scf.if %cond3A_354 {
            "tpu.trace_start"() <{level = 10 : i32, message = "ep_wait_in"}> : () -> ()
            %mul3A_440 = arith.constant 1 : i32
            %mul3A_441 = arith.muli %mul3A_440, %add3A_245 : i32
            %mul3A_442 = arith.constant 128 : i32
            %mul3A_443 = arith.muli %mul3A_442, %add3A_246 : i32
            %rem3A_444 = arith.constant 2 : i32
            %rem3A_445 = arith.remui %while3A_234, %rem3A_444 : i32
            %dma_wait3A = arith.constant 0 : i32
            %dma_wait3A_446 = arith.constant 0 : i32
            %dma_wait3A_447 = tpu.memref_slice %run_scoped3A_18[%rem3A_445, %dma_wait3A, %dma_wait3A_446] : memref<2x1x128xi32, #tpu.memory_space<vmem>> -> memref<1x1x128xi32, #tpu.memory_space<vmem>>
            %dma_wait3A_448 = tpu.memref_squeeze %dma_wait3A_447 : memref<1x1x128xi32, #tpu.memory_space<vmem>> -> memref<1x128xi32, #tpu.memory_space<vmem>>
            %dma_wait3A_449 = tpu.memref_slice %arg3[%mul3A_441, %mul3A_443] : memref<2x13824xi32, #tpu.memory_space<hbm>> -> memref<1x128xi32, #tpu.memory_space<hbm>>
            %dma_wait3A_450 = tpu.memref_slice %run_scoped3A_19[%rem3A_445] : memref<2x!tpu.dma_semaphore, #tpu.memory_space<semaphore_mem>> -> memref<1x!tpu.dma_semaphore, #tpu.memory_space<semaphore_mem>>
            %dma_wait3A_451 = tpu.memref_squeeze %dma_wait3A_450 : memref<1x!tpu.dma_semaphore, #tpu.memory_space<semaphore_mem>> -> memref<!tpu.dma_semaphore, #tpu.memory_space<semaphore_mem>>
            %dma_wait3A_452 = arith.constant 0 : i32
            %dma_wait3A_453 = arith.constant 0 : i32
            %dma_wait3A_454 = tpu.memref_slice %run_scoped3A_18[%rem3A_445, %dma_wait3A_452, %dma_wait3A_453] : memref<2x1x128xi32, #tpu.memory_space<vmem>> -> memref<1x1x128xi32, #tpu.memory_space<vmem>>
            %dma_wait3A_455 = tpu.memref_squeeze %dma_wait3A_454 : memref<1x1x128xi32, #tpu.memory_space<vmem>> -> memref<1x128xi32, #tpu.memory_space<vmem>>
            %dma_wait3A_456 = tpu.memref_slice %arg3[%mul3A_441, %mul3A_443] : memref<2x13824xi32, #tpu.memory_space<hbm>> -> memref<1x128xi32, #tpu.memory_space<hbm>>
            tpu.wait_dma2 semaphore(%dma_wait3A_451 : memref<!tpu.dma_semaphore, #tpu.memory_space<semaphore_mem>>) src(%dma_wait3A_456 : memref<1x128xi32, #tpu.memory_space<hbm>>) dst(%dma_wait3A_455 : memref<1x128xi32, #tpu.memory_space<vmem>>)
            "tpu.trace_stop"() : () -> ()
          } else {
          }
          %rem3A_355 = arith.constant 2 : i32
          %rem3A_356 = arith.remui %while3A_232, %rem3A_355 : i32
          %rem3A_357 = arith.constant 2 : i32
          %rem3A_358 = arith.remui %while3A_234, %rem3A_357 : i32
          %run_scoped3A_359 = arith.constant 0 : i32
          "tpu.trace_start"() <{level = 10 : i32, message = "ep_run_kernel"}> : () -> ()
          "tpu.region"() ({
            %run_scoped3A_440 = tpu.sem_alloc : memref<!tpu.dma_semaphore, #tpu.memory_space<semaphore_mem>>
            %dma_start3A_441 = arith.constant 0 : i32
            %dma_start3A_442 = arith.constant 0 : i32
            %dma_start3A_443 = tpu.memref_slice %run_scoped3A[%rem3A_356, %dma_start3A_441, %dma_start3A_442] : memref<2x128x256xf32, #tpu.memory_space<vmem>> -> memref<1x128x256xf32, #tpu.memory_space<vmem>>
            %dma_start3A_444 = tpu.memref_squeeze %dma_start3A_443 : memref<1x128x256xf32, #tpu.memory_space<vmem>> -> memref<128x256xf32, #tpu.memory_space<vmem>>
            %dma_start3A_445 = arith.constant 0 : i32
            %dma_start3A_446 = arith.constant 0 : i32
            %dma_start3A_447 = tpu.memref_slice %run_scoped3A_18[%rem3A_358, %dma_start3A_445, %dma_start3A_446] : memref<2x1x128xi32, #tpu.memory_space<vmem>> -> memref<1x1x128xi32, #tpu.memory_space<vmem>>
            %dma_start3A_448 = tpu.memref_squeeze %dma_start3A_447 : memref<1x1x128xi32, #tpu.memory_space<vmem>> -> memref<1x128xi32, #tpu.memory_space<vmem>>
            %dma_start3A_449 = arith.constant 0 : i32
            %dma_start3A_450 = tpu.memref_slice %dma_start3A_448[%run_scoped3A_359, %dma_start3A_449] : memref<1x128xi32, #tpu.memory_space<vmem>> -> memref<1x128xi32, #tpu.memory_space<vmem>>
            %dma_start3A_451 = tpu.memref_squeeze %dma_start3A_450 : memref<1x128xi32, #tpu.memory_space<vmem>> -> memref<128xi32, #tpu.memory_space<vmem>>
            %dma_start3A_452 = arith.constant 0 : i32
            %dma_start3A_453 = arith.constant 0 : i32
            %dma_start3A_454 = tpu.memref_slice %arg4[%dma_start3A_452, %dma_start3A_453] : memref<35840x256xf32, #tpu.memory_space<hbm>> -> memref<35840x256xf32, #tpu.memory_space<hbm>>
            tpu.enqueue_indirect_dma source(%dma_start3A_444 : memref<128x256xf32, #tpu.memory_space<vmem>>) target(%dma_start3A_454 : memref<35840x256xf32, #tpu.memory_space<hbm>>) offsets(%dma_start3A_451 : memref<128xi32, #tpu.memory_space<vmem>>) semaphore(%run_scoped3A_440 : memref<!tpu.dma_semaphore, #tpu.memory_space<semaphore_mem>>)
            %dma_wait3A = arith.constant 0 : i32
            %dma_wait3A_455 = arith.constant 0 : i32
            %dma_wait3A_456 = tpu.memref_slice %run_scoped3A[%rem3A_356, %dma_wait3A, %dma_wait3A_455] : memref<2x128x256xf32, #tpu.memory_space<vmem>> -> memref<1x128x256xf32, #tpu.memory_space<vmem>>
            %dma_wait3A_457 = tpu.memref_squeeze %dma_wait3A_456 : memref<1x128x256xf32, #tpu.memory_space<vmem>> -> memref<128x256xf32, #tpu.memory_space<vmem>>
            %dma_wait3A_458 = arith.constant 0 : i32
            %dma_wait3A_459 = arith.constant 0 : i32
            %dma_wait3A_460 = tpu.memref_slice %run_scoped3A_18[%rem3A_358, %dma_wait3A_458, %dma_wait3A_459] : memref<2x1x128xi32, #tpu.memory_space<vmem>> -> memref<1x1x128xi32, #tpu.memory_space<vmem>>
            %dma_wait3A_461 = tpu.memref_squeeze %dma_wait3A_460 : memref<1x1x128xi32, #tpu.memory_space<vmem>> -> memref<1x128xi32, #tpu.memory_space<vmem>>
            %dma_wait3A_462 = arith.constant 0 : i32
            %dma_wait3A_463 = tpu.memref_slice %dma_wait3A_461[%run_scoped3A_359, %dma_wait3A_462] : memref<1x128xi32, #tpu.memory_space<vmem>> -> memref<1x128xi32, #tpu.memory_space<vmem>>
            %dma_wait3A_464 = tpu.memref_squeeze %dma_wait3A_463 : memref<1x128xi32, #tpu.memory_space<vmem>> -> memref<128xi32, #tpu.memory_space<vmem>>
            %dma_wait3A_465 = arith.constant 0 : i32
            %dma_wait3A_466 = arith.constant 0 : i32
            %dma_wait3A_467 = tpu.memref_slice %arg4[%dma_wait3A_465, %dma_wait3A_466] : memref<35840x256xf32, #tpu.memory_space<hbm>> -> memref<35840x256xf32, #tpu.memory_space<hbm>>
            tpu.wait_indirect_dma semaphore(%run_scoped3A_440 : memref<!tpu.dma_semaphore, #tpu.memory_space<semaphore_mem>>) src(%dma_wait3A_457 : memref<128x256xf32, #tpu.memory_space<vmem>>) dst(%dma_wait3A_467 : memref<35840x256xf32, #tpu.memory_space<hbm>>)
            tpu.yield
          }) : () -> ()
          "tpu.trace_stop"() : () -> ()
          %ne3A_360 = arith.cmpi ne, %add3A_246, %add3A_282 : i32
          %or3A_361 = arith.constant false
          %or3A_362 = arith.ori %or3A_361, %ne3A_360 : i1
          %or3A_363 = arith.constant false
          %or3A_364 = arith.ori %or3A_362, %or3A_363 : i1
          %or3A_365 = arith.ori %or3A_364, %eq3A_243 : i1
          %convert_element_type3A_366 = arith.extui %or3A_365 : i1 to i32
          %cond3A_367 = arith.constant 0 : i32
          %cond3A_368 = arith.cmpi ne, %convert_element_type3A_366, %cond3A_367 : i32
          scf.if %cond3A_368 {
          } else {
          }
          %and3A_369 = arith.constant false
          %and3A_370 = arith.andi %or3A_365, %and3A_369 : i1
          %ne3A_371 = arith.cmpi ne, %add3A_245, %add3A_281 : i32
          %ne3A_372 = arith.cmpi ne, %add3A_246, %add3A_282 : i32
          %or3A_373 = arith.constant false
          %or3A_374 = arith.ori %or3A_373, %ne3A_371 : i1
          %or3A_375 = arith.ori %or3A_374, %ne3A_372 : i1
          %or3A_376 = arith.ori %or3A_375, %eq3A_243 : i1
          %convert_element_type3A_377 = arith.extui %or3A_376 : i1 to i32
          %cond3A_378 = arith.constant 0 : i32
          %cond3A_379 = arith.cmpi ne, %convert_element_type3A_377, %cond3A_378 : i32
          scf.if %cond3A_379 {
          } else {
          }
          %and3A_380 = arith.constant false
          %and3A_381 = arith.andi %or3A_376, %and3A_380 : i1
          %ne3A_382 = arith.cmpi ne, %add3A_246, %add3A_265 : i32
          %or3A_383 = arith.constant false
          %or3A_384 = arith.ori %or3A_383, %ne3A_382 : i1
          %or3A_385 = arith.constant false
          %or3A_386 = arith.ori %or3A_384, %or3A_385 : i1
          %not3A_387 = arith.constant true
          %not3A_388 = arith.xori %eq3A_240, %not3A_387 : i1
          %and3A_389 = arith.andi %or3A_386, %not3A_388 : i1
          %convert_element_type3A_390 = arith.extui %and3A_389 : i1 to i32
          %cond3A_391 = arith.constant 0 : i32
          %cond3A_392 = arith.cmpi ne, %convert_element_type3A_390, %cond3A_391 : i32
          scf.if %cond3A_392 {
          } else {
          }
          %and3A_393 = arith.constant false
          %and3A_394 = arith.andi %and3A_389, %and3A_393 : i1
          %ne3A_395 = arith.cmpi ne, %add3A_245, %add3A_264 : i32
          %ne3A_396 = arith.cmpi ne, %add3A_246, %add3A_265 : i32
          %or3A_397 = arith.constant false
          %or3A_398 = arith.ori %or3A_397, %ne3A_395 : i1
          %or3A_399 = arith.ori %or3A_398, %ne3A_396 : i1
          %not3A_400 = arith.constant true
          %not3A_401 = arith.xori %eq3A_240, %not3A_400 : i1
          %and3A_402 = arith.andi %or3A_399, %not3A_401 : i1
          %convert_element_type3A_403 = arith.extui %and3A_402 : i1 to i32
          %cond3A_404 = arith.constant 0 : i32
          %cond3A_405 = arith.cmpi ne, %convert_element_type3A_403, %cond3A_404 : i32
          scf.if %cond3A_405 {
          } else {
          }
          %and3A_406 = arith.constant false
          %and3A_407 = arith.andi %and3A_402, %and3A_406 : i1
          %ne3A_408 = arith.cmpi ne, %add3A_246, %add3A_282 : i32
          %or3A_409 = arith.constant false
          %or3A_410 = arith.ori %or3A_409, %ne3A_408 : i1
          %or3A_411 = arith.constant false
          %or3A_412 = arith.ori %or3A_410, %or3A_411 : i1
          %or3A_413 = arith.ori %or3A_412, %eq3A_243 : i1
          %add3A_414 = arith.constant 1 : i32
          %add3A_415 = arith.addi %while3A_232, %add3A_414 : i32
          %select_n3A_416 = arith.select %or3A_413, %add3A_415, %while3A_232 : i32
          %ne3A_417 = arith.cmpi ne, %add3A_245, %add3A_281 : i32
          %ne3A_418 = arith.cmpi ne, %add3A_246, %add3A_282 : i32
          %or3A_419 = arith.constant false
          %or3A_420 = arith.ori %or3A_419, %ne3A_417 : i1
          %or3A_421 = arith.ori %or3A_420, %ne3A_418 : i1
          %or3A_422 = arith.ori %or3A_421, %eq3A_243 : i1
          %add3A_423 = arith.constant 1 : i32
          %add3A_424 = arith.addi %while3A_234, %add3A_423 : i32
          %select_n3A_425 = arith.select %or3A_422, %add3A_424, %while3A_234 : i32
          %add3A_426 = arith.constant 1 : i32
          %add3A_427 = arith.addi %while3A_236, %add3A_426 : i32
          %select_n3A_428 = arith.constant true
          %select_n3A_429 = arith.select %select_n3A_428, %add3A_427, %while3A_236 : i32
          %eq3A_430 = arith.cmpi eq, %select_n3A_429, %select_n3A : i32
          %select_n3A_431 = arith.constant 0 : i32
          %select_n3A_432 = arith.select %eq3A_430, %select_n3A_431, %select_n3A_429 : i32
          %add3A_433 = arith.constant 1 : i32
          %add3A_434 = arith.addi %while3A_235, %add3A_433 : i32
          %select_n3A_435 = arith.select %eq3A_430, %add3A_434, %while3A_235 : i32
          %eq3A_436 = arith.constant 2 : i32
          %eq3A_437 = arith.cmpi eq, %select_n3A_435, %eq3A_436 : i32
          %select_n3A_438 = arith.constant 0 : i32
          %select_n3A_439 = arith.select %eq3A_437, %select_n3A_438, %select_n3A_435 : i32
          scf.yield %select_n3A_315, %select_n3A_416, %select_n3A_336, %select_n3A_425, %select_n3A_439, %select_n3A_432 : i32, i32, i32, i32, i32, i32
        }
        %sub3A_143 = arith.constant 1 : i32
        %sub3A_144 = arith.subi %while3A_142#5, %sub3A_143 : i32
        %select_n3A_145 = arith.constant true
        %select_n3A_146 = arith.select %select_n3A_145, %sub3A_144, %while3A_142#5 : i32
        %eq3A_147 = arith.constant -1 : i32
        %eq3A_148 = arith.cmpi eq, %select_n3A_146, %eq3A_147 : i32
        %sub3A_149 = arith.constant 1 : i32
        %sub3A_150 = arith.subi %select_n3A, %sub3A_149 : i32
        %select_n3A_151 = arith.select %eq3A_148, %sub3A_150, %select_n3A_146 : i32
        %sub3A_152 = arith.constant 1 : i32
        %sub3A_153 = arith.subi %while3A_142#4, %sub3A_152 : i32
        %select_n3A_154 = arith.select %eq3A_148, %sub3A_153, %while3A_142#4 : i32
        %eq3A_155 = arith.constant -1 : i32
        %eq3A_156 = arith.cmpi eq, %select_n3A_154, %eq3A_155 : i32
        %select_n3A_157 = arith.constant 1 : i32
        %select_n3A_158 = arith.select %eq3A_156, %select_n3A_157, %select_n3A_154 : i32
        %sub3A_159 = arith.constant 1 : i32
        %sub3A_160 = arith.subi %mul3A_16, %sub3A_159 : i32
        %mul3A_161 = arith.constant 2 : i32
        %mul3A_162 = arith.muli %mul3A_161, %select_n3A : i32
        %eq3A_163 = arith.constant 0 : i32
        %eq3A_164 = arith.cmpi eq, %sub3A_160, %eq3A_163 : i32
        %sub3A_165 = arith.constant 1 : i32
        %sub3A_166 = arith.subi %mul3A_162, %sub3A_165 : i32
        %eq3A_167 = arith.cmpi eq, %sub3A_160, %sub3A_166 : i32
        %add3A_168 = arith.constant 0 : i32
        %add3A_169 = arith.addi %select_n3A_158, %add3A_168 : i32
        %add3A_170 = arith.addi %select_n3A_151, %select_n3A_14 : i32
        %sub3A_171 = arith.constant 1 : i32
        %sub3A_172 = arith.subi %select_n3A_151, %sub3A_171 : i32
        %select_n3A_173 = arith.constant true
        %select_n3A_174 = arith.select %select_n3A_173, %sub3A_172, %select_n3A_151 : i32
        %eq3A_175 = arith.constant -1 : i32
        %eq3A_176 = arith.cmpi eq, %select_n3A_174, %eq3A_175 : i32
        %sub3A_177 = arith.constant 1 : i32
        %sub3A_178 = arith.subi %select_n3A, %sub3A_177 : i32
        %select_n3A_179 = arith.select %eq3A_176, %sub3A_178, %select_n3A_174 : i32
        %sub3A_180 = arith.constant 1 : i32
        %sub3A_181 = arith.subi %select_n3A_158, %sub3A_180 : i32
        %select_n3A_182 = arith.select %eq3A_176, %sub3A_181, %select_n3A_158 : i32
        %eq3A_183 = arith.constant -1 : i32
        %eq3A_184 = arith.cmpi eq, %select_n3A_182, %eq3A_183 : i32
        %select_n3A_185 = arith.constant 1 : i32
        %select_n3A_186 = arith.select %eq3A_184, %select_n3A_185, %select_n3A_182 : i32
        %add3A_187 = arith.constant 0 : i32
        %add3A_188 = arith.addi %select_n3A_186, %add3A_187 : i32
        %add3A_189 = arith.addi %select_n3A_179, %select_n3A_14 : i32
        %add3A_190 = arith.constant 1 : i32
        %add3A_191 = arith.addi %select_n3A_151, %add3A_190 : i32
        %select_n3A_192 = arith.constant true
        %select_n3A_193 = arith.select %select_n3A_192, %add3A_191, %select_n3A_151 : i32
        %eq3A_194 = arith.cmpi eq, %select_n3A_193, %select_n3A : i32
        %select_n3A_195 = arith.constant 0 : i32
        %select_n3A_196 = arith.select %eq3A_194, %select_n3A_195, %select_n3A_193 : i32
        %add3A_197 = arith.constant 1 : i32
        %add3A_198 = arith.addi %select_n3A_158, %add3A_197 : i32
        %select_n3A_199 = arith.select %eq3A_194, %add3A_198, %select_n3A_158 : i32
        %eq3A_200 = arith.constant 2 : i32
        %eq3A_201 = arith.cmpi eq, %select_n3A_199, %eq3A_200 : i32
        %select_n3A_202 = arith.constant 0 : i32
        %select_n3A_203 = arith.select %eq3A_201, %select_n3A_202, %select_n3A_199 : i32
        %add3A_204 = arith.constant 0 : i32
        %add3A_205 = arith.addi %select_n3A_203, %add3A_204 : i32
        %add3A_206 = arith.addi %select_n3A_196, %select_n3A_14 : i32
        %add3A_207 = arith.constant 1 : i32
        %add3A_208 = arith.addi %select_n3A_196, %add3A_207 : i32
        %select_n3A_209 = arith.constant true
        %select_n3A_210 = arith.select %select_n3A_209, %add3A_208, %select_n3A_196 : i32
        %eq3A_211 = arith.cmpi eq, %select_n3A_210, %select_n3A : i32
        %select_n3A_212 = arith.constant 0 : i32
        %select_n3A_213 = arith.select %eq3A_211, %select_n3A_212, %select_n3A_210 : i32
        %add3A_214 = arith.constant 1 : i32
        %add3A_215 = arith.addi %select_n3A_203, %add3A_214 : i32
        %select_n3A_216 = arith.select %eq3A_211, %add3A_215, %select_n3A_203 : i32
        %eq3A_217 = arith.constant 2 : i32
        %eq3A_218 = arith.cmpi eq, %select_n3A_216, %eq3A_217 : i32
        %select_n3A_219 = arith.constant 0 : i32
        %select_n3A_220 = arith.select %eq3A_218, %select_n3A_219, %select_n3A_216 : i32
        %add3A_221 = arith.constant 0 : i32
        %add3A_222 = arith.addi %select_n3A_220, %add3A_221 : i32
        %add3A_223 = arith.addi %select_n3A_213, %select_n3A_14 : i32
        %convert_element_type3A_224 = arith.extui %eq3A_167 : i1 to i32
        %cond3A_225 = arith.constant 0 : i32
        %cond3A_226 = arith.cmpi ne, %convert_element_type3A_224, %cond3A_225 : i32
        scf.if %cond3A_226 {
        } else {
        }
        %convert_element_type3A_227 = arith.extui %eq3A_167 : i1 to i32
        %cond3A_228 = arith.constant 0 : i32
        %cond3A_229 = arith.cmpi ne, %convert_element_type3A_227, %cond3A_228 : i32
        scf.if %cond3A_229 {
        } else {
        }
      } else {
      }
      tpu.yield
    }) : () -> ()
    return
  }
}

#map = affine_map<(d0, d1) -> (0, 0)>
module attributes {stable_mosaic.version = 14 : i64} {
  func.func @gather_kernel(%arg0: i32, %arg1: i32, %arg2: memref<35840x256xf32, #tpu.memory_space<hbm>>, %arg3: memref<1x27648xi32, #tpu.memory_space<hbm>>, %arg4: memref<27648x256xf32, #tpu.memory_space<hbm>>) attributes {dimension_semantics = [#tpu.dimension_semantics<core_parallel>, #tpu.dimension_semantics<subcore_parallel>], iteration_bounds = array<i64: 2, 16>, scalar_prefetch = 0 : i64, scratch_operands = 0 : i64, tpu.core_type = #tpu.core_type<sc_vector_subcore>, window_params = [{transform_indices = #map}, {transform_indices = #map}, {transform_indices = #map}]} {
    %mul3A = arith.constant 1 : i32
    %mul3A_0 = arith.muli %arg1, %mul3A : i32
    %add3A = arith.constant 0 : i32
    %add3A_1 = arith.addi %add3A, %mul3A_0 : i32
    %mul3A_2 = arith.constant 16 : i32
    %mul3A_3 = arith.muli %arg0, %mul3A_2 : i32
    %add3A_4 = arith.addi %add3A_1, %mul3A_3 : i32
    %lt3A = arith.constant 24 : i32
    %lt3A_5 = arith.cmpi slt, %add3A_4, %lt3A : i32
    %jit3A = arith.constant 7 : i32
    %jit3A_6 = arith.constant 6 : i32
    %select_n3A = arith.select %lt3A_5, %jit3A, %jit3A_6 : i32
    %lt3A_7 = arith.constant 24 : i32
    %lt3A_8 = arith.cmpi slt, %add3A_4, %lt3A_7 : i32
    %mul3A_9 = arith.muli %add3A_4, %select_n3A : i32
    %mul3A_10 = arith.constant 6 : i32
    %mul3A_11 = arith.muli %add3A_4, %mul3A_10 : i32
    %add3A_12 = arith.constant 24 : i32
    %add3A_13 = arith.addi %mul3A_11, %add3A_12 : i32
    %select_n3A_14 = arith.select %lt3A_8, %mul3A_9, %add3A_13 : i32
    %mul3A_15 = arith.constant 1 : i32
    %mul3A_16 = arith.muli %mul3A_15, %select_n3A : i32
    "tpu.region"() ({
      %run_scoped3A = memref.alloca() : memref<2x1x128xi32, #tpu.memory_space<vmem>>
      %run_scoped3A_17 = tpu.sem_alloc : memref<2x!tpu.dma_semaphore, #tpu.memory_space<semaphore_mem>>
      %run_scoped3A_18 = memref.alloca() : memref<2x128x256xf32, #tpu.memory_space<vmem>>
      %run_scoped3A_19 = tpu.sem_alloc : memref<2x!tpu.dma_semaphore, #tpu.memory_space<semaphore_mem>>
      %gt3A = arith.constant 0 : i32
      %gt3A_20 = arith.cmpi sgt, %mul3A_16, %gt3A : i32
      %convert_element_type3A = arith.extui %gt3A_20 : i1 to i32
      %cond3A = arith.constant 0 : i32
      %cond3A_21 = arith.cmpi ne, %convert_element_type3A, %cond3A : i32
      scf.if %cond3A_21 {
        %mul3A_22 = arith.constant 1 : i32
        %mul3A_23 = arith.muli %mul3A_22, %select_n3A : i32
        %sub3A = arith.constant 1 : i32
        %sub3A_24 = arith.subi %mul3A_23, %sub3A : i32
        %eq3A = arith.constant 0 : i32
        %eq3A_25 = arith.cmpi eq, %sub3A_24, %eq3A : i32
        %add3A_26 = arith.constant 0 : i32
        %add3A_27 = arith.addi %add3A_26, %select_n3A_14 : i32
        %select_n3A_28 = arith.constant true
        %select_n3A_29 = arith.constant 0 : i32
        %select_n3A_30 = arith.constant -1 : i32
        %select_n3A_31 = arith.select %select_n3A_28, %select_n3A_30, %select_n3A_29 : i32
        %eq3A_32 = arith.constant -1 : i32
        %eq3A_33 = arith.cmpi eq, %select_n3A_31, %eq3A_32 : i32
        %sub3A_34 = arith.constant 1 : i32
        %sub3A_35 = arith.subi %select_n3A, %sub3A_34 : i32
        %select_n3A_36 = arith.select %eq3A_33, %sub3A_35, %select_n3A_31 : i32
        %add3A_37 = arith.addi %select_n3A_36, %select_n3A_14 : i32
        %select_n3A_38 = arith.constant true
        %select_n3A_39 = arith.constant 0 : i32
        %select_n3A_40 = arith.constant 1 : i32
        %select_n3A_41 = arith.select %select_n3A_38, %select_n3A_40, %select_n3A_39 : i32
        %eq3A_42 = arith.cmpi eq, %select_n3A_41, %select_n3A : i32
        %select_n3A_43 = arith.constant 0 : i32
        %select_n3A_44 = arith.select %eq3A_42, %select_n3A_43, %select_n3A_41 : i32
        %add3A_45 = arith.addi %select_n3A_44, %select_n3A_14 : i32
        %add3A_46 = arith.constant 1 : i32
        %add3A_47 = arith.addi %select_n3A_44, %add3A_46 : i32
        %select_n3A_48 = arith.constant true
        %select_n3A_49 = arith.select %select_n3A_48, %add3A_47, %select_n3A_44 : i32
        %eq3A_50 = arith.cmpi eq, %select_n3A_49, %select_n3A : i32
        %select_n3A_51 = arith.constant 0 : i32
        %select_n3A_52 = arith.select %eq3A_50, %select_n3A_51, %select_n3A_49 : i32
        %add3A_53 = arith.addi %select_n3A_52, %select_n3A_14 : i32
        "tpu.trace_start"() <{level = 10 : i32, message = "ep_initialize_0"}> : () -> ()
        %rem3A = arith.constant 0 : i32
        %rem3A_54 = arith.constant 2 : i32
        %rem3A_55 = arith.remui %rem3A, %rem3A_54 : i32
        %mul3A_56 = arith.constant 128 : i32
        %mul3A_57 = arith.muli %mul3A_56, %add3A_27 : i32
        %dma_start3A = arith.constant 0 : i32
        %dma_start3A_58 = arith.constant 0 : i32
        %dma_start3A_59 = tpu.memref_slice %run_scoped3A[%rem3A_55, %dma_start3A, %dma_start3A_58] : memref<2x1x128xi32, #tpu.memory_space<vmem>> -> memref<1x1x128xi32, #tpu.memory_space<vmem>>
        %dma_start3A_60 = tpu.memref_squeeze %dma_start3A_59 : memref<1x1x128xi32, #tpu.memory_space<vmem>> -> memref<1x128xi32, #tpu.memory_space<vmem>>
        %dma_start3A_61 = arith.constant 0 : i32
        %dma_start3A_62 = tpu.memref_slice %arg3[%dma_start3A_61, %mul3A_57] : memref<1x27648xi32, #tpu.memory_space<hbm>> -> memref<1x128xi32, #tpu.memory_space<hbm>>
        %dma_start3A_63 = tpu.memref_slice %run_scoped3A_17[%rem3A_55] : memref<2x!tpu.dma_semaphore, #tpu.memory_space<semaphore_mem>> -> memref<1x!tpu.dma_semaphore, #tpu.memory_space<semaphore_mem>>
        %dma_start3A_64 = tpu.memref_squeeze %dma_start3A_63 : memref<1x!tpu.dma_semaphore, #tpu.memory_space<semaphore_mem>> -> memref<!tpu.dma_semaphore, #tpu.memory_space<semaphore_mem>>
        %dma_start3A_65 = arith.constant 0 : i32
        %dma_start3A_66 = arith.constant 0 : i32
        %dma_start3A_67 = tpu.memref_slice %run_scoped3A[%rem3A_55, %dma_start3A_65, %dma_start3A_66] : memref<2x1x128xi32, #tpu.memory_space<vmem>> -> memref<1x1x128xi32, #tpu.memory_space<vmem>>
        %dma_start3A_68 = tpu.memref_squeeze %dma_start3A_67 : memref<1x1x128xi32, #tpu.memory_space<vmem>> -> memref<1x128xi32, #tpu.memory_space<vmem>>
        %dma_start3A_69 = arith.constant 0 : i32
        %dma_start3A_70 = tpu.memref_slice %arg3[%dma_start3A_69, %mul3A_57] : memref<1x27648xi32, #tpu.memory_space<hbm>> -> memref<1x128xi32, #tpu.memory_space<hbm>>
        tpu.enqueue_dma source(%dma_start3A_70 : memref<1x128xi32, #tpu.memory_space<hbm>>) target(%dma_start3A_68 : memref<1x128xi32, #tpu.memory_space<vmem>>) target_semaphore(%dma_start3A_64 : memref<!tpu.dma_semaphore, #tpu.memory_space<semaphore_mem>>)
        %add3A_71 = arith.constant 0 : i32
        %add3A_72 = arith.constant 1 : i32
        %add3A_73 = arith.addi %add3A_71, %add3A_72 : i32
        %select_n3A_74 = arith.constant true
        %select_n3A_75 = arith.constant 0 : i32
        %select_n3A_76 = arith.select %select_n3A_74, %add3A_73, %select_n3A_75 : i32
        %while3A = arith.constant 0 : i32
        %while3A_77 = arith.constant 0 : i32
        %while3A_78 = arith.constant 0 : i32
        %while3A_79 = arith.constant 0 : i32
        %while3A_80 = arith.constant 0 : i32
        "tpu.trace_stop"() : () -> ()
        %while3A_81 = arith.subi %mul3A_16, %while3A : i32
        %while3A_82 = arith.addi %while3A, %while3A_81 : i32
        %while3A_83 = arith.constant 1 : i32
        %while3A_84 = arith.divsi %while3A_81, %while3A_83 : i32
        %while3A_85 = arith.muli %while3A_84, %while3A_83 : i32
        %while3A_86 = arith.addi %while3A, %while3A_85 : i32
        %while3A_87 = arith.constant 1 : i32
        %while3A_88:5 = scf.for %while3A_142 = %while3A to %while3A_86 step %while3A_87 iter_args(%while3A_143 = %select_n3A_76, %while3A_144 = %while3A_77, %while3A_145 = %while3A_78, %while3A_146 = %while3A_79, %while3A_147 = %while3A_80) -> (i32, i32, i32, i32, i32)  : i32 {
          %mul3A_148 = arith.constant 1 : i32
          %mul3A_149 = arith.muli %mul3A_148, %select_n3A : i32
          %eq3A_150 = arith.constant 0 : i32
          %eq3A_151 = arith.cmpi eq, %while3A_142, %eq3A_150 : i32
          %sub3A_152 = arith.constant 1 : i32
          %sub3A_153 = arith.subi %mul3A_149, %sub3A_152 : i32
          %eq3A_154 = arith.cmpi eq, %while3A_142, %sub3A_153 : i32
          %add3A_155 = arith.addi %while3A_147, %select_n3A_14 : i32
          %sub3A_156 = arith.constant 1 : i32
          %sub3A_157 = arith.subi %while3A_147, %sub3A_156 : i32
          %select_n3A_158 = arith.constant true
          %select_n3A_159 = arith.select %select_n3A_158, %sub3A_157, %while3A_147 : i32
          %eq3A_160 = arith.constant -1 : i32
          %eq3A_161 = arith.cmpi eq, %select_n3A_159, %eq3A_160 : i32
          %sub3A_162 = arith.constant 1 : i32
          %sub3A_163 = arith.subi %select_n3A, %sub3A_162 : i32
          %select_n3A_164 = arith.select %eq3A_161, %sub3A_163, %select_n3A_159 : i32
          %add3A_165 = arith.addi %select_n3A_164, %select_n3A_14 : i32
          %add3A_166 = arith.constant 1 : i32
          %add3A_167 = arith.addi %while3A_147, %add3A_166 : i32
          %select_n3A_168 = arith.constant true
          %select_n3A_169 = arith.select %select_n3A_168, %add3A_167, %while3A_147 : i32
          %eq3A_170 = arith.cmpi eq, %select_n3A_169, %select_n3A : i32
          %select_n3A_171 = arith.constant 0 : i32
          %select_n3A_172 = arith.select %eq3A_170, %select_n3A_171, %select_n3A_169 : i32
          %add3A_173 = arith.addi %select_n3A_172, %select_n3A_14 : i32
          %add3A_174 = arith.constant 1 : i32
          %add3A_175 = arith.addi %select_n3A_172, %add3A_174 : i32
          %select_n3A_176 = arith.constant true
          %select_n3A_177 = arith.select %select_n3A_176, %add3A_175, %select_n3A_172 : i32
          %eq3A_178 = arith.cmpi eq, %select_n3A_177, %select_n3A : i32
          %select_n3A_179 = arith.constant 0 : i32
          %select_n3A_180 = arith.select %eq3A_178, %select_n3A_179, %select_n3A_177 : i32
          %add3A_181 = arith.addi %select_n3A_180, %select_n3A_14 : i32
          %ne3A = arith.cmpi ne, %add3A_155, %add3A_173 : i32
          %or3A = arith.constant false
          %or3A_182 = arith.ori %or3A, %ne3A : i1
          %sub3A_183 = arith.constant 2 : i32
          %sub3A_184 = arith.subi %mul3A_149, %sub3A_183 : i32
          %add3A_185 = arith.constant 1 : i32
          %add3A_186 = arith.addi %sub3A_184, %add3A_185 : i32
          %ge3A = arith.cmpi sge, %while3A_142, %add3A_186 : i32
          %not3A = arith.constant true
          %not3A_187 = arith.xori %ge3A, %not3A : i1
          %and3A = arith.andi %or3A_182, %not3A_187 : i1
          %convert_element_type3A_188 = arith.extui %and3A : i1 to i32
          %cond3A_189 = arith.constant 0 : i32
          %cond3A_190 = arith.cmpi ne, %convert_element_type3A_188, %cond3A_189 : i32
          scf.if %cond3A_190 {
            "tpu.trace_start"() <{level = 10 : i32, message = "ep_copy_in"}> : () -> ()
            %rem3A_294 = arith.constant 2 : i32
            %rem3A_295 = arith.remui %while3A_143, %rem3A_294 : i32
            %mul3A_296 = arith.constant 128 : i32
            %mul3A_297 = arith.muli %mul3A_296, %add3A_173 : i32
            %dma_start3A_298 = arith.constant 0 : i32
            %dma_start3A_299 = arith.constant 0 : i32
            %dma_start3A_300 = tpu.memref_slice %run_scoped3A[%rem3A_295, %dma_start3A_298, %dma_start3A_299] : memref<2x1x128xi32, #tpu.memory_space<vmem>> -> memref<1x1x128xi32, #tpu.memory_space<vmem>>
            %dma_start3A_301 = tpu.memref_squeeze %dma_start3A_300 : memref<1x1x128xi32, #tpu.memory_space<vmem>> -> memref<1x128xi32, #tpu.memory_space<vmem>>
            %dma_start3A_302 = arith.constant 0 : i32
            %dma_start3A_303 = tpu.memref_slice %arg3[%dma_start3A_302, %mul3A_297] : memref<1x27648xi32, #tpu.memory_space<hbm>> -> memref<1x128xi32, #tpu.memory_space<hbm>>
            %dma_start3A_304 = tpu.memref_slice %run_scoped3A_17[%rem3A_295] : memref<2x!tpu.dma_semaphore, #tpu.memory_space<semaphore_mem>> -> memref<1x!tpu.dma_semaphore, #tpu.memory_space<semaphore_mem>>
            %dma_start3A_305 = tpu.memref_squeeze %dma_start3A_304 : memref<1x!tpu.dma_semaphore, #tpu.memory_space<semaphore_mem>> -> memref<!tpu.dma_semaphore, #tpu.memory_space<semaphore_mem>>
            %dma_start3A_306 = arith.constant 0 : i32
            %dma_start3A_307 = arith.constant 0 : i32
            %dma_start3A_308 = tpu.memref_slice %run_scoped3A[%rem3A_295, %dma_start3A_306, %dma_start3A_307] : memref<2x1x128xi32, #tpu.memory_space<vmem>> -> memref<1x1x128xi32, #tpu.memory_space<vmem>>
            %dma_start3A_309 = tpu.memref_squeeze %dma_start3A_308 : memref<1x1x128xi32, #tpu.memory_space<vmem>> -> memref<1x128xi32, #tpu.memory_space<vmem>>
            %dma_start3A_310 = arith.constant 0 : i32
            %dma_start3A_311 = tpu.memref_slice %arg3[%dma_start3A_310, %mul3A_297] : memref<1x27648xi32, #tpu.memory_space<hbm>> -> memref<1x128xi32, #tpu.memory_space<hbm>>
            tpu.enqueue_dma source(%dma_start3A_311 : memref<1x128xi32, #tpu.memory_space<hbm>>) target(%dma_start3A_309 : memref<1x128xi32, #tpu.memory_space<vmem>>) target_semaphore(%dma_start3A_305 : memref<!tpu.dma_semaphore, #tpu.memory_space<semaphore_mem>>)
            "tpu.trace_stop"() : () -> ()
          } else {
          }
          %and3A_191 = arith.constant true
          %and3A_192 = arith.andi %and3A, %and3A_191 : i1
          %add3A_193 = arith.constant 1 : i32
          %add3A_194 = arith.addi %while3A_143, %add3A_193 : i32
          %select_n3A_195 = arith.select %and3A_192, %add3A_194, %while3A_143 : i32
          %ne3A_196 = arith.cmpi ne, %add3A_155, %add3A_173 : i32
          %or3A_197 = arith.constant false
          %or3A_198 = arith.ori %or3A_197, %ne3A_196 : i1
          %or3A_199 = arith.constant false
          %or3A_200 = arith.ori %or3A_198, %or3A_199 : i1
          %sub3A_201 = arith.constant 2 : i32
          %sub3A_202 = arith.subi %mul3A_149, %sub3A_201 : i32
          %add3A_203 = arith.constant 1 : i32
          %add3A_204 = arith.addi %sub3A_202, %add3A_203 : i32
          %ge3A_205 = arith.cmpi sge, %while3A_142, %add3A_204 : i32
          %not3A_206 = arith.constant true
          %not3A_207 = arith.xori %ge3A_205, %not3A_206 : i1
          %and3A_208 = arith.andi %or3A_200, %not3A_207 : i1
          %ne3A_209 = arith.cmpi ne, %add3A_155, %add3A_165 : i32
          %or3A_210 = arith.constant false
          %or3A_211 = arith.ori %or3A_210, %ne3A_209 : i1
          %or3A_212 = arith.ori %or3A_211, %eq3A_151 : i1
          %convert_element_type3A_213 = arith.extui %or3A_212 : i1 to i32
          %cond3A_214 = arith.constant 0 : i32
          %cond3A_215 = arith.cmpi ne, %convert_element_type3A_213, %cond3A_214 : i32
          scf.if %cond3A_215 {
            "tpu.trace_start"() <{level = 10 : i32, message = "ep_wait_in"}> : () -> ()
            %mul3A_294 = arith.constant 128 : i32
            %mul3A_295 = arith.muli %mul3A_294, %add3A_155 : i32
            %rem3A_296 = arith.constant 2 : i32
            %rem3A_297 = arith.remui %while3A_144, %rem3A_296 : i32
            %dma_wait3A = arith.constant 0 : i32
            %dma_wait3A_298 = arith.constant 0 : i32
            %dma_wait3A_299 = tpu.memref_slice %run_scoped3A[%rem3A_297, %dma_wait3A, %dma_wait3A_298] : memref<2x1x128xi32, #tpu.memory_space<vmem>> -> memref<1x1x128xi32, #tpu.memory_space<vmem>>
            %dma_wait3A_300 = tpu.memref_squeeze %dma_wait3A_299 : memref<1x1x128xi32, #tpu.memory_space<vmem>> -> memref<1x128xi32, #tpu.memory_space<vmem>>
            %dma_wait3A_301 = arith.constant 0 : i32
            %dma_wait3A_302 = tpu.memref_slice %arg3[%dma_wait3A_301, %mul3A_295] : memref<1x27648xi32, #tpu.memory_space<hbm>> -> memref<1x128xi32, #tpu.memory_space<hbm>>
            %dma_wait3A_303 = tpu.memref_slice %run_scoped3A_17[%rem3A_297] : memref<2x!tpu.dma_semaphore, #tpu.memory_space<semaphore_mem>> -> memref<1x!tpu.dma_semaphore, #tpu.memory_space<semaphore_mem>>
            %dma_wait3A_304 = tpu.memref_squeeze %dma_wait3A_303 : memref<1x!tpu.dma_semaphore, #tpu.memory_space<semaphore_mem>> -> memref<!tpu.dma_semaphore, #tpu.memory_space<semaphore_mem>>
            %dma_wait3A_305 = arith.constant 0 : i32
            %dma_wait3A_306 = arith.constant 0 : i32
            %dma_wait3A_307 = tpu.memref_slice %run_scoped3A[%rem3A_297, %dma_wait3A_305, %dma_wait3A_306] : memref<2x1x128xi32, #tpu.memory_space<vmem>> -> memref<1x1x128xi32, #tpu.memory_space<vmem>>
            %dma_wait3A_308 = tpu.memref_squeeze %dma_wait3A_307 : memref<1x1x128xi32, #tpu.memory_space<vmem>> -> memref<1x128xi32, #tpu.memory_space<vmem>>
            %dma_wait3A_309 = arith.constant 0 : i32
            %dma_wait3A_310 = tpu.memref_slice %arg3[%dma_wait3A_309, %mul3A_295] : memref<1x27648xi32, #tpu.memory_space<hbm>> -> memref<1x128xi32, #tpu.memory_space<hbm>>
            tpu.wait_dma2 semaphore(%dma_wait3A_304 : memref<!tpu.dma_semaphore, #tpu.memory_space<semaphore_mem>>) src(%dma_wait3A_310 : memref<1x128xi32, #tpu.memory_space<hbm>>) dst(%dma_wait3A_308 : memref<1x128xi32, #tpu.memory_space<vmem>>)
            "tpu.trace_stop"() : () -> ()
          } else {
          }
          %ne3A_216 = arith.cmpi ne, %add3A_155, %add3A_165 : i32
          %or3A_217 = arith.constant false
          %or3A_218 = arith.ori %or3A_217, %ne3A_216 : i1
          %or3A_219 = arith.constant false
          %or3A_220 = arith.ori %or3A_218, %or3A_219 : i1
          %or3A_221 = arith.ori %or3A_220, %eq3A_151 : i1
          %convert_element_type3A_222 = arith.extui %or3A_221 : i1 to i32
          %cond3A_223 = arith.constant 0 : i32
          %cond3A_224 = arith.cmpi ne, %convert_element_type3A_222, %cond3A_223 : i32
          scf.if %cond3A_224 {
          } else {
          }
          %rem3A_225 = arith.constant 2 : i32
          %rem3A_226 = arith.remui %while3A_144, %rem3A_225 : i32
          %rem3A_227 = arith.constant 2 : i32
          %rem3A_228 = arith.remui %while3A_145, %rem3A_227 : i32
          %run_scoped3A_229 = arith.constant 0 : i32
          "tpu.trace_start"() <{level = 10 : i32, message = "ep_run_kernel"}> : () -> ()
          "tpu.region"() ({
            %run_scoped3A_294 = tpu.sem_alloc : memref<!tpu.dma_semaphore, #tpu.memory_space<semaphore_mem>>
            %dma_start3A_295 = arith.constant 0 : i32
            %dma_start3A_296 = arith.constant 0 : i32
            %dma_start3A_297 = tpu.memref_slice %run_scoped3A_18[%rem3A_228, %dma_start3A_295, %dma_start3A_296] : memref<2x128x256xf32, #tpu.memory_space<vmem>> -> memref<1x128x256xf32, #tpu.memory_space<vmem>>
            %dma_start3A_298 = tpu.memref_squeeze %dma_start3A_297 : memref<1x128x256xf32, #tpu.memory_space<vmem>> -> memref<128x256xf32, #tpu.memory_space<vmem>>
            %dma_start3A_299 = arith.constant 0 : i32
            %dma_start3A_300 = arith.constant 0 : i32
            %dma_start3A_301 = tpu.memref_slice %run_scoped3A[%rem3A_226, %dma_start3A_299, %dma_start3A_300] : memref<2x1x128xi32, #tpu.memory_space<vmem>> -> memref<1x1x128xi32, #tpu.memory_space<vmem>>
            %dma_start3A_302 = tpu.memref_squeeze %dma_start3A_301 : memref<1x1x128xi32, #tpu.memory_space<vmem>> -> memref<1x128xi32, #tpu.memory_space<vmem>>
            %dma_start3A_303 = arith.constant 0 : i32
            %dma_start3A_304 = tpu.memref_slice %dma_start3A_302[%run_scoped3A_229, %dma_start3A_303] : memref<1x128xi32, #tpu.memory_space<vmem>> -> memref<1x128xi32, #tpu.memory_space<vmem>>
            %dma_start3A_305 = tpu.memref_squeeze %dma_start3A_304 : memref<1x128xi32, #tpu.memory_space<vmem>> -> memref<128xi32, #tpu.memory_space<vmem>>
            %dma_start3A_306 = arith.constant 0 : i32
            %dma_start3A_307 = arith.constant 0 : i32
            %dma_start3A_308 = tpu.memref_slice %arg2[%dma_start3A_306, %dma_start3A_307] : memref<35840x256xf32, #tpu.memory_space<hbm>> -> memref<35840x256xf32, #tpu.memory_space<hbm>>
            tpu.enqueue_indirect_dma source(%dma_start3A_308 : memref<35840x256xf32, #tpu.memory_space<hbm>>) target(%dma_start3A_298 : memref<128x256xf32, #tpu.memory_space<vmem>>) offsets(%dma_start3A_305 : memref<128xi32, #tpu.memory_space<vmem>>) semaphore(%run_scoped3A_294 : memref<!tpu.dma_semaphore, #tpu.memory_space<semaphore_mem>>)
            %dma_wait3A = arith.constant 0 : i32
            %dma_wait3A_309 = arith.constant 0 : i32
            %dma_wait3A_310 = tpu.memref_slice %run_scoped3A_18[%rem3A_228, %dma_wait3A, %dma_wait3A_309] : memref<2x128x256xf32, #tpu.memory_space<vmem>> -> memref<1x128x256xf32, #tpu.memory_space<vmem>>
            %dma_wait3A_311 = tpu.memref_squeeze %dma_wait3A_310 : memref<1x128x256xf32, #tpu.memory_space<vmem>> -> memref<128x256xf32, #tpu.memory_space<vmem>>
            %dma_wait3A_312 = arith.constant 0 : i32
            %dma_wait3A_313 = arith.constant 0 : i32
            %dma_wait3A_314 = tpu.memref_slice %run_scoped3A[%rem3A_226, %dma_wait3A_312, %dma_wait3A_313] : memref<2x1x128xi32, #tpu.memory_space<vmem>> -> memref<1x1x128xi32, #tpu.memory_space<vmem>>
            %dma_wait3A_315 = tpu.memref_squeeze %dma_wait3A_314 : memref<1x1x128xi32, #tpu.memory_space<vmem>> -> memref<1x128xi32, #tpu.memory_space<vmem>>
            %dma_wait3A_316 = arith.constant 0 : i32
            %dma_wait3A_317 = tpu.memref_slice %dma_wait3A_315[%run_scoped3A_229, %dma_wait3A_316] : memref<1x128xi32, #tpu.memory_space<vmem>> -> memref<1x128xi32, #tpu.memory_space<vmem>>
            %dma_wait3A_318 = tpu.memref_squeeze %dma_wait3A_317 : memref<1x128xi32, #tpu.memory_space<vmem>> -> memref<128xi32, #tpu.memory_space<vmem>>
            %dma_wait3A_319 = arith.constant 0 : i32
            %dma_wait3A_320 = arith.constant 0 : i32
            %dma_wait3A_321 = tpu.memref_slice %arg2[%dma_wait3A_319, %dma_wait3A_320] : memref<35840x256xf32, #tpu.memory_space<hbm>> -> memref<35840x256xf32, #tpu.memory_space<hbm>>
            tpu.wait_indirect_dma semaphore(%run_scoped3A_294 : memref<!tpu.dma_semaphore, #tpu.memory_space<semaphore_mem>>) src(%dma_wait3A_321 : memref<35840x256xf32, #tpu.memory_space<hbm>>) dst(%dma_wait3A_311 : memref<128x256xf32, #tpu.memory_space<vmem>>)
            tpu.yield
          }) : () -> ()
          "tpu.trace_stop"() : () -> ()
          %ne3A_230 = arith.cmpi ne, %add3A_155, %add3A_173 : i32
          %or3A_231 = arith.constant false
          %or3A_232 = arith.ori %or3A_231, %ne3A_230 : i1
          %or3A_233 = arith.ori %or3A_232, %eq3A_154 : i1
          %convert_element_type3A_234 = arith.extui %or3A_233 : i1 to i32
          %cond3A_235 = arith.constant 0 : i32
          %cond3A_236 = arith.cmpi ne, %convert_element_type3A_234, %cond3A_235 : i32
          scf.if %cond3A_236 {
          } else {
          }
          %and3A_237 = arith.constant false
          %and3A_238 = arith.andi %or3A_233, %and3A_237 : i1
          %ne3A_239 = arith.cmpi ne, %add3A_155, %add3A_173 : i32
          %or3A_240 = arith.constant false
          %or3A_241 = arith.ori %or3A_240, %ne3A_239 : i1
          %or3A_242 = arith.constant false
          %or3A_243 = arith.ori %or3A_241, %or3A_242 : i1
          %or3A_244 = arith.ori %or3A_243, %eq3A_154 : i1
          %convert_element_type3A_245 = arith.extui %or3A_244 : i1 to i32
          %cond3A_246 = arith.constant 0 : i32
          %cond3A_247 = arith.cmpi ne, %convert_element_type3A_245, %cond3A_246 : i32
          scf.if %cond3A_247 {
            "tpu.trace_start"() <{level = 10 : i32, message = "ep_copy_out"}> : () -> ()
            %rem3A_294 = arith.constant 2 : i32
            %rem3A_295 = arith.remui %while3A_145, %rem3A_294 : i32
            %mul3A_296 = arith.constant 128 : i32
            %mul3A_297 = arith.muli %mul3A_296, %add3A_155 : i32
            %dma_start3A_298 = arith.constant 0 : i32
            %dma_start3A_299 = arith.constant 0 : i32
            %dma_start3A_300 = tpu.memref_slice %run_scoped3A_18[%rem3A_295, %dma_start3A_298, %dma_start3A_299] : memref<2x128x256xf32, #tpu.memory_space<vmem>> -> memref<1x128x256xf32, #tpu.memory_space<vmem>>
            %dma_start3A_301 = tpu.memref_squeeze %dma_start3A_300 : memref<1x128x256xf32, #tpu.memory_space<vmem>> -> memref<128x256xf32, #tpu.memory_space<vmem>>
            %dma_start3A_302 = arith.constant 0 : i32
            %dma_start3A_303 = tpu.memref_slice %arg4[%mul3A_297, %dma_start3A_302] : memref<27648x256xf32, #tpu.memory_space<hbm>> -> memref<128x256xf32, #tpu.memory_space<hbm>>
            %dma_start3A_304 = tpu.memref_slice %run_scoped3A_19[%rem3A_295] : memref<2x!tpu.dma_semaphore, #tpu.memory_space<semaphore_mem>> -> memref<1x!tpu.dma_semaphore, #tpu.memory_space<semaphore_mem>>
            %dma_start3A_305 = tpu.memref_squeeze %dma_start3A_304 : memref<1x!tpu.dma_semaphore, #tpu.memory_space<semaphore_mem>> -> memref<!tpu.dma_semaphore, #tpu.memory_space<semaphore_mem>>
            %dma_start3A_306 = arith.constant 0 : i32
            %dma_start3A_307 = tpu.memref_slice %arg4[%mul3A_297, %dma_start3A_306] : memref<27648x256xf32, #tpu.memory_space<hbm>> -> memref<128x256xf32, #tpu.memory_space<hbm>>
            %dma_start3A_308 = arith.constant 0 : i32
            %dma_start3A_309 = arith.constant 0 : i32
            %dma_start3A_310 = tpu.memref_slice %run_scoped3A_18[%rem3A_295, %dma_start3A_308, %dma_start3A_309] : memref<2x128x256xf32, #tpu.memory_space<vmem>> -> memref<1x128x256xf32, #tpu.memory_space<vmem>>
            %dma_start3A_311 = tpu.memref_squeeze %dma_start3A_310 : memref<1x128x256xf32, #tpu.memory_space<vmem>> -> memref<128x256xf32, #tpu.memory_space<vmem>>
            tpu.enqueue_dma source(%dma_start3A_311 : memref<128x256xf32, #tpu.memory_space<vmem>>) target(%dma_start3A_307 : memref<128x256xf32, #tpu.memory_space<hbm>>) target_semaphore(%dma_start3A_305 : memref<!tpu.dma_semaphore, #tpu.memory_space<semaphore_mem>>)
            "tpu.trace_stop"() : () -> ()
          } else {
          }
          %and3A_248 = arith.constant true
          %and3A_249 = arith.andi %or3A_244, %and3A_248 : i1
          %add3A_250 = arith.constant 1 : i32
          %add3A_251 = arith.addi %while3A_145, %add3A_250 : i32
          %select_n3A_252 = arith.select %and3A_249, %add3A_251, %while3A_145 : i32
          %ne3A_253 = arith.cmpi ne, %add3A_155, %add3A_165 : i32
          %or3A_254 = arith.constant false
          %or3A_255 = arith.ori %or3A_254, %ne3A_253 : i1
          %not3A_256 = arith.constant true
          %not3A_257 = arith.xori %eq3A_151, %not3A_256 : i1
          %and3A_258 = arith.andi %or3A_255, %not3A_257 : i1
          %convert_element_type3A_259 = arith.extui %and3A_258 : i1 to i32
          %cond3A_260 = arith.constant 0 : i32
          %cond3A_261 = arith.cmpi ne, %convert_element_type3A_259, %cond3A_260 : i32
          scf.if %cond3A_261 {
          } else {
          }
          %and3A_262 = arith.constant false
          %and3A_263 = arith.andi %and3A_258, %and3A_262 : i1
          %ne3A_264 = arith.cmpi ne, %add3A_155, %add3A_165 : i32
          %or3A_265 = arith.constant false
          %or3A_266 = arith.ori %or3A_265, %ne3A_264 : i1
          %or3A_267 = arith.constant false
          %or3A_268 = arith.ori %or3A_266, %or3A_267 : i1
          %not3A_269 = arith.constant true
          %not3A_270 = arith.xori %eq3A_151, %not3A_269 : i1
          %and3A_271 = arith.andi %or3A_268, %not3A_270 : i1
          %convert_element_type3A_272 = arith.extui %and3A_271 : i1 to i32
          %cond3A_273 = arith.constant 0 : i32
          %cond3A_274 = arith.cmpi ne, %convert_element_type3A_272, %cond3A_273 : i32
          scf.if %cond3A_274 {
            "tpu.trace_start"() <{level = 10 : i32, message = "ep_wait_out"}> : () -> ()
            %rem3A_294 = arith.constant 2 : i32
            %rem3A_295 = arith.remui %while3A_146, %rem3A_294 : i32
            %mul3A_296 = arith.constant 128 : i32
            %mul3A_297 = arith.muli %mul3A_296, %add3A_165 : i32
            %dma_wait3A = arith.constant 0 : i32
            %dma_wait3A_298 = arith.constant 0 : i32
            %dma_wait3A_299 = tpu.memref_slice %run_scoped3A_18[%rem3A_295, %dma_wait3A, %dma_wait3A_298] : memref<2x128x256xf32, #tpu.memory_space<vmem>> -> memref<1x128x256xf32, #tpu.memory_space<vmem>>
            %dma_wait3A_300 = tpu.memref_squeeze %dma_wait3A_299 : memref<1x128x256xf32, #tpu.memory_space<vmem>> -> memref<128x256xf32, #tpu.memory_space<vmem>>
            %dma_wait3A_301 = arith.constant 0 : i32
            %dma_wait3A_302 = tpu.memref_slice %arg4[%mul3A_297, %dma_wait3A_301] : memref<27648x256xf32, #tpu.memory_space<hbm>> -> memref<128x256xf32, #tpu.memory_space<hbm>>
            %dma_wait3A_303 = tpu.memref_slice %run_scoped3A_19[%rem3A_295] : memref<2x!tpu.dma_semaphore, #tpu.memory_space<semaphore_mem>> -> memref<1x!tpu.dma_semaphore, #tpu.memory_space<semaphore_mem>>
            %dma_wait3A_304 = tpu.memref_squeeze %dma_wait3A_303 : memref<1x!tpu.dma_semaphore, #tpu.memory_space<semaphore_mem>> -> memref<!tpu.dma_semaphore, #tpu.memory_space<semaphore_mem>>
            %dma_wait3A_305 = arith.constant 0 : i32
            %dma_wait3A_306 = tpu.memref_slice %arg4[%mul3A_297, %dma_wait3A_305] : memref<27648x256xf32, #tpu.memory_space<hbm>> -> memref<128x256xf32, #tpu.memory_space<hbm>>
            %dma_wait3A_307 = arith.constant 0 : i32
            %dma_wait3A_308 = arith.constant 0 : i32
            %dma_wait3A_309 = tpu.memref_slice %run_scoped3A_18[%rem3A_295, %dma_wait3A_307, %dma_wait3A_308] : memref<2x128x256xf32, #tpu.memory_space<vmem>> -> memref<1x128x256xf32, #tpu.memory_space<vmem>>
            %dma_wait3A_310 = tpu.memref_squeeze %dma_wait3A_309 : memref<1x128x256xf32, #tpu.memory_space<vmem>> -> memref<128x256xf32, #tpu.memory_space<vmem>>
            tpu.wait_dma2 semaphore(%dma_wait3A_304 : memref<!tpu.dma_semaphore, #tpu.memory_space<semaphore_mem>>) src(%dma_wait3A_310 : memref<128x256xf32, #tpu.memory_space<vmem>>) dst(%dma_wait3A_306 : memref<128x256xf32, #tpu.memory_space<hbm>>)
            "tpu.trace_stop"() : () -> ()
          } else {
          }
          %and3A_275 = arith.constant true
          %and3A_276 = arith.andi %and3A_271, %and3A_275 : i1
          %add3A_277 = arith.constant 1 : i32
          %add3A_278 = arith.addi %while3A_146, %add3A_277 : i32
          %select_n3A_279 = arith.select %and3A_276, %add3A_278, %while3A_146 : i32
          %ne3A_280 = arith.cmpi ne, %add3A_155, %add3A_173 : i32
          %or3A_281 = arith.constant false
          %or3A_282 = arith.ori %or3A_281, %ne3A_280 : i1
          %or3A_283 = arith.ori %or3A_282, %eq3A_154 : i1
          %add3A_284 = arith.constant 1 : i32
          %add3A_285 = arith.addi %while3A_144, %add3A_284 : i32
          %select_n3A_286 = arith.select %or3A_283, %add3A_285, %while3A_144 : i32
          %add3A_287 = arith.constant 1 : i32
          %add3A_288 = arith.addi %while3A_147, %add3A_287 : i32
          %select_n3A_289 = arith.constant true
          %select_n3A_290 = arith.select %select_n3A_289, %add3A_288, %while3A_147 : i32
          %eq3A_291 = arith.cmpi eq, %select_n3A_290, %select_n3A : i32
          %select_n3A_292 = arith.constant 0 : i32
          %select_n3A_293 = arith.select %eq3A_291, %select_n3A_292, %select_n3A_290 : i32
          scf.yield %select_n3A_195, %select_n3A_286, %select_n3A_252, %select_n3A_279, %select_n3A_293 : i32, i32, i32, i32, i32
        }
        %while3A_89 = arith.constant 1 : i32
        %while3A_90:5 = scf.for %while3A_142 = %while3A_86 to %while3A_82 step %while3A_89 iter_args(%while3A_143 = %while3A_88#0, %while3A_144 = %while3A_88#1, %while3A_145 = %while3A_88#2, %while3A_146 = %while3A_88#3, %while3A_147 = %while3A_88#4) -> (i32, i32, i32, i32, i32)  : i32 {
          %mul3A_148 = arith.constant 1 : i32
          %mul3A_149 = arith.muli %mul3A_148, %select_n3A : i32
          %eq3A_150 = arith.constant 0 : i32
          %eq3A_151 = arith.cmpi eq, %while3A_142, %eq3A_150 : i32
          %sub3A_152 = arith.constant 1 : i32
          %sub3A_153 = arith.subi %mul3A_149, %sub3A_152 : i32
          %eq3A_154 = arith.cmpi eq, %while3A_142, %sub3A_153 : i32
          %add3A_155 = arith.addi %while3A_147, %select_n3A_14 : i32
          %sub3A_156 = arith.constant 1 : i32
          %sub3A_157 = arith.subi %while3A_147, %sub3A_156 : i32
          %select_n3A_158 = arith.constant true
          %select_n3A_159 = arith.select %select_n3A_158, %sub3A_157, %while3A_147 : i32
          %eq3A_160 = arith.constant -1 : i32
          %eq3A_161 = arith.cmpi eq, %select_n3A_159, %eq3A_160 : i32
          %sub3A_162 = arith.constant 1 : i32
          %sub3A_163 = arith.subi %select_n3A, %sub3A_162 : i32
          %select_n3A_164 = arith.select %eq3A_161, %sub3A_163, %select_n3A_159 : i32
          %add3A_165 = arith.addi %select_n3A_164, %select_n3A_14 : i32
          %add3A_166 = arith.constant 1 : i32
          %add3A_167 = arith.addi %while3A_147, %add3A_166 : i32
          %select_n3A_168 = arith.constant true
          %select_n3A_169 = arith.select %select_n3A_168, %add3A_167, %while3A_147 : i32
          %eq3A_170 = arith.cmpi eq, %select_n3A_169, %select_n3A : i32
          %select_n3A_171 = arith.constant 0 : i32
          %select_n3A_172 = arith.select %eq3A_170, %select_n3A_171, %select_n3A_169 : i32
          %add3A_173 = arith.addi %select_n3A_172, %select_n3A_14 : i32
          %add3A_174 = arith.constant 1 : i32
          %add3A_175 = arith.addi %select_n3A_172, %add3A_174 : i32
          %select_n3A_176 = arith.constant true
          %select_n3A_177 = arith.select %select_n3A_176, %add3A_175, %select_n3A_172 : i32
          %eq3A_178 = arith.cmpi eq, %select_n3A_177, %select_n3A : i32
          %select_n3A_179 = arith.constant 0 : i32
          %select_n3A_180 = arith.select %eq3A_178, %select_n3A_179, %select_n3A_177 : i32
          %add3A_181 = arith.addi %select_n3A_180, %select_n3A_14 : i32
          %ne3A = arith.cmpi ne, %add3A_155, %add3A_173 : i32
          %or3A = arith.constant false
          %or3A_182 = arith.ori %or3A, %ne3A : i1
          %sub3A_183 = arith.constant 2 : i32
          %sub3A_184 = arith.subi %mul3A_149, %sub3A_183 : i32
          %add3A_185 = arith.constant 1 : i32
          %add3A_186 = arith.addi %sub3A_184, %add3A_185 : i32
          %ge3A = arith.cmpi sge, %while3A_142, %add3A_186 : i32
          %not3A = arith.constant true
          %not3A_187 = arith.xori %ge3A, %not3A : i1
          %and3A = arith.andi %or3A_182, %not3A_187 : i1
          %convert_element_type3A_188 = arith.extui %and3A : i1 to i32
          %cond3A_189 = arith.constant 0 : i32
          %cond3A_190 = arith.cmpi ne, %convert_element_type3A_188, %cond3A_189 : i32
          scf.if %cond3A_190 {
            "tpu.trace_start"() <{level = 10 : i32, message = "ep_copy_in"}> : () -> ()
            %rem3A_294 = arith.constant 2 : i32
            %rem3A_295 = arith.remui %while3A_143, %rem3A_294 : i32
            %mul3A_296 = arith.constant 128 : i32
            %mul3A_297 = arith.muli %mul3A_296, %add3A_173 : i32
            %dma_start3A_298 = arith.constant 0 : i32
            %dma_start3A_299 = arith.constant 0 : i32
            %dma_start3A_300 = tpu.memref_slice %run_scoped3A[%rem3A_295, %dma_start3A_298, %dma_start3A_299] : memref<2x1x128xi32, #tpu.memory_space<vmem>> -> memref<1x1x128xi32, #tpu.memory_space<vmem>>
            %dma_start3A_301 = tpu.memref_squeeze %dma_start3A_300 : memref<1x1x128xi32, #tpu.memory_space<vmem>> -> memref<1x128xi32, #tpu.memory_space<vmem>>
            %dma_start3A_302 = arith.constant 0 : i32
            %dma_start3A_303 = tpu.memref_slice %arg3[%dma_start3A_302, %mul3A_297] : memref<1x27648xi32, #tpu.memory_space<hbm>> -> memref<1x128xi32, #tpu.memory_space<hbm>>
            %dma_start3A_304 = tpu.memref_slice %run_scoped3A_17[%rem3A_295] : memref<2x!tpu.dma_semaphore, #tpu.memory_space<semaphore_mem>> -> memref<1x!tpu.dma_semaphore, #tpu.memory_space<semaphore_mem>>
            %dma_start3A_305 = tpu.memref_squeeze %dma_start3A_304 : memref<1x!tpu.dma_semaphore, #tpu.memory_space<semaphore_mem>> -> memref<!tpu.dma_semaphore, #tpu.memory_space<semaphore_mem>>
            %dma_start3A_306 = arith.constant 0 : i32
            %dma_start3A_307 = arith.constant 0 : i32
            %dma_start3A_308 = tpu.memref_slice %run_scoped3A[%rem3A_295, %dma_start3A_306, %dma_start3A_307] : memref<2x1x128xi32, #tpu.memory_space<vmem>> -> memref<1x1x128xi32, #tpu.memory_space<vmem>>
            %dma_start3A_309 = tpu.memref_squeeze %dma_start3A_308 : memref<1x1x128xi32, #tpu.memory_space<vmem>> -> memref<1x128xi32, #tpu.memory_space<vmem>>
            %dma_start3A_310 = arith.constant 0 : i32
            %dma_start3A_311 = tpu.memref_slice %arg3[%dma_start3A_310, %mul3A_297] : memref<1x27648xi32, #tpu.memory_space<hbm>> -> memref<1x128xi32, #tpu.memory_space<hbm>>
            tpu.enqueue_dma source(%dma_start3A_311 : memref<1x128xi32, #tpu.memory_space<hbm>>) target(%dma_start3A_309 : memref<1x128xi32, #tpu.memory_space<vmem>>) target_semaphore(%dma_start3A_305 : memref<!tpu.dma_semaphore, #tpu.memory_space<semaphore_mem>>)
            "tpu.trace_stop"() : () -> ()
          } else {
          }
          %and3A_191 = arith.constant true
          %and3A_192 = arith.andi %and3A, %and3A_191 : i1
          %add3A_193 = arith.constant 1 : i32
          %add3A_194 = arith.addi %while3A_143, %add3A_193 : i32
          %select_n3A_195 = arith.select %and3A_192, %add3A_194, %while3A_143 : i32
          %ne3A_196 = arith.cmpi ne, %add3A_155, %add3A_173 : i32
          %or3A_197 = arith.constant false
          %or3A_198 = arith.ori %or3A_197, %ne3A_196 : i1
          %or3A_199 = arith.constant false
          %or3A_200 = arith.ori %or3A_198, %or3A_199 : i1
          %sub3A_201 = arith.constant 2 : i32
          %sub3A_202 = arith.subi %mul3A_149, %sub3A_201 : i32
          %add3A_203 = arith.constant 1 : i32
          %add3A_204 = arith.addi %sub3A_202, %add3A_203 : i32
          %ge3A_205 = arith.cmpi sge, %while3A_142, %add3A_204 : i32
          %not3A_206 = arith.constant true
          %not3A_207 = arith.xori %ge3A_205, %not3A_206 : i1
          %and3A_208 = arith.andi %or3A_200, %not3A_207 : i1
          %ne3A_209 = arith.cmpi ne, %add3A_155, %add3A_165 : i32
          %or3A_210 = arith.constant false
          %or3A_211 = arith.ori %or3A_210, %ne3A_209 : i1
          %or3A_212 = arith.ori %or3A_211, %eq3A_151 : i1
          %convert_element_type3A_213 = arith.extui %or3A_212 : i1 to i32
          %cond3A_214 = arith.constant 0 : i32
          %cond3A_215 = arith.cmpi ne, %convert_element_type3A_213, %cond3A_214 : i32
          scf.if %cond3A_215 {
            "tpu.trace_start"() <{level = 10 : i32, message = "ep_wait_in"}> : () -> ()
            %mul3A_294 = arith.constant 128 : i32
            %mul3A_295 = arith.muli %mul3A_294, %add3A_155 : i32
            %rem3A_296 = arith.constant 2 : i32
            %rem3A_297 = arith.remui %while3A_144, %rem3A_296 : i32
            %dma_wait3A = arith.constant 0 : i32
            %dma_wait3A_298 = arith.constant 0 : i32
            %dma_wait3A_299 = tpu.memref_slice %run_scoped3A[%rem3A_297, %dma_wait3A, %dma_wait3A_298] : memref<2x1x128xi32, #tpu.memory_space<vmem>> -> memref<1x1x128xi32, #tpu.memory_space<vmem>>
            %dma_wait3A_300 = tpu.memref_squeeze %dma_wait3A_299 : memref<1x1x128xi32, #tpu.memory_space<vmem>> -> memref<1x128xi32, #tpu.memory_space<vmem>>
            %dma_wait3A_301 = arith.constant 0 : i32
            %dma_wait3A_302 = tpu.memref_slice %arg3[%dma_wait3A_301, %mul3A_295] : memref<1x27648xi32, #tpu.memory_space<hbm>> -> memref<1x128xi32, #tpu.memory_space<hbm>>
            %dma_wait3A_303 = tpu.memref_slice %run_scoped3A_17[%rem3A_297] : memref<2x!tpu.dma_semaphore, #tpu.memory_space<semaphore_mem>> -> memref<1x!tpu.dma_semaphore, #tpu.memory_space<semaphore_mem>>
            %dma_wait3A_304 = tpu.memref_squeeze %dma_wait3A_303 : memref<1x!tpu.dma_semaphore, #tpu.memory_space<semaphore_mem>> -> memref<!tpu.dma_semaphore, #tpu.memory_space<semaphore_mem>>
            %dma_wait3A_305 = arith.constant 0 : i32
            %dma_wait3A_306 = arith.constant 0 : i32
            %dma_wait3A_307 = tpu.memref_slice %run_scoped3A[%rem3A_297, %dma_wait3A_305, %dma_wait3A_306] : memref<2x1x128xi32, #tpu.memory_space<vmem>> -> memref<1x1x128xi32, #tpu.memory_space<vmem>>
            %dma_wait3A_308 = tpu.memref_squeeze %dma_wait3A_307 : memref<1x1x128xi32, #tpu.memory_space<vmem>> -> memref<1x128xi32, #tpu.memory_space<vmem>>
            %dma_wait3A_309 = arith.constant 0 : i32
            %dma_wait3A_310 = tpu.memref_slice %arg3[%dma_wait3A_309, %mul3A_295] : memref<1x27648xi32, #tpu.memory_space<hbm>> -> memref<1x128xi32, #tpu.memory_space<hbm>>
            tpu.wait_dma2 semaphore(%dma_wait3A_304 : memref<!tpu.dma_semaphore, #tpu.memory_space<semaphore_mem>>) src(%dma_wait3A_310 : memref<1x128xi32, #tpu.memory_space<hbm>>) dst(%dma_wait3A_308 : memref<1x128xi32, #tpu.memory_space<vmem>>)
            "tpu.trace_stop"() : () -> ()
          } else {
          }
          %ne3A_216 = arith.cmpi ne, %add3A_155, %add3A_165 : i32
          %or3A_217 = arith.constant false
          %or3A_218 = arith.ori %or3A_217, %ne3A_216 : i1
          %or3A_219 = arith.constant false
          %or3A_220 = arith.ori %or3A_218, %or3A_219 : i1
          %or3A_221 = arith.ori %or3A_220, %eq3A_151 : i1
          %convert_element_type3A_222 = arith.extui %or3A_221 : i1 to i32
          %cond3A_223 = arith.constant 0 : i32
          %cond3A_224 = arith.cmpi ne, %convert_element_type3A_222, %cond3A_223 : i32
          scf.if %cond3A_224 {
          } else {
          }
          %rem3A_225 = arith.constant 2 : i32
          %rem3A_226 = arith.remui %while3A_144, %rem3A_225 : i32
          %rem3A_227 = arith.constant 2 : i32
          %rem3A_228 = arith.remui %while3A_145, %rem3A_227 : i32
          %run_scoped3A_229 = arith.constant 0 : i32
          "tpu.trace_start"() <{level = 10 : i32, message = "ep_run_kernel"}> : () -> ()
          "tpu.region"() ({
            %run_scoped3A_294 = tpu.sem_alloc : memref<!tpu.dma_semaphore, #tpu.memory_space<semaphore_mem>>
            %dma_start3A_295 = arith.constant 0 : i32
            %dma_start3A_296 = arith.constant 0 : i32
            %dma_start3A_297 = tpu.memref_slice %run_scoped3A_18[%rem3A_228, %dma_start3A_295, %dma_start3A_296] : memref<2x128x256xf32, #tpu.memory_space<vmem>> -> memref<1x128x256xf32, #tpu.memory_space<vmem>>
            %dma_start3A_298 = tpu.memref_squeeze %dma_start3A_297 : memref<1x128x256xf32, #tpu.memory_space<vmem>> -> memref<128x256xf32, #tpu.memory_space<vmem>>
            %dma_start3A_299 = arith.constant 0 : i32
            %dma_start3A_300 = arith.constant 0 : i32
            %dma_start3A_301 = tpu.memref_slice %run_scoped3A[%rem3A_226, %dma_start3A_299, %dma_start3A_300] : memref<2x1x128xi32, #tpu.memory_space<vmem>> -> memref<1x1x128xi32, #tpu.memory_space<vmem>>
            %dma_start3A_302 = tpu.memref_squeeze %dma_start3A_301 : memref<1x1x128xi32, #tpu.memory_space<vmem>> -> memref<1x128xi32, #tpu.memory_space<vmem>>
            %dma_start3A_303 = arith.constant 0 : i32
            %dma_start3A_304 = tpu.memref_slice %dma_start3A_302[%run_scoped3A_229, %dma_start3A_303] : memref<1x128xi32, #tpu.memory_space<vmem>> -> memref<1x128xi32, #tpu.memory_space<vmem>>
            %dma_start3A_305 = tpu.memref_squeeze %dma_start3A_304 : memref<1x128xi32, #tpu.memory_space<vmem>> -> memref<128xi32, #tpu.memory_space<vmem>>
            %dma_start3A_306 = arith.constant 0 : i32
            %dma_start3A_307 = arith.constant 0 : i32
            %dma_start3A_308 = tpu.memref_slice %arg2[%dma_start3A_306, %dma_start3A_307] : memref<35840x256xf32, #tpu.memory_space<hbm>> -> memref<35840x256xf32, #tpu.memory_space<hbm>>
            tpu.enqueue_indirect_dma source(%dma_start3A_308 : memref<35840x256xf32, #tpu.memory_space<hbm>>) target(%dma_start3A_298 : memref<128x256xf32, #tpu.memory_space<vmem>>) offsets(%dma_start3A_305 : memref<128xi32, #tpu.memory_space<vmem>>) semaphore(%run_scoped3A_294 : memref<!tpu.dma_semaphore, #tpu.memory_space<semaphore_mem>>)
            %dma_wait3A = arith.constant 0 : i32
            %dma_wait3A_309 = arith.constant 0 : i32
            %dma_wait3A_310 = tpu.memref_slice %run_scoped3A_18[%rem3A_228, %dma_wait3A, %dma_wait3A_309] : memref<2x128x256xf32, #tpu.memory_space<vmem>> -> memref<1x128x256xf32, #tpu.memory_space<vmem>>
            %dma_wait3A_311 = tpu.memref_squeeze %dma_wait3A_310 : memref<1x128x256xf32, #tpu.memory_space<vmem>> -> memref<128x256xf32, #tpu.memory_space<vmem>>
            %dma_wait3A_312 = arith.constant 0 : i32
            %dma_wait3A_313 = arith.constant 0 : i32
            %dma_wait3A_314 = tpu.memref_slice %run_scoped3A[%rem3A_226, %dma_wait3A_312, %dma_wait3A_313] : memref<2x1x128xi32, #tpu.memory_space<vmem>> -> memref<1x1x128xi32, #tpu.memory_space<vmem>>
            %dma_wait3A_315 = tpu.memref_squeeze %dma_wait3A_314 : memref<1x1x128xi32, #tpu.memory_space<vmem>> -> memref<1x128xi32, #tpu.memory_space<vmem>>
            %dma_wait3A_316 = arith.constant 0 : i32
            %dma_wait3A_317 = tpu.memref_slice %dma_wait3A_315[%run_scoped3A_229, %dma_wait3A_316] : memref<1x128xi32, #tpu.memory_space<vmem>> -> memref<1x128xi32, #tpu.memory_space<vmem>>
            %dma_wait3A_318 = tpu.memref_squeeze %dma_wait3A_317 : memref<1x128xi32, #tpu.memory_space<vmem>> -> memref<128xi32, #tpu.memory_space<vmem>>
            %dma_wait3A_319 = arith.constant 0 : i32
            %dma_wait3A_320 = arith.constant 0 : i32
            %dma_wait3A_321 = tpu.memref_slice %arg2[%dma_wait3A_319, %dma_wait3A_320] : memref<35840x256xf32, #tpu.memory_space<hbm>> -> memref<35840x256xf32, #tpu.memory_space<hbm>>
            tpu.wait_indirect_dma semaphore(%run_scoped3A_294 : memref<!tpu.dma_semaphore, #tpu.memory_space<semaphore_mem>>) src(%dma_wait3A_321 : memref<35840x256xf32, #tpu.memory_space<hbm>>) dst(%dma_wait3A_311 : memref<128x256xf32, #tpu.memory_space<vmem>>)
            tpu.yield
          }) : () -> ()
          "tpu.trace_stop"() : () -> ()
          %ne3A_230 = arith.cmpi ne, %add3A_155, %add3A_173 : i32
          %or3A_231 = arith.constant false
          %or3A_232 = arith.ori %or3A_231, %ne3A_230 : i1
          %or3A_233 = arith.ori %or3A_232, %eq3A_154 : i1
          %convert_element_type3A_234 = arith.extui %or3A_233 : i1 to i32
          %cond3A_235 = arith.constant 0 : i32
          %cond3A_236 = arith.cmpi ne, %convert_element_type3A_234, %cond3A_235 : i32
          scf.if %cond3A_236 {
          } else {
          }
          %and3A_237 = arith.constant false
          %and3A_238 = arith.andi %or3A_233, %and3A_237 : i1
          %ne3A_239 = arith.cmpi ne, %add3A_155, %add3A_173 : i32
          %or3A_240 = arith.constant false
          %or3A_241 = arith.ori %or3A_240, %ne3A_239 : i1
          %or3A_242 = arith.constant false
          %or3A_243 = arith.ori %or3A_241, %or3A_242 : i1
          %or3A_244 = arith.ori %or3A_243, %eq3A_154 : i1
          %convert_element_type3A_245 = arith.extui %or3A_244 : i1 to i32
          %cond3A_246 = arith.constant 0 : i32
          %cond3A_247 = arith.cmpi ne, %convert_element_type3A_245, %cond3A_246 : i32
          scf.if %cond3A_247 {
            "tpu.trace_start"() <{level = 10 : i32, message = "ep_copy_out"}> : () -> ()
            %rem3A_294 = arith.constant 2 : i32
            %rem3A_295 = arith.remui %while3A_145, %rem3A_294 : i32
            %mul3A_296 = arith.constant 128 : i32
            %mul3A_297 = arith.muli %mul3A_296, %add3A_155 : i32
            %dma_start3A_298 = arith.constant 0 : i32
            %dma_start3A_299 = arith.constant 0 : i32
            %dma_start3A_300 = tpu.memref_slice %run_scoped3A_18[%rem3A_295, %dma_start3A_298, %dma_start3A_299] : memref<2x128x256xf32, #tpu.memory_space<vmem>> -> memref<1x128x256xf32, #tpu.memory_space<vmem>>
            %dma_start3A_301 = tpu.memref_squeeze %dma_start3A_300 : memref<1x128x256xf32, #tpu.memory_space<vmem>> -> memref<128x256xf32, #tpu.memory_space<vmem>>
            %dma_start3A_302 = arith.constant 0 : i32
            %dma_start3A_303 = tpu.memref_slice %arg4[%mul3A_297, %dma_start3A_302] : memref<27648x256xf32, #tpu.memory_space<hbm>> -> memref<128x256xf32, #tpu.memory_space<hbm>>
            %dma_start3A_304 = tpu.memref_slice %run_scoped3A_19[%rem3A_295] : memref<2x!tpu.dma_semaphore, #tpu.memory_space<semaphore_mem>> -> memref<1x!tpu.dma_semaphore, #tpu.memory_space<semaphore_mem>>
            %dma_start3A_305 = tpu.memref_squeeze %dma_start3A_304 : memref<1x!tpu.dma_semaphore, #tpu.memory_space<semaphore_mem>> -> memref<!tpu.dma_semaphore, #tpu.memory_space<semaphore_mem>>
            %dma_start3A_306 = arith.constant 0 : i32
            %dma_start3A_307 = tpu.memref_slice %arg4[%mul3A_297, %dma_start3A_306] : memref<27648x256xf32, #tpu.memory_space<hbm>> -> memref<128x256xf32, #tpu.memory_space<hbm>>
            %dma_start3A_308 = arith.constant 0 : i32
            %dma_start3A_309 = arith.constant 0 : i32
            %dma_start3A_310 = tpu.memref_slice %run_scoped3A_18[%rem3A_295, %dma_start3A_308, %dma_start3A_309] : memref<2x128x256xf32, #tpu.memory_space<vmem>> -> memref<1x128x256xf32, #tpu.memory_space<vmem>>
            %dma_start3A_311 = tpu.memref_squeeze %dma_start3A_310 : memref<1x128x256xf32, #tpu.memory_space<vmem>> -> memref<128x256xf32, #tpu.memory_space<vmem>>
            tpu.enqueue_dma source(%dma_start3A_311 : memref<128x256xf32, #tpu.memory_space<vmem>>) target(%dma_start3A_307 : memref<128x256xf32, #tpu.memory_space<hbm>>) target_semaphore(%dma_start3A_305 : memref<!tpu.dma_semaphore, #tpu.memory_space<semaphore_mem>>)
            "tpu.trace_stop"() : () -> ()
          } else {
          }
          %and3A_248 = arith.constant true
          %and3A_249 = arith.andi %or3A_244, %and3A_248 : i1
          %add3A_250 = arith.constant 1 : i32
          %add3A_251 = arith.addi %while3A_145, %add3A_250 : i32
          %select_n3A_252 = arith.select %and3A_249, %add3A_251, %while3A_145 : i32
          %ne3A_253 = arith.cmpi ne, %add3A_155, %add3A_165 : i32
          %or3A_254 = arith.constant false
          %or3A_255 = arith.ori %or3A_254, %ne3A_253 : i1
          %not3A_256 = arith.constant true
          %not3A_257 = arith.xori %eq3A_151, %not3A_256 : i1
          %and3A_258 = arith.andi %or3A_255, %not3A_257 : i1
          %convert_element_type3A_259 = arith.extui %and3A_258 : i1 to i32
          %cond3A_260 = arith.constant 0 : i32
          %cond3A_261 = arith.cmpi ne, %convert_element_type3A_259, %cond3A_260 : i32
          scf.if %cond3A_261 {
          } else {
          }
          %and3A_262 = arith.constant false
          %and3A_263 = arith.andi %and3A_258, %and3A_262 : i1
          %ne3A_264 = arith.cmpi ne, %add3A_155, %add3A_165 : i32
          %or3A_265 = arith.constant false
          %or3A_266 = arith.ori %or3A_265, %ne3A_264 : i1
          %or3A_267 = arith.constant false
          %or3A_268 = arith.ori %or3A_266, %or3A_267 : i1
          %not3A_269 = arith.constant true
          %not3A_270 = arith.xori %eq3A_151, %not3A_269 : i1
          %and3A_271 = arith.andi %or3A_268, %not3A_270 : i1
          %convert_element_type3A_272 = arith.extui %and3A_271 : i1 to i32
          %cond3A_273 = arith.constant 0 : i32
          %cond3A_274 = arith.cmpi ne, %convert_element_type3A_272, %cond3A_273 : i32
          scf.if %cond3A_274 {
            "tpu.trace_start"() <{level = 10 : i32, message = "ep_wait_out"}> : () -> ()
            %rem3A_294 = arith.constant 2 : i32
            %rem3A_295 = arith.remui %while3A_146, %rem3A_294 : i32
            %mul3A_296 = arith.constant 128 : i32
            %mul3A_297 = arith.muli %mul3A_296, %add3A_165 : i32
            %dma_wait3A = arith.constant 0 : i32
            %dma_wait3A_298 = arith.constant 0 : i32
            %dma_wait3A_299 = tpu.memref_slice %run_scoped3A_18[%rem3A_295, %dma_wait3A, %dma_wait3A_298] : memref<2x128x256xf32, #tpu.memory_space<vmem>> -> memref<1x128x256xf32, #tpu.memory_space<vmem>>
            %dma_wait3A_300 = tpu.memref_squeeze %dma_wait3A_299 : memref<1x128x256xf32, #tpu.memory_space<vmem>> -> memref<128x256xf32, #tpu.memory_space<vmem>>
            %dma_wait3A_301 = arith.constant 0 : i32
            %dma_wait3A_302 = tpu.memref_slice %arg4[%mul3A_297, %dma_wait3A_301] : memref<27648x256xf32, #tpu.memory_space<hbm>> -> memref<128x256xf32, #tpu.memory_space<hbm>>
            %dma_wait3A_303 = tpu.memref_slice %run_scoped3A_19[%rem3A_295] : memref<2x!tpu.dma_semaphore, #tpu.memory_space<semaphore_mem>> -> memref<1x!tpu.dma_semaphore, #tpu.memory_space<semaphore_mem>>
            %dma_wait3A_304 = tpu.memref_squeeze %dma_wait3A_303 : memref<1x!tpu.dma_semaphore, #tpu.memory_space<semaphore_mem>> -> memref<!tpu.dma_semaphore, #tpu.memory_space<semaphore_mem>>
            %dma_wait3A_305 = arith.constant 0 : i32
            %dma_wait3A_306 = tpu.memref_slice %arg4[%mul3A_297, %dma_wait3A_305] : memref<27648x256xf32, #tpu.memory_space<hbm>> -> memref<128x256xf32, #tpu.memory_space<hbm>>
            %dma_wait3A_307 = arith.constant 0 : i32
            %dma_wait3A_308 = arith.constant 0 : i32
            %dma_wait3A_309 = tpu.memref_slice %run_scoped3A_18[%rem3A_295, %dma_wait3A_307, %dma_wait3A_308] : memref<2x128x256xf32, #tpu.memory_space<vmem>> -> memref<1x128x256xf32, #tpu.memory_space<vmem>>
            %dma_wait3A_310 = tpu.memref_squeeze %dma_wait3A_309 : memref<1x128x256xf32, #tpu.memory_space<vmem>> -> memref<128x256xf32, #tpu.memory_space<vmem>>
            tpu.wait_dma2 semaphore(%dma_wait3A_304 : memref<!tpu.dma_semaphore, #tpu.memory_space<semaphore_mem>>) src(%dma_wait3A_310 : memref<128x256xf32, #tpu.memory_space<vmem>>) dst(%dma_wait3A_306 : memref<128x256xf32, #tpu.memory_space<hbm>>)
            "tpu.trace_stop"() : () -> ()
          } else {
          }
          %and3A_275 = arith.constant true
          %and3A_276 = arith.andi %and3A_271, %and3A_275 : i1
          %add3A_277 = arith.constant 1 : i32
          %add3A_278 = arith.addi %while3A_146, %add3A_277 : i32
          %select_n3A_279 = arith.select %and3A_276, %add3A_278, %while3A_146 : i32
          %ne3A_280 = arith.cmpi ne, %add3A_155, %add3A_173 : i32
          %or3A_281 = arith.constant false
          %or3A_282 = arith.ori %or3A_281, %ne3A_280 : i1
          %or3A_283 = arith.ori %or3A_282, %eq3A_154 : i1
          %add3A_284 = arith.constant 1 : i32
          %add3A_285 = arith.addi %while3A_144, %add3A_284 : i32
          %select_n3A_286 = arith.select %or3A_283, %add3A_285, %while3A_144 : i32
          %add3A_287 = arith.constant 1 : i32
          %add3A_288 = arith.addi %while3A_147, %add3A_287 : i32
          %select_n3A_289 = arith.constant true
          %select_n3A_290 = arith.select %select_n3A_289, %add3A_288, %while3A_147 : i32
          %eq3A_291 = arith.cmpi eq, %select_n3A_290, %select_n3A : i32
          %select_n3A_292 = arith.constant 0 : i32
          %select_n3A_293 = arith.select %eq3A_291, %select_n3A_292, %select_n3A_290 : i32
          scf.yield %select_n3A_195, %select_n3A_286, %select_n3A_252, %select_n3A_279, %select_n3A_293 : i32, i32, i32, i32, i32
        }
        %sub3A_91 = arith.constant 1 : i32
        %sub3A_92 = arith.subi %while3A_90#4, %sub3A_91 : i32
        %select_n3A_93 = arith.constant true
        %select_n3A_94 = arith.select %select_n3A_93, %sub3A_92, %while3A_90#4 : i32
        %eq3A_95 = arith.constant -1 : i32
        %eq3A_96 = arith.cmpi eq, %select_n3A_94, %eq3A_95 : i32
        %sub3A_97 = arith.constant 1 : i32
        %sub3A_98 = arith.subi %select_n3A, %sub3A_97 : i32
        %select_n3A_99 = arith.select %eq3A_96, %sub3A_98, %select_n3A_94 : i32
        %sub3A_100 = arith.constant 1 : i32
        %sub3A_101 = arith.subi %mul3A_16, %sub3A_100 : i32
        %mul3A_102 = arith.constant 1 : i32
        %mul3A_103 = arith.muli %mul3A_102, %select_n3A : i32
        %eq3A_104 = arith.constant 0 : i32
        %eq3A_105 = arith.cmpi eq, %sub3A_101, %eq3A_104 : i32
        %sub3A_106 = arith.constant 1 : i32
        %sub3A_107 = arith.subi %mul3A_103, %sub3A_106 : i32
        %eq3A_108 = arith.cmpi eq, %sub3A_101, %sub3A_107 : i32
        %add3A_109 = arith.addi %select_n3A_99, %select_n3A_14 : i32
        %sub3A_110 = arith.constant 1 : i32
        %sub3A_111 = arith.subi %select_n3A_99, %sub3A_110 : i32
        %select_n3A_112 = arith.constant true
        %select_n3A_113 = arith.select %select_n3A_112, %sub3A_111, %select_n3A_99 : i32
        %eq3A_114 = arith.constant -1 : i32
        %eq3A_115 = arith.cmpi eq, %select_n3A_113, %eq3A_114 : i32
        %sub3A_116 = arith.constant 1 : i32
        %sub3A_117 = arith.subi %select_n3A, %sub3A_116 : i32
        %select_n3A_118 = arith.select %eq3A_115, %sub3A_117, %select_n3A_113 : i32
        %add3A_119 = arith.addi %select_n3A_118, %select_n3A_14 : i32
        %add3A_120 = arith.constant 1 : i32
        %add3A_121 = arith.addi %select_n3A_99, %add3A_120 : i32
        %select_n3A_122 = arith.constant true
        %select_n3A_123 = arith.select %select_n3A_122, %add3A_121, %select_n3A_99 : i32
        %eq3A_124 = arith.cmpi eq, %select_n3A_123, %select_n3A : i32
        %select_n3A_125 = arith.constant 0 : i32
        %select_n3A_126 = arith.select %eq3A_124, %select_n3A_125, %select_n3A_123 : i32
        %add3A_127 = arith.addi %select_n3A_126, %select_n3A_14 : i32
        %add3A_128 = arith.constant 1 : i32
        %add3A_129 = arith.addi %select_n3A_126, %add3A_128 : i32
        %select_n3A_130 = arith.constant true
        %select_n3A_131 = arith.select %select_n3A_130, %add3A_129, %select_n3A_126 : i32
        %eq3A_132 = arith.cmpi eq, %select_n3A_131, %select_n3A : i32
        %select_n3A_133 = arith.constant 0 : i32
        %select_n3A_134 = arith.select %eq3A_132, %select_n3A_133, %select_n3A_131 : i32
        %add3A_135 = arith.addi %select_n3A_134, %select_n3A_14 : i32
        %convert_element_type3A_136 = arith.extui %eq3A_108 : i1 to i32
        %cond3A_137 = arith.constant 0 : i32
        %cond3A_138 = arith.cmpi ne, %convert_element_type3A_136, %cond3A_137 : i32
        scf.if %cond3A_138 {
        } else {
        }
        %convert_element_type3A_139 = arith.extui %eq3A_108 : i1 to i32
        %cond3A_140 = arith.constant 0 : i32
        %cond3A_141 = arith.cmpi ne, %convert_element_type3A_139, %cond3A_140 : i32
        scf.if %cond3A_141 {
          "tpu.trace_start"() <{level = 10 : i32, message = "ep_finalize"}> : () -> ()
          %rem3A_142 = arith.constant 2 : i32
          %rem3A_143 = arith.remui %while3A_90#3, %rem3A_142 : i32
          %mul3A_144 = arith.constant 128 : i32
          %mul3A_145 = arith.muli %mul3A_144, %add3A_109 : i32
          %dma_wait3A = arith.constant 0 : i32
          %dma_wait3A_146 = arith.constant 0 : i32
          %dma_wait3A_147 = tpu.memref_slice %run_scoped3A_18[%rem3A_143, %dma_wait3A, %dma_wait3A_146] : memref<2x128x256xf32, #tpu.memory_space<vmem>> -> memref<1x128x256xf32, #tpu.memory_space<vmem>>
          %dma_wait3A_148 = tpu.memref_squeeze %dma_wait3A_147 : memref<1x128x256xf32, #tpu.memory_space<vmem>> -> memref<128x256xf32, #tpu.memory_space<vmem>>
          %dma_wait3A_149 = arith.constant 0 : i32
          %dma_wait3A_150 = tpu.memref_slice %arg4[%mul3A_145, %dma_wait3A_149] : memref<27648x256xf32, #tpu.memory_space<hbm>> -> memref<128x256xf32, #tpu.memory_space<hbm>>
          %dma_wait3A_151 = tpu.memref_slice %run_scoped3A_19[%rem3A_143] : memref<2x!tpu.dma_semaphore, #tpu.memory_space<semaphore_mem>> -> memref<1x!tpu.dma_semaphore, #tpu.memory_space<semaphore_mem>>
          %dma_wait3A_152 = tpu.memref_squeeze %dma_wait3A_151 : memref<1x!tpu.dma_semaphore, #tpu.memory_space<semaphore_mem>> -> memref<!tpu.dma_semaphore, #tpu.memory_space<semaphore_mem>>
          %dma_wait3A_153 = arith.constant 0 : i32
          %dma_wait3A_154 = tpu.memref_slice %arg4[%mul3A_145, %dma_wait3A_153] : memref<27648x256xf32, #tpu.memory_space<hbm>> -> memref<128x256xf32, #tpu.memory_space<hbm>>
          %dma_wait3A_155 = arith.constant 0 : i32
          %dma_wait3A_156 = arith.constant 0 : i32
          %dma_wait3A_157 = tpu.memref_slice %run_scoped3A_18[%rem3A_143, %dma_wait3A_155, %dma_wait3A_156] : memref<2x128x256xf32, #tpu.memory_space<vmem>> -> memref<1x128x256xf32, #tpu.memory_space<vmem>>
          %dma_wait3A_158 = tpu.memref_squeeze %dma_wait3A_157 : memref<1x128x256xf32, #tpu.memory_space<vmem>> -> memref<128x256xf32, #tpu.memory_space<vmem>>
          tpu.wait_dma2 semaphore(%dma_wait3A_152 : memref<!tpu.dma_semaphore, #tpu.memory_space<semaphore_mem>>) src(%dma_wait3A_158 : memref<128x256xf32, #tpu.memory_space<vmem>>) dst(%dma_wait3A_154 : memref<128x256xf32, #tpu.memory_space<hbm>>)
          "tpu.trace_stop"() : () -> ()
        } else {
        }
      } else {
      }
      tpu.yield
    }) : () -> ()
    return
  }
}

module attributes {stable_mosaic.version = 14 : i64} {
  func.func @_attn_body(%arg0: i32, %arg1: i32, %arg2: memref<6x8x8x192xf32, #tpu.memory_space<vmem>>, %arg3: memref<6x384x384xf32, #tpu.memory_space<vmem>>, %arg4: memref<1x192xf32, #tpu.memory_space<vmem>>, %arg5: memref<1x192xf32, #tpu.memory_space<vmem>>, %arg6: memref<576x192xf32, #tpu.memory_space<vmem>>, %arg7: memref<1x576xf32, #tpu.memory_space<vmem>>, %arg8: memref<192x192xf32, #tpu.memory_space<vmem>>, %arg9: memref<1x192xf32, #tpu.memory_space<vmem>>, %arg10: memref<6x8x8x192xf32, #tpu.memory_space<vmem>>) attributes {dimension_semantics = [#tpu.dimension_semantics<parallel>, #tpu.dimension_semantics<parallel>], iteration_bounds = array<i64: 6, 6>, scalar_prefetch = 0 : i64, scratch_operands = 0 : i64, tpu.core_type = #tpu.core_type<tc>, window_params = [{transform_indices = @transform_0, window_bounds = array<i64: 6, 8, 8, 192>}, {pipeline_mode = #tpu.pipeline_mode<synchronous>, transform_indices = @transform_1, window_bounds = array<i64: 6, 384, 384>}, {pipeline_mode = #tpu.pipeline_mode<synchronous>, transform_indices = @transform_2, window_bounds = array<i64: 1, 192>}, {pipeline_mode = #tpu.pipeline_mode<synchronous>, transform_indices = @transform_3, window_bounds = array<i64: 1, 192>}, {pipeline_mode = #tpu.pipeline_mode<synchronous>, transform_indices = @transform_4, window_bounds = array<i64: 576, 192>}, {pipeline_mode = #tpu.pipeline_mode<synchronous>, transform_indices = @transform_5, window_bounds = array<i64: 1, 576>}, {pipeline_mode = #tpu.pipeline_mode<synchronous>, transform_indices = @transform_6, window_bounds = array<i64: 192, 192>}, {pipeline_mode = #tpu.pipeline_mode<synchronous>, transform_indices = @transform_7, window_bounds = array<i64: 1, 192>}, {transform_indices = @transform_8, window_bounds = array<i64: 6, 8, 8, 192>}]} {
    %get3A = arith.constant 0 : index
    %get3A_0 = arith.constant 0 : index
    %get3A_1 = arith.constant 0 : index
    %get3A_2 = arith.constant 0 : index
    %get3A_3 = vector.load %arg2[%get3A, %get3A_0, %get3A_1, %get3A_2] : memref<6x8x8x192xf32, #tpu.memory_space<vmem>>, vector<6x8x8x192xf32>
    %reshape3A = vector.shape_cast %get3A_3 : vector<6x8x8x192xf32> to vector<384x192xf32>
    %get3A_4 = arith.constant 0 : index
    %get3A_5 = arith.constant 0 : index
    %get3A_6 = vector.load %arg4[%get3A_4, %get3A_5] : memref<1x192xf32, #tpu.memory_space<vmem>>, vector<1x192xf32>
    %get3A_7 = vector.shape_cast %get3A_6 : vector<1x192xf32> to vector<192xf32>
    %get3A_8 = arith.constant 0 : index
    %get3A_9 = arith.constant 0 : index
    %get3A_10 = vector.load %arg5[%get3A_8, %get3A_9] : memref<1x192xf32, #tpu.memory_space<vmem>>, vector<1x192xf32>
    %get3A_11 = vector.shape_cast %get3A_10 : vector<1x192xf32> to vector<192xf32>
    %reduce_sum3A = arith.constant dense<0.000000e+00> : vector<384xf32>
    %reduce_sum3A_12 = vector.multi_reduction <add>, %reshape3A, %reduce_sum3A [1] : vector<384x192xf32> to vector<384xf32>
    %broadcast_in_dim3A = vector.shape_cast %reduce_sum3A_12 : vector<384xf32> to vector<384x1xf32>
    %div3A = arith.constant 1.920000e+02 : f32
    %div3A_13 = vector.broadcast %div3A : f32 to vector<384x1xf32>
    %div3A_14 = arith.divf %broadcast_in_dim3A, %div3A_13 : vector<384x1xf32>
    %sub3A = vector.broadcast %div3A_14 : vector<384x1xf32> to vector<384x192xf32>
    %sub3A_15 = arith.subf %reshape3A, %sub3A : vector<384x192xf32>
    %integer_pow3A = arith.mulf %sub3A_15, %sub3A_15 : vector<384x192xf32>
    %reduce_sum3A_16 = arith.constant dense<0.000000e+00> : vector<384xf32>
    %reduce_sum3A_17 = vector.multi_reduction <add>, %integer_pow3A, %reduce_sum3A_16 [1] : vector<384x192xf32> to vector<384xf32>
    %broadcast_in_dim3A_18 = vector.shape_cast %reduce_sum3A_17 : vector<384xf32> to vector<384x1xf32>
    %div3A_19 = arith.constant 1.920000e+02 : f32
    %div3A_20 = vector.broadcast %div3A_19 : f32 to vector<384x1xf32>
    %div3A_21 = arith.divf %broadcast_in_dim3A_18, %div3A_20 : vector<384x1xf32>
    %sub3A_22 = vector.broadcast %div3A_14 : vector<384x1xf32> to vector<384x192xf32>
    %sub3A_23 = arith.subf %reshape3A, %sub3A_22 : vector<384x192xf32>
    %add3A = arith.constant 9.99999974E-6 : f32
    %add3A_24 = vector.broadcast %add3A : f32 to vector<384x1xf32>
    %add3A_25 = arith.addf %div3A_21, %add3A_24 : vector<384x1xf32>
    %sqrt3A = math.sqrt %add3A_25 : vector<384x1xf32>
    %div3A_26 = vector.broadcast %sqrt3A : vector<384x1xf32> to vector<384x192xf32>
    %div3A_27 = arith.divf %sub3A_23, %div3A_26 : vector<384x192xf32>
    %broadcast_in_dim3A_28 = vector.shape_cast %get3A_7 : vector<192xf32> to vector<1x192xf32>
    %mul3A = vector.broadcast %broadcast_in_dim3A_28 : vector<1x192xf32> to vector<384x192xf32>
    %mul3A_29 = arith.mulf %div3A_27, %mul3A : vector<384x192xf32>
    %broadcast_in_dim3A_30 = vector.shape_cast %get3A_11 : vector<192xf32> to vector<1x192xf32>
    %add3A_31 = vector.broadcast %broadcast_in_dim3A_30 : vector<1x192xf32> to vector<384x192xf32>
    %add3A_32 = arith.addf %mul3A_29, %add3A_31 : vector<384x192xf32>
    %convert_element_type3A = arith.truncf %add3A_32 : vector<384x192xf32> to vector<384x192xbf16>
    %get3A_33 = arith.constant 0 : index
    %get3A_34 = arith.constant 0 : index
    %get3A_35 = vector.load %arg6[%get3A_33, %get3A_34] : memref<576x192xf32, #tpu.memory_space<vmem>>, vector<576x192xf32>
    %convert_element_type3A_36 = arith.truncf %get3A_35 : vector<576x192xf32> to vector<576x192xbf16>
    %dot_general3A = arith.constant dense<0.000000e+00> : vector<384x576xf32>
    %dot_general3A_37 = tpu.matmul %convert_element_type3A, %convert_element_type3A_36, %dot_general3A {dimension_numbers = #tpu.dot_dimension_numbers<[1], [1], [0], [0], [0, 0, 1, 0], [], []>, transpose_lhs_hint = false} : vector<384x192xbf16>, vector<576x192xbf16>, vector<384x576xf32> -> vector<384x576xf32>
    %get3A_38 = arith.constant 0 : index
    %get3A_39 = arith.constant 0 : index
    %get3A_40 = vector.load %arg7[%get3A_38, %get3A_39] : memref<1x576xf32, #tpu.memory_space<vmem>>, vector<1x576xf32>
    %get3A_41 = vector.shape_cast %get3A_40 : vector<1x576xf32> to vector<576xf32>
    %broadcast_in_dim3A_42 = vector.shape_cast %get3A_41 : vector<576xf32> to vector<1x576xf32>
    %add3A_43 = vector.broadcast %broadcast_in_dim3A_42 : vector<1x576xf32> to vector<384x576xf32>
    %add3A_44 = arith.addf %dot_general3A_37, %add3A_43 : vector<384x576xf32>
    %convert_element_type3A_45 = arith.truncf %add3A_44 : vector<384x576xf32> to vector<384x576xbf16>
    %slice3A = vector.extract_strided_slice %convert_element_type3A_45 {offsets = [0, 0], sizes = [384, 32], strides = [1, 1]} : vector<384x576xbf16> to vector<384x32xbf16>
    %slice3A_46 = vector.extract_strided_slice %convert_element_type3A_45 {offsets = [0, 192], sizes = [384, 32], strides = [1, 1]} : vector<384x576xbf16> to vector<384x32xbf16>
    %slice3A_47 = vector.extract_strided_slice %convert_element_type3A_45 {offsets = [0, 384], sizes = [384, 32], strides = [1, 1]} : vector<384x576xbf16> to vector<384x32xbf16>
    %transpose3A = tpu.transpose %slice3A_46, [1, 0] : vector<384x32xbf16> -> vector<32x384xbf16>
    %dot_general3A_48 = arith.constant dense<0.000000e+00> : vector<384x384xf32>
    %dot_general3A_49 = tpu.matmul %slice3A, %transpose3A, %dot_general3A_48 {dimension_numbers = #tpu.dot_dimension_numbers<[1], [0], [0], [1], [0, 0, 1, 1], [], []>, transpose_lhs_hint = false} : vector<384x32xbf16>, vector<32x384xbf16>, vector<384x384xf32> -> vector<384x384xf32>
    %mul3A_50 = arith.constant 0.176776692 : f32
    %mul3A_51 = vector.broadcast %mul3A_50 : f32 to vector<384x384xf32>
    %mul3A_52 = arith.mulf %dot_general3A_49, %mul3A_51 : vector<384x384xf32>
    %get3A_53 = arith.constant 0 : index
    %get3A_54 = arith.constant 0 : index
    %get3A_55 = arith.constant 0 : index
    %get3A_56 = vector.load %arg3[%get3A_53, %get3A_54, %get3A_55] : memref<6x384x384xf32, #tpu.memory_space<vmem>>, vector<1x384x384xf32>
    %get3A_57 = vector.shape_cast %get3A_56 : vector<1x384x384xf32> to vector<384x384xf32>
    %add3A_58 = arith.addf %mul3A_52, %get3A_57 : vector<384x384xf32>
    %reduce_max3A = arith.constant dense<0xFF800000> : vector<384xf32>
    %reduce_max3A_59 = vector.multi_reduction <maximumf>, %add3A_58, %reduce_max3A [1] : vector<384x384xf32> to vector<384xf32>
    %broadcast_in_dim3A_60 = vector.shape_cast %reduce_max3A_59 : vector<384xf32> to vector<384x1xf32>
    %sub3A_61 = vector.broadcast %broadcast_in_dim3A_60 : vector<384x1xf32> to vector<384x384xf32>
    %sub3A_62 = arith.subf %add3A_58, %sub3A_61 : vector<384x384xf32>
    %exp3A = math.exp %sub3A_62 : vector<384x384xf32>
    %reduce_sum3A_63 = arith.constant dense<0.000000e+00> : vector<384xf32>
    %reduce_sum3A_64 = vector.multi_reduction <add>, %exp3A, %reduce_sum3A_63 [1] : vector<384x384xf32> to vector<384xf32>
    %broadcast_in_dim3A_65 = vector.shape_cast %reduce_sum3A_64 : vector<384xf32> to vector<384x1xf32>
    %div3A_66 = arith.constant 1.000000e+00 : f32
    %div3A_67 = vector.broadcast %div3A_66 : f32 to vector<384x1xf32>
    %div3A_68 = arith.divf %div3A_67, %broadcast_in_dim3A_65 : vector<384x1xf32>
    %convert_element_type3A_69 = arith.truncf %exp3A : vector<384x384xf32> to vector<384x384xbf16>
    %dot_general3A_70 = arith.constant dense<0.000000e+00> : vector<384x32xf32>
    %dot_general3A_71 = tpu.matmul %convert_element_type3A_69, %slice3A_47, %dot_general3A_70 {dimension_numbers = #tpu.dot_dimension_numbers<[1], [0], [0], [1], [0, 0, 1, 1], [], []>, transpose_lhs_hint = false} : vector<384x384xbf16>, vector<384x32xbf16>, vector<384x32xf32> -> vector<384x32xf32>
    %mul3A_72 = vector.broadcast %div3A_68 : vector<384x1xf32> to vector<384x32xf32>
    %mul3A_73 = arith.mulf %dot_general3A_71, %mul3A_72 : vector<384x32xf32>
    %slice3A_74 = vector.extract_strided_slice %convert_element_type3A_45 {offsets = [0, 32], sizes = [384, 32], strides = [1, 1]} : vector<384x576xbf16> to vector<384x32xbf16>
    %slice3A_75 = vector.extract_strided_slice %convert_element_type3A_45 {offsets = [0, 224], sizes = [384, 32], strides = [1, 1]} : vector<384x576xbf16> to vector<384x32xbf16>
    %slice3A_76 = vector.extract_strided_slice %convert_element_type3A_45 {offsets = [0, 416], sizes = [384, 32], strides = [1, 1]} : vector<384x576xbf16> to vector<384x32xbf16>
    %transpose3A_77 = tpu.transpose %slice3A_75, [1, 0] : vector<384x32xbf16> -> vector<32x384xbf16>
    %dot_general3A_78 = arith.constant dense<0.000000e+00> : vector<384x384xf32>
    %dot_general3A_79 = tpu.matmul %slice3A_74, %transpose3A_77, %dot_general3A_78 {dimension_numbers = #tpu.dot_dimension_numbers<[1], [0], [0], [1], [0, 0, 1, 1], [], []>, transpose_lhs_hint = false} : vector<384x32xbf16>, vector<32x384xbf16>, vector<384x384xf32> -> vector<384x384xf32>
    %mul3A_80 = arith.constant 0.176776692 : f32
    %mul3A_81 = vector.broadcast %mul3A_80 : f32 to vector<384x384xf32>
    %mul3A_82 = arith.mulf %dot_general3A_79, %mul3A_81 : vector<384x384xf32>
    %get3A_83 = arith.constant 1 : index
    %get3A_84 = arith.constant 0 : index
    %get3A_85 = arith.constant 0 : index
    %get3A_86 = vector.load %arg3[%get3A_83, %get3A_84, %get3A_85] : memref<6x384x384xf32, #tpu.memory_space<vmem>>, vector<1x384x384xf32>
    %get3A_87 = vector.shape_cast %get3A_86 : vector<1x384x384xf32> to vector<384x384xf32>
    %add3A_88 = arith.addf %mul3A_82, %get3A_87 : vector<384x384xf32>
    %reduce_max3A_89 = arith.constant dense<0xFF800000> : vector<384xf32>
    %reduce_max3A_90 = vector.multi_reduction <maximumf>, %add3A_88, %reduce_max3A_89 [1] : vector<384x384xf32> to vector<384xf32>
    %broadcast_in_dim3A_91 = vector.shape_cast %reduce_max3A_90 : vector<384xf32> to vector<384x1xf32>
    %sub3A_92 = vector.broadcast %broadcast_in_dim3A_91 : vector<384x1xf32> to vector<384x384xf32>
    %sub3A_93 = arith.subf %add3A_88, %sub3A_92 : vector<384x384xf32>
    %exp3A_94 = math.exp %sub3A_93 : vector<384x384xf32>
    %reduce_sum3A_95 = arith.constant dense<0.000000e+00> : vector<384xf32>
    %reduce_sum3A_96 = vector.multi_reduction <add>, %exp3A_94, %reduce_sum3A_95 [1] : vector<384x384xf32> to vector<384xf32>
    %broadcast_in_dim3A_97 = vector.shape_cast %reduce_sum3A_96 : vector<384xf32> to vector<384x1xf32>
    %div3A_98 = arith.constant 1.000000e+00 : f32
    %div3A_99 = vector.broadcast %div3A_98 : f32 to vector<384x1xf32>
    %div3A_100 = arith.divf %div3A_99, %broadcast_in_dim3A_97 : vector<384x1xf32>
    %convert_element_type3A_101 = arith.truncf %exp3A_94 : vector<384x384xf32> to vector<384x384xbf16>
    %dot_general3A_102 = arith.constant dense<0.000000e+00> : vector<384x32xf32>
    %dot_general3A_103 = tpu.matmul %convert_element_type3A_101, %slice3A_76, %dot_general3A_102 {dimension_numbers = #tpu.dot_dimension_numbers<[1], [0], [0], [1], [0, 0, 1, 1], [], []>, transpose_lhs_hint = false} : vector<384x384xbf16>, vector<384x32xbf16>, vector<384x32xf32> -> vector<384x32xf32>
    %mul3A_104 = vector.broadcast %div3A_100 : vector<384x1xf32> to vector<384x32xf32>
    %mul3A_105 = arith.mulf %dot_general3A_103, %mul3A_104 : vector<384x32xf32>
    %slice3A_106 = vector.extract_strided_slice %convert_element_type3A_45 {offsets = [0, 64], sizes = [384, 32], strides = [1, 1]} : vector<384x576xbf16> to vector<384x32xbf16>
    %slice3A_107 = vector.extract_strided_slice %convert_element_type3A_45 {offsets = [0, 256], sizes = [384, 32], strides = [1, 1]} : vector<384x576xbf16> to vector<384x32xbf16>
    %slice3A_108 = vector.extract_strided_slice %convert_element_type3A_45 {offsets = [0, 448], sizes = [384, 32], strides = [1, 1]} : vector<384x576xbf16> to vector<384x32xbf16>
    %transpose3A_109 = tpu.transpose %slice3A_107, [1, 0] : vector<384x32xbf16> -> vector<32x384xbf16>
    %dot_general3A_110 = arith.constant dense<0.000000e+00> : vector<384x384xf32>
    %dot_general3A_111 = tpu.matmul %slice3A_106, %transpose3A_109, %dot_general3A_110 {dimension_numbers = #tpu.dot_dimension_numbers<[1], [0], [0], [1], [0, 0, 1, 1], [], []>, transpose_lhs_hint = false} : vector<384x32xbf16>, vector<32x384xbf16>, vector<384x384xf32> -> vector<384x384xf32>
    %mul3A_112 = arith.constant 0.176776692 : f32
    %mul3A_113 = vector.broadcast %mul3A_112 : f32 to vector<384x384xf32>
    %mul3A_114 = arith.mulf %dot_general3A_111, %mul3A_113 : vector<384x384xf32>
    %get3A_115 = arith.constant 2 : index
    %get3A_116 = arith.constant 0 : index
    %get3A_117 = arith.constant 0 : index
    %get3A_118 = vector.load %arg3[%get3A_115, %get3A_116, %get3A_117] : memref<6x384x384xf32, #tpu.memory_space<vmem>>, vector<1x384x384xf32>
    %get3A_119 = vector.shape_cast %get3A_118 : vector<1x384x384xf32> to vector<384x384xf32>
    %add3A_120 = arith.addf %mul3A_114, %get3A_119 : vector<384x384xf32>
    %reduce_max3A_121 = arith.constant dense<0xFF800000> : vector<384xf32>
    %reduce_max3A_122 = vector.multi_reduction <maximumf>, %add3A_120, %reduce_max3A_121 [1] : vector<384x384xf32> to vector<384xf32>
    %broadcast_in_dim3A_123 = vector.shape_cast %reduce_max3A_122 : vector<384xf32> to vector<384x1xf32>
    %sub3A_124 = vector.broadcast %broadcast_in_dim3A_123 : vector<384x1xf32> to vector<384x384xf32>
    %sub3A_125 = arith.subf %add3A_120, %sub3A_124 : vector<384x384xf32>
    %exp3A_126 = math.exp %sub3A_125 : vector<384x384xf32>
    %reduce_sum3A_127 = arith.constant dense<0.000000e+00> : vector<384xf32>
    %reduce_sum3A_128 = vector.multi_reduction <add>, %exp3A_126, %reduce_sum3A_127 [1] : vector<384x384xf32> to vector<384xf32>
    %broadcast_in_dim3A_129 = vector.shape_cast %reduce_sum3A_128 : vector<384xf32> to vector<384x1xf32>
    %div3A_130 = arith.constant 1.000000e+00 : f32
    %div3A_131 = vector.broadcast %div3A_130 : f32 to vector<384x1xf32>
    %div3A_132 = arith.divf %div3A_131, %broadcast_in_dim3A_129 : vector<384x1xf32>
    %convert_element_type3A_133 = arith.truncf %exp3A_126 : vector<384x384xf32> to vector<384x384xbf16>
    %dot_general3A_134 = arith.constant dense<0.000000e+00> : vector<384x32xf32>
    %dot_general3A_135 = tpu.matmul %convert_element_type3A_133, %slice3A_108, %dot_general3A_134 {dimension_numbers = #tpu.dot_dimension_numbers<[1], [0], [0], [1], [0, 0, 1, 1], [], []>, transpose_lhs_hint = false} : vector<384x384xbf16>, vector<384x32xbf16>, vector<384x32xf32> -> vector<384x32xf32>
    %mul3A_136 = vector.broadcast %div3A_132 : vector<384x1xf32> to vector<384x32xf32>
    %mul3A_137 = arith.mulf %dot_general3A_135, %mul3A_136 : vector<384x32xf32>
    %slice3A_138 = vector.extract_strided_slice %convert_element_type3A_45 {offsets = [0, 96], sizes = [384, 32], strides = [1, 1]} : vector<384x576xbf16> to vector<384x32xbf16>
    %slice3A_139 = vector.extract_strided_slice %convert_element_type3A_45 {offsets = [0, 288], sizes = [384, 32], strides = [1, 1]} : vector<384x576xbf16> to vector<384x32xbf16>
    %slice3A_140 = vector.extract_strided_slice %convert_element_type3A_45 {offsets = [0, 480], sizes = [384, 32], strides = [1, 1]} : vector<384x576xbf16> to vector<384x32xbf16>
    %transpose3A_141 = tpu.transpose %slice3A_139, [1, 0] : vector<384x32xbf16> -> vector<32x384xbf16>
    %dot_general3A_142 = arith.constant dense<0.000000e+00> : vector<384x384xf32>
    %dot_general3A_143 = tpu.matmul %slice3A_138, %transpose3A_141, %dot_general3A_142 {dimension_numbers = #tpu.dot_dimension_numbers<[1], [0], [0], [1], [0, 0, 1, 1], [], []>, transpose_lhs_hint = false} : vector<384x32xbf16>, vector<32x384xbf16>, vector<384x384xf32> -> vector<384x384xf32>
    %mul3A_144 = arith.constant 0.176776692 : f32
    %mul3A_145 = vector.broadcast %mul3A_144 : f32 to vector<384x384xf32>
    %mul3A_146 = arith.mulf %dot_general3A_143, %mul3A_145 : vector<384x384xf32>
    %get3A_147 = arith.constant 3 : index
    %get3A_148 = arith.constant 0 : index
    %get3A_149 = arith.constant 0 : index
    %get3A_150 = vector.load %arg3[%get3A_147, %get3A_148, %get3A_149] : memref<6x384x384xf32, #tpu.memory_space<vmem>>, vector<1x384x384xf32>
    %get3A_151 = vector.shape_cast %get3A_150 : vector<1x384x384xf32> to vector<384x384xf32>
    %add3A_152 = arith.addf %mul3A_146, %get3A_151 : vector<384x384xf32>
    %reduce_max3A_153 = arith.constant dense<0xFF800000> : vector<384xf32>
    %reduce_max3A_154 = vector.multi_reduction <maximumf>, %add3A_152, %reduce_max3A_153 [1] : vector<384x384xf32> to vector<384xf32>
    %broadcast_in_dim3A_155 = vector.shape_cast %reduce_max3A_154 : vector<384xf32> to vector<384x1xf32>
    %sub3A_156 = vector.broadcast %broadcast_in_dim3A_155 : vector<384x1xf32> to vector<384x384xf32>
    %sub3A_157 = arith.subf %add3A_152, %sub3A_156 : vector<384x384xf32>
    %exp3A_158 = math.exp %sub3A_157 : vector<384x384xf32>
    %reduce_sum3A_159 = arith.constant dense<0.000000e+00> : vector<384xf32>
    %reduce_sum3A_160 = vector.multi_reduction <add>, %exp3A_158, %reduce_sum3A_159 [1] : vector<384x384xf32> to vector<384xf32>
    %broadcast_in_dim3A_161 = vector.shape_cast %reduce_sum3A_160 : vector<384xf32> to vector<384x1xf32>
    %div3A_162 = arith.constant 1.000000e+00 : f32
    %div3A_163 = vector.broadcast %div3A_162 : f32 to vector<384x1xf32>
    %div3A_164 = arith.divf %div3A_163, %broadcast_in_dim3A_161 : vector<384x1xf32>
    %convert_element_type3A_165 = arith.truncf %exp3A_158 : vector<384x384xf32> to vector<384x384xbf16>
    %dot_general3A_166 = arith.constant dense<0.000000e+00> : vector<384x32xf32>
    %dot_general3A_167 = tpu.matmul %convert_element_type3A_165, %slice3A_140, %dot_general3A_166 {dimension_numbers = #tpu.dot_dimension_numbers<[1], [0], [0], [1], [0, 0, 1, 1], [], []>, transpose_lhs_hint = false} : vector<384x384xbf16>, vector<384x32xbf16>, vector<384x32xf32> -> vector<384x32xf32>
    %mul3A_168 = vector.broadcast %div3A_164 : vector<384x1xf32> to vector<384x32xf32>
    %mul3A_169 = arith.mulf %dot_general3A_167, %mul3A_168 : vector<384x32xf32>
    %slice3A_170 = vector.extract_strided_slice %convert_element_type3A_45 {offsets = [0, 128], sizes = [384, 32], strides = [1, 1]} : vector<384x576xbf16> to vector<384x32xbf16>
    %slice3A_171 = vector.extract_strided_slice %convert_element_type3A_45 {offsets = [0, 320], sizes = [384, 32], strides = [1, 1]} : vector<384x576xbf16> to vector<384x32xbf16>
    %slice3A_172 = vector.extract_strided_slice %convert_element_type3A_45 {offsets = [0, 512], sizes = [384, 32], strides = [1, 1]} : vector<384x576xbf16> to vector<384x32xbf16>
    %transpose3A_173 = tpu.transpose %slice3A_171, [1, 0] : vector<384x32xbf16> -> vector<32x384xbf16>
    %dot_general3A_174 = arith.constant dense<0.000000e+00> : vector<384x384xf32>
    %dot_general3A_175 = tpu.matmul %slice3A_170, %transpose3A_173, %dot_general3A_174 {dimension_numbers = #tpu.dot_dimension_numbers<[1], [0], [0], [1], [0, 0, 1, 1], [], []>, transpose_lhs_hint = false} : vector<384x32xbf16>, vector<32x384xbf16>, vector<384x384xf32> -> vector<384x384xf32>
    %mul3A_176 = arith.constant 0.176776692 : f32
    %mul3A_177 = vector.broadcast %mul3A_176 : f32 to vector<384x384xf32>
    %mul3A_178 = arith.mulf %dot_general3A_175, %mul3A_177 : vector<384x384xf32>
    %get3A_179 = arith.constant 4 : index
    %get3A_180 = arith.constant 0 : index
    %get3A_181 = arith.constant 0 : index
    %get3A_182 = vector.load %arg3[%get3A_179, %get3A_180, %get3A_181] : memref<6x384x384xf32, #tpu.memory_space<vmem>>, vector<1x384x384xf32>
    %get3A_183 = vector.shape_cast %get3A_182 : vector<1x384x384xf32> to vector<384x384xf32>
    %add3A_184 = arith.addf %mul3A_178, %get3A_183 : vector<384x384xf32>
    %reduce_max3A_185 = arith.constant dense<0xFF800000> : vector<384xf32>
    %reduce_max3A_186 = vector.multi_reduction <maximumf>, %add3A_184, %reduce_max3A_185 [1] : vector<384x384xf32> to vector<384xf32>
    %broadcast_in_dim3A_187 = vector.shape_cast %reduce_max3A_186 : vector<384xf32> to vector<384x1xf32>
    %sub3A_188 = vector.broadcast %broadcast_in_dim3A_187 : vector<384x1xf32> to vector<384x384xf32>
    %sub3A_189 = arith.subf %add3A_184, %sub3A_188 : vector<384x384xf32>
    %exp3A_190 = math.exp %sub3A_189 : vector<384x384xf32>
    %reduce_sum3A_191 = arith.constant dense<0.000000e+00> : vector<384xf32>
    %reduce_sum3A_192 = vector.multi_reduction <add>, %exp3A_190, %reduce_sum3A_191 [1] : vector<384x384xf32> to vector<384xf32>
    %broadcast_in_dim3A_193 = vector.shape_cast %reduce_sum3A_192 : vector<384xf32> to vector<384x1xf32>
    %div3A_194 = arith.constant 1.000000e+00 : f32
    %div3A_195 = vector.broadcast %div3A_194 : f32 to vector<384x1xf32>
    %div3A_196 = arith.divf %div3A_195, %broadcast_in_dim3A_193 : vector<384x1xf32>
    %convert_element_type3A_197 = arith.truncf %exp3A_190 : vector<384x384xf32> to vector<384x384xbf16>
    %dot_general3A_198 = arith.constant dense<0.000000e+00> : vector<384x32xf32>
    %dot_general3A_199 = tpu.matmul %convert_element_type3A_197, %slice3A_172, %dot_general3A_198 {dimension_numbers = #tpu.dot_dimension_numbers<[1], [0], [0], [1], [0, 0, 1, 1], [], []>, transpose_lhs_hint = false} : vector<384x384xbf16>, vector<384x32xbf16>, vector<384x32xf32> -> vector<384x32xf32>
    %mul3A_200 = vector.broadcast %div3A_196 : vector<384x1xf32> to vector<384x32xf32>
    %mul3A_201 = arith.mulf %dot_general3A_199, %mul3A_200 : vector<384x32xf32>
    %slice3A_202 = vector.extract_strided_slice %convert_element_type3A_45 {offsets = [0, 160], sizes = [384, 32], strides = [1, 1]} : vector<384x576xbf16> to vector<384x32xbf16>
    %slice3A_203 = vector.extract_strided_slice %convert_element_type3A_45 {offsets = [0, 352], sizes = [384, 32], strides = [1, 1]} : vector<384x576xbf16> to vector<384x32xbf16>
    %slice3A_204 = vector.extract_strided_slice %convert_element_type3A_45 {offsets = [0, 544], sizes = [384, 32], strides = [1, 1]} : vector<384x576xbf16> to vector<384x32xbf16>
    %transpose3A_205 = tpu.transpose %slice3A_203, [1, 0] : vector<384x32xbf16> -> vector<32x384xbf16>
    %dot_general3A_206 = arith.constant dense<0.000000e+00> : vector<384x384xf32>
    %dot_general3A_207 = tpu.matmul %slice3A_202, %transpose3A_205, %dot_general3A_206 {dimension_numbers = #tpu.dot_dimension_numbers<[1], [0], [0], [1], [0, 0, 1, 1], [], []>, transpose_lhs_hint = false} : vector<384x32xbf16>, vector<32x384xbf16>, vector<384x384xf32> -> vector<384x384xf32>
    %mul3A_208 = arith.constant 0.176776692 : f32
    %mul3A_209 = vector.broadcast %mul3A_208 : f32 to vector<384x384xf32>
    %mul3A_210 = arith.mulf %dot_general3A_207, %mul3A_209 : vector<384x384xf32>
    %get3A_211 = arith.constant 5 : index
    %get3A_212 = arith.constant 0 : index
    %get3A_213 = arith.constant 0 : index
    %get3A_214 = vector.load %arg3[%get3A_211, %get3A_212, %get3A_213] : memref<6x384x384xf32, #tpu.memory_space<vmem>>, vector<1x384x384xf32>
    %get3A_215 = vector.shape_cast %get3A_214 : vector<1x384x384xf32> to vector<384x384xf32>
    %add3A_216 = arith.addf %mul3A_210, %get3A_215 : vector<384x384xf32>
    %reduce_max3A_217 = arith.constant dense<0xFF800000> : vector<384xf32>
    %reduce_max3A_218 = vector.multi_reduction <maximumf>, %add3A_216, %reduce_max3A_217 [1] : vector<384x384xf32> to vector<384xf32>
    %broadcast_in_dim3A_219 = vector.shape_cast %reduce_max3A_218 : vector<384xf32> to vector<384x1xf32>
    %sub3A_220 = vector.broadcast %broadcast_in_dim3A_219 : vector<384x1xf32> to vector<384x384xf32>
    %sub3A_221 = arith.subf %add3A_216, %sub3A_220 : vector<384x384xf32>
    %exp3A_222 = math.exp %sub3A_221 : vector<384x384xf32>
    %reduce_sum3A_223 = arith.constant dense<0.000000e+00> : vector<384xf32>
    %reduce_sum3A_224 = vector.multi_reduction <add>, %exp3A_222, %reduce_sum3A_223 [1] : vector<384x384xf32> to vector<384xf32>
    %broadcast_in_dim3A_225 = vector.shape_cast %reduce_sum3A_224 : vector<384xf32> to vector<384x1xf32>
    %div3A_226 = arith.constant 1.000000e+00 : f32
    %div3A_227 = vector.broadcast %div3A_226 : f32 to vector<384x1xf32>
    %div3A_228 = arith.divf %div3A_227, %broadcast_in_dim3A_225 : vector<384x1xf32>
    %convert_element_type3A_229 = arith.truncf %exp3A_222 : vector<384x384xf32> to vector<384x384xbf16>
    %dot_general3A_230 = arith.constant dense<0.000000e+00> : vector<384x32xf32>
    %dot_general3A_231 = tpu.matmul %convert_element_type3A_229, %slice3A_204, %dot_general3A_230 {dimension_numbers = #tpu.dot_dimension_numbers<[1], [0], [0], [1], [0, 0, 1, 1], [], []>, transpose_lhs_hint = false} : vector<384x384xbf16>, vector<384x32xbf16>, vector<384x32xf32> -> vector<384x32xf32>
    %mul3A_232 = vector.broadcast %div3A_228 : vector<384x1xf32> to vector<384x32xf32>
    %mul3A_233 = arith.mulf %dot_general3A_231, %mul3A_232 : vector<384x32xf32>
    %concatenate3A = tpu.concatenate %mul3A_73, %mul3A_105, %mul3A_137, %mul3A_169, %mul3A_201, %mul3A_233 in 1 : vector<384x32xf32>, vector<384x32xf32>, vector<384x32xf32>, vector<384x32xf32>, vector<384x32xf32>, vector<384x32xf32> -> vector<384x192xf32>
    %convert_element_type3A_234 = arith.truncf %concatenate3A : vector<384x192xf32> to vector<384x192xbf16>
    %get3A_235 = arith.constant 0 : index
    %get3A_236 = arith.constant 0 : index
    %get3A_237 = vector.load %arg8[%get3A_235, %get3A_236] : memref<192x192xf32, #tpu.memory_space<vmem>>, vector<192x192xf32>
    %convert_element_type3A_238 = arith.truncf %get3A_237 : vector<192x192xf32> to vector<192x192xbf16>
    %dot_general3A_239 = arith.constant dense<0.000000e+00> : vector<384x192xf32>
    %dot_general3A_240 = tpu.matmul %convert_element_type3A_234, %convert_element_type3A_238, %dot_general3A_239 {dimension_numbers = #tpu.dot_dimension_numbers<[1], [1], [0], [0], [0, 0, 1, 0], [], []>, transpose_lhs_hint = false} : vector<384x192xbf16>, vector<192x192xbf16>, vector<384x192xf32> -> vector<384x192xf32>
    %add3A_241 = arith.addf %reshape3A, %dot_general3A_240 : vector<384x192xf32>
    %get3A_242 = arith.constant 0 : index
    %get3A_243 = arith.constant 0 : index
    %get3A_244 = vector.load %arg9[%get3A_242, %get3A_243] : memref<1x192xf32, #tpu.memory_space<vmem>>, vector<1x192xf32>
    %get3A_245 = vector.shape_cast %get3A_244 : vector<1x192xf32> to vector<192xf32>
    %broadcast_in_dim3A_246 = vector.shape_cast %get3A_245 : vector<192xf32> to vector<1x192xf32>
    %add3A_247 = vector.broadcast %broadcast_in_dim3A_246 : vector<1x192xf32> to vector<384x192xf32>
    %add3A_248 = arith.addf %add3A_241, %add3A_247 : vector<384x192xf32>
    %reshape3A_249 = vector.shape_cast %add3A_248 : vector<384x192xf32> to vector<6x8x8x192xf32>
    %swap3A = arith.constant 0 : index
    %swap3A_250 = arith.constant 0 : index
    %swap3A_251 = arith.constant 0 : index
    %swap3A_252 = arith.constant 0 : index
    %swap3A_253 = vector.load %arg10[%swap3A, %swap3A_250, %swap3A_251, %swap3A_252] : memref<6x8x8x192xf32, #tpu.memory_space<vmem>>, vector<6x8x8x192xf32>
    tpu.vector_store %arg10[%swap3A, %swap3A_250, %swap3A_251, %swap3A_252], %reshape3A_249 {strides = array<i32>} : memref<6x8x8x192xf32, #tpu.memory_space<vmem>>, vector<6x8x8x192xf32>,
    return
  }
  func.func @transform_0(%arg0: i32, %arg1: i32) -> (i32, i32, i32, i32) {
    %c0_i32 = arith.constant 0 : i32
    %c0_i32_0 = arith.constant 0 : i32
    %c0_i32_1 = arith.constant 0 : i32
    return %c0_i32, %arg0, %arg1, %c0_i32_0 : i32, i32, i32, i32
  }
  func.func @transform_1(%arg0: i32, %arg1: i32) -> (i32, i32, i32) {
    %c0_i32 = arith.constant 0 : i32
    %c0_i32_0 = arith.constant 0 : i32
    %c0_i32_1 = arith.constant 0 : i32
    %c0_i32_2 = arith.constant 0 : i32
    return %c0_i32, %c0_i32_0, %c0_i32_1 : i32, i32, i32
  }
  func.func @transform_2(%arg0: i32, %arg1: i32) -> (i32, i32) {
    %c0_i32 = arith.constant 0 : i32
    %c0_i32_0 = arith.constant 0 : i32
    %c0_i32_1 = arith.constant 0 : i32
    return %c0_i32, %c0_i32_0 : i32, i32
  }
  func.func @transform_3(%arg0: i32, %arg1: i32) -> (i32, i32) {
    %c0_i32 = arith.constant 0 : i32
    %c0_i32_0 = arith.constant 0 : i32
    %c0_i32_1 = arith.constant 0 : i32
    return %c0_i32, %c0_i32_0 : i32, i32
  }
  func.func @transform_4(%arg0: i32, %arg1: i32) -> (i32, i32) {
    %c0_i32 = arith.constant 0 : i32
    %c0_i32_0 = arith.constant 0 : i32
    %c0_i32_1 = arith.constant 0 : i32
    return %c0_i32, %c0_i32_0 : i32, i32
  }
  func.func @transform_5(%arg0: i32, %arg1: i32) -> (i32, i32) {
    %c0_i32 = arith.constant 0 : i32
    %c0_i32_0 = arith.constant 0 : i32
    %c0_i32_1 = arith.constant 0 : i32
    return %c0_i32, %c0_i32_0 : i32, i32
  }
  func.func @transform_6(%arg0: i32, %arg1: i32) -> (i32, i32) {
    %c0_i32 = arith.constant 0 : i32
    %c0_i32_0 = arith.constant 0 : i32
    %c0_i32_1 = arith.constant 0 : i32
    return %c0_i32, %c0_i32_0 : i32, i32
  }
  func.func @transform_7(%arg0: i32, %arg1: i32) -> (i32, i32) {
    %c0_i32 = arith.constant 0 : i32
    %c0_i32_0 = arith.constant 0 : i32
    %c0_i32_1 = arith.constant 0 : i32
    return %c0_i32, %c0_i32_0 : i32, i32
  }
  func.func @transform_8(%arg0: i32, %arg1: i32) -> (i32, i32, i32, i32) {
    %c0_i32 = arith.constant 0 : i32
    %c0_i32_0 = arith.constant 0 : i32
    %c0_i32_1 = arith.constant 0 : i32
    return %c0_i32, %arg0, %arg1, %c0_i32_0 : i32, i32, i32, i32
  }
}

module attributes {stable_mosaic.version = 14 : i64} {
  func.func @_pos_body(%arg0: memref<8x2x1728xf32, #tpu.memory_space<vmem>>, %arg1: memref<2x13824xi32, #tpu.memory_space<vmem>>, %arg2: memref<1x35xi32, #tpu.memory_space<vmem>>) attributes {dimension_semantics = [], scalar_prefetch = 0 : i64, scratch_operands = 0 : i64, tpu.core_type = #tpu.core_type<tc>} {
    %get3A = arith.constant 0 : index
    %get3A_0 = arith.constant 0 : index
    %get3A_1 = arith.constant 0 : index
    %get3A_2 = vector.load %arg0[%get3A, %get3A_0, %get3A_1] : memref<8x2x1728xf32, #tpu.memory_space<vmem>>, vector<8x2x1728xf32>
    %transpose3A = tpu.transpose %get3A_2, [1, 0, 2] : vector<8x2x1728xf32> -> vector<2x8x1728xf32>
    %reshape3A = vector.shape_cast %transpose3A : vector<2x8x1728xf32> to vector<2x13824xf32>
    %slice3A = vector.extract_strided_slice %reshape3A {offsets = [0, 0], sizes = [1, 13824], strides = [1, 1]} : vector<2x13824xf32> to vector<1x13824xf32>
    %slice3A_3 = vector.extract_strided_slice %reshape3A {offsets = [1, 0], sizes = [1, 13824], strides = [1, 1]} : vector<2x13824xf32> to vector<1x13824xf32>
    %iota3A = tpu.iota {dimensions = array<i32: 0>} : vector<8x1xi32>
    %convert_element_type3A = arith.sitofp %iota3A : vector<8x1xi32> to vector<8x1xf32>
    %eq3A = vector.broadcast %convert_element_type3A : vector<8x1xf32> to vector<8x13824xf32>
    %eq3A_4 = vector.broadcast %slice3A : vector<1x13824xf32> to vector<8x13824xf32>
    %eq3A_5 = arith.cmpf oeq, %eq3A, %eq3A_4 : vector<8x13824xf32>
    %convert_element_type3A_6 = arith.extui %eq3A_5 : vector<8x13824xi1> to vector<8x13824xi32>
    %convert_element_type3A_7 = arith.sitofp %convert_element_type3A_6 : vector<8x13824xi32> to vector<8x13824xf32>
    %eq3A_8 = vector.broadcast %convert_element_type3A : vector<8x1xf32> to vector<8x13824xf32>
    %eq3A_9 = vector.broadcast %slice3A_3 : vector<1x13824xf32> to vector<8x13824xf32>
    %eq3A_10 = arith.cmpf oeq, %eq3A_8, %eq3A_9 : vector<8x13824xf32>
    %convert_element_type3A_11 = arith.extui %eq3A_10 : vector<8x13824xi1> to vector<8x13824xi32>
    %convert_element_type3A_12 = arith.sitofp %convert_element_type3A_11 : vector<8x13824xi32> to vector<8x13824xf32>
    %iota3A_13 = tpu.iota {dimensions = array<i32: 0>} : vector<128x128xi32>
    %iota3A_14 = tpu.iota {dimensions = array<i32: 1>} : vector<128x128xi32>
    %lt3A = arith.cmpi slt, %iota3A_13, %iota3A_14 : vector<128x128xi32>
    %convert_element_type3A_15 = arith.extui %lt3A : vector<128x128xi1> to vector<128x128xi32>
    %convert_element_type3A_16 = arith.sitofp %convert_element_type3A_15 : vector<128x128xi32> to vector<128x128xf32>
    %iota3A_17 = tpu.iota {dimensions = array<i32: 0>} : vector<108x108xi32>
    %iota3A_18 = tpu.iota {dimensions = array<i32: 1>} : vector<108x108xi32>
    %lt3A_19 = arith.cmpi slt, %iota3A_17, %iota3A_18 : vector<108x108xi32>
    %convert_element_type3A_20 = arith.extui %lt3A_19 : vector<108x108xi1> to vector<108x108xi32>
    %convert_element_type3A_21 = arith.sitofp %convert_element_type3A_20 : vector<108x108xi32> to vector<108x108xf32>
    %reshape3A_22 = vector.shape_cast %convert_element_type3A_7 : vector<8x13824xf32> to vector<8x108x128xf32>
    %dot_general3A = arith.constant dense<0.000000e+00> : vector<8x108x128xf32>
    %dot_general3A_23 = tpu.matmul %reshape3A_22, %convert_element_type3A_16, %dot_general3A {dimension_numbers = #tpu.dot_dimension_numbers<[2], [0], [0, 1], [1], [0, 0, 0, 1, 1, 1], [], []>, transpose_lhs_hint = false} : vector<8x108x128xf32>, vector<128x128xf32>, vector<8x108x128xf32> -> vector<8x108x128xf32>
    %reduce_sum3A = arith.constant dense<0.000000e+00> : vector<8x108xf32>
    %reduce_sum3A_24 = vector.multi_reduction <add>, %reshape3A_22, %reduce_sum3A [2] : vector<8x108x128xf32> to vector<8x108xf32>
    %dot_general3A_25 = arith.constant dense<0.000000e+00> : vector<8x108xf32>
    %dot_general3A_26 = tpu.matmul %reduce_sum3A_24, %convert_element_type3A_21, %dot_general3A_25 {dimension_numbers = #tpu.dot_dimension_numbers<[1], [0], [0], [1], [0, 0, 1, 1], [], []>, transpose_lhs_hint = false} : vector<8x108xf32>, vector<108x108xf32>, vector<8x108xf32> -> vector<8x108xf32>
    %broadcast_in_dim3A = vector.shape_cast %dot_general3A_26 : vector<8x108xf32> to vector<8x108x1xf32>
    %add3A = vector.broadcast %broadcast_in_dim3A : vector<8x108x1xf32> to vector<8x108x128xf32>
    %add3A_27 = arith.addf %dot_general3A_23, %add3A : vector<8x108x128xf32>
    %reshape3A_28 = vector.shape_cast %add3A_27 : vector<8x108x128xf32> to vector<8x13824xf32>
    %reduce_sum3A_29 = arith.constant dense<0.000000e+00> : vector<8xf32>
    %reduce_sum3A_30 = vector.multi_reduction <add>, %reduce_sum3A_24, %reduce_sum3A_29 [1] : vector<8x108xf32> to vector<8xf32>
    %broadcast_in_dim3A_31 = vector.shape_cast %reduce_sum3A_30 : vector<8xf32> to vector<8x1xf32>
    %reshape3A_32 = vector.shape_cast %convert_element_type3A_12 : vector<8x13824xf32> to vector<8x108x128xf32>
    %dot_general3A_33 = arith.constant dense<0.000000e+00> : vector<8x108x128xf32>
    %dot_general3A_34 = tpu.matmul %reshape3A_32, %convert_element_type3A_16, %dot_general3A_33 {dimension_numbers = #tpu.dot_dimension_numbers<[2], [0], [0, 1], [1], [0, 0, 0, 1, 1, 1], [], []>, transpose_lhs_hint = false} : vector<8x108x128xf32>, vector<128x128xf32>, vector<8x108x128xf32> -> vector<8x108x128xf32>
    %reduce_sum3A_35 = arith.constant dense<0.000000e+00> : vector<8x108xf32>
    %reduce_sum3A_36 = vector.multi_reduction <add>, %reshape3A_32, %reduce_sum3A_35 [2] : vector<8x108x128xf32> to vector<8x108xf32>
    %dot_general3A_37 = arith.constant dense<0.000000e+00> : vector<8x108xf32>
    %dot_general3A_38 = tpu.matmul %reduce_sum3A_36, %convert_element_type3A_21, %dot_general3A_37 {dimension_numbers = #tpu.dot_dimension_numbers<[1], [0], [0], [1], [0, 0, 1, 1], [], []>, transpose_lhs_hint = false} : vector<8x108xf32>, vector<108x108xf32>, vector<8x108xf32> -> vector<8x108xf32>
    %broadcast_in_dim3A_39 = vector.shape_cast %dot_general3A_38 : vector<8x108xf32> to vector<8x108x1xf32>
    %add3A_40 = vector.broadcast %broadcast_in_dim3A_39 : vector<8x108x1xf32> to vector<8x108x128xf32>
    %add3A_41 = arith.addf %dot_general3A_34, %add3A_40 : vector<8x108x128xf32>
    %reshape3A_42 = vector.shape_cast %add3A_41 : vector<8x108x128xf32> to vector<8x13824xf32>
    %reduce_sum3A_43 = arith.constant dense<0.000000e+00> : vector<8xf32>
    %reduce_sum3A_44 = vector.multi_reduction <add>, %reduce_sum3A_36, %reduce_sum3A_43 [1] : vector<8x108xf32> to vector<8xf32>
    %broadcast_in_dim3A_45 = vector.shape_cast %reduce_sum3A_44 : vector<8xf32> to vector<8x1xf32>
    %add3A_46 = arith.addf %broadcast_in_dim3A_31, %broadcast_in_dim3A_45 : vector<8x1xf32>
    %add3A_47 = arith.constant 1.023000e+03 : f32
    %add3A_48 = vector.broadcast %add3A_47 : f32 to vector<8x1xf32>
    %add3A_49 = arith.addf %add3A_46, %add3A_48 : vector<8x1xf32>
    %mul3A = arith.constant 9.765625E-4 : f32
    %mul3A_50 = vector.broadcast %mul3A : f32 to vector<8x1xf32>
    %mul3A_51 = arith.mulf %add3A_49, %mul3A_50 : vector<8x1xf32>
    %floor3A = math.floor %mul3A_51 : vector<8x1xf32>
    %mul3A_52 = arith.constant 1.024000e+03 : f32
    %mul3A_53 = vector.broadcast %mul3A_52 : f32 to vector<8x1xf32>
    %mul3A_54 = arith.mulf %floor3A, %mul3A_53 : vector<8x1xf32>
    %iota3A_55 = tpu.iota {dimensions = array<i32: 0>} : vector<8x8xi32>
    %iota3A_56 = tpu.iota {dimensions = array<i32: 1>} : vector<8x8xi32>
    %lt3A_57 = arith.cmpi slt, %iota3A_56, %iota3A_55 : vector<8x8xi32>
    %convert_element_type3A_58 = arith.extui %lt3A_57 : vector<8x8xi1> to vector<8x8xi32>
    %convert_element_type3A_59 = arith.sitofp %convert_element_type3A_58 : vector<8x8xi32> to vector<8x8xf32>
    %dot_general3A_60 = arith.constant dense<0.000000e+00> : vector<8x1xf32>
    %dot_general3A_61 = tpu.matmul %convert_element_type3A_59, %mul3A_54, %dot_general3A_60 {dimension_numbers = #tpu.dot_dimension_numbers<[1], [0], [0], [1], [0, 0, 1, 1], [], []>, transpose_lhs_hint = false} : vector<8x8xf32>, vector<8x1xf32>, vector<8x1xf32> -> vector<8x1xf32>
    %add3A_62 = arith.addf %dot_general3A_61, %mul3A_54 : vector<8x1xf32>
    %mul3A_63 = vector.broadcast %dot_general3A_61 : vector<8x1xf32> to vector<8x13824xf32>
    %mul3A_64 = arith.mulf %convert_element_type3A_7, %mul3A_63 : vector<8x13824xf32>
    %reduce_sum3A_65 = arith.constant dense<0.000000e+00> : vector<13824xf32>
    %reduce_sum3A_66 = vector.multi_reduction <add>, %mul3A_64, %reduce_sum3A_65 [0] : vector<8x13824xf32> to vector<13824xf32>
    %broadcast_in_dim3A_67 = vector.shape_cast %reduce_sum3A_66 : vector<13824xf32> to vector<1x13824xf32>
    %mul3A_68 = arith.mulf %convert_element_type3A_7, %reshape3A_28 : vector<8x13824xf32>
    %reduce_sum3A_69 = arith.constant dense<0.000000e+00> : vector<13824xf32>
    %reduce_sum3A_70 = vector.multi_reduction <add>, %mul3A_68, %reduce_sum3A_69 [0] : vector<8x13824xf32> to vector<13824xf32>
    %broadcast_in_dim3A_71 = vector.shape_cast %reduce_sum3A_70 : vector<13824xf32> to vector<1x13824xf32>
    %add3A_72 = arith.addf %broadcast_in_dim3A_67, %broadcast_in_dim3A_71 : vector<1x13824xf32>
    %mul3A_73 = vector.broadcast %dot_general3A_61 : vector<8x1xf32> to vector<8x13824xf32>
    %mul3A_74 = arith.mulf %convert_element_type3A_12, %mul3A_73 : vector<8x13824xf32>
    %reduce_sum3A_75 = arith.constant dense<0.000000e+00> : vector<13824xf32>
    %reduce_sum3A_76 = vector.multi_reduction <add>, %mul3A_74, %reduce_sum3A_75 [0] : vector<8x13824xf32> to vector<13824xf32>
    %broadcast_in_dim3A_77 = vector.shape_cast %reduce_sum3A_76 : vector<13824xf32> to vector<1x13824xf32>
    %mul3A_78 = vector.broadcast %broadcast_in_dim3A_31 : vector<8x1xf32> to vector<8x13824xf32>
    %mul3A_79 = arith.mulf %convert_element_type3A_12, %mul3A_78 : vector<8x13824xf32>
    %reduce_sum3A_80 = arith.constant dense<0.000000e+00> : vector<13824xf32>
    %reduce_sum3A_81 = vector.multi_reduction <add>, %mul3A_79, %reduce_sum3A_80 [0] : vector<8x13824xf32> to vector<13824xf32>
    %broadcast_in_dim3A_82 = vector.shape_cast %reduce_sum3A_81 : vector<13824xf32> to vector<1x13824xf32>
    %add3A_83 = arith.addf %broadcast_in_dim3A_77, %broadcast_in_dim3A_82 : vector<1x13824xf32>
    %mul3A_84 = arith.mulf %convert_element_type3A_12, %reshape3A_42 : vector<8x13824xf32>
    %reduce_sum3A_85 = arith.constant dense<0.000000e+00> : vector<13824xf32>
    %reduce_sum3A_86 = vector.multi_reduction <add>, %mul3A_84, %reduce_sum3A_85 [0] : vector<8x13824xf32> to vector<13824xf32>
    %broadcast_in_dim3A_87 = vector.shape_cast %reduce_sum3A_86 : vector<13824xf32> to vector<1x13824xf32>
    %add3A_88 = arith.addf %add3A_83, %broadcast_in_dim3A_87 : vector<1x13824xf32>
    %concatenate3A = tpu.concatenate %add3A_72, %add3A_88 in 0 : vector<1x13824xf32>, vector<1x13824xf32> -> vector<2x13824xf32>
    %convert_element_type3A_89 = arith.fptosi %concatenate3A : vector<2x13824xf32> to vector<2x13824xi32>
    %swap3A = arith.constant 0 : index
    %swap3A_90 = arith.constant 0 : index
    %swap3A_91 = vector.load %arg1[%swap3A, %swap3A_90] : memref<2x13824xi32, #tpu.memory_space<vmem>>, vector<2x13824xi32>
    tpu.vector_store %arg1[%swap3A, %swap3A_90], %convert_element_type3A_89 {strides = array<i32>} : memref<2x13824xi32, #tpu.memory_space<vmem>>, vector<2x13824xi32>,
    %iota3A_92 = tpu.iota {dimensions = array<i32: 1>} : vector<1x35xi32>
    %convert_element_type3A_93 = arith.sitofp %iota3A_92 : vector<1x35xi32> to vector<1x35xf32>
    %mul3A_94 = arith.constant 1.024000e+03 : f32
    %mul3A_95 = vector.broadcast %mul3A_94 : f32 to vector<1x35xf32>
    %mul3A_96 = arith.mulf %convert_element_type3A_93, %mul3A_95 : vector<1x35xf32>
    %le3A = vector.broadcast %add3A_62 : vector<8x1xf32> to vector<8x35xf32>
    %le3A_97 = vector.broadcast %mul3A_96 : vector<1x35xf32> to vector<8x35xf32>
    %le3A_98 = arith.cmpf ole, %le3A, %le3A_97 : vector<8x35xf32>
    %convert_element_type3A_99 = arith.extui %le3A_98 : vector<8x35xi1> to vector<8x35xi32>
    %reduce_sum3A_100 = arith.constant dense<0> : vector<35xi32>
    %reduce_sum3A_101 = vector.multi_reduction <add>, %convert_element_type3A_99, %reduce_sum3A_100 [0] : vector<8x35xi32> to vector<35xi32>
    %broadcast_in_dim3A_102 = vector.shape_cast %reduce_sum3A_101 : vector<35xi32> to vector<1x35xi32>
    %min3A = arith.constant 7 : i32
    %min3A_103 = vector.broadcast %min3A : i32 to vector<1x35xi32>
    %min3A_104 = arith.minsi %broadcast_in_dim3A_102, %min3A_103 : vector<1x35xi32>
    %swap3A_105 = arith.constant 0 : index
    %swap3A_106 = arith.constant 0 : index
    %swap3A_107 = vector.load %arg2[%swap3A_105, %swap3A_106] : memref<1x35xi32, #tpu.memory_space<vmem>>, vector<1x35xi32>
    tpu.vector_store %arg2[%swap3A_105, %swap3A_106], %min3A_104 {strides = array<i32>} : memref<1x35xi32, #tpu.memory_space<vmem>>, vector<1x35xi32>,
    return
  }
}

module attributes {stable_mosaic.version = 14 : i64} {
  func.func @_gate_body(%arg0: i32, %arg1: memref<1728x192xf32, #tpu.memory_space<vmem>>, %arg2: memref<1x192xf32, #tpu.memory_space<vmem>>, %arg3: memref<1x192xf32, #tpu.memory_space<vmem>>, %arg4: memref<8x192xf32, #tpu.memory_space<vmem>>, %arg5: memref<1728x256xf32, #tpu.memory_space<vmem>>, %arg6: memref<1x2x1728xf32, #tpu.memory_space<vmem>>, %arg7: memref<1x2x1728xf32, #tpu.memory_space<vmem>>) attributes {dimension_semantics = [#tpu.dimension_semantics<parallel>], iteration_bounds = array<i64: 8>, scalar_prefetch = 0 : i64, scratch_operands = 0 : i64, tpu.core_type = #tpu.core_type<tc>, window_params = [{transform_indices = @transform_0, window_bounds = array<i64: 1728, 192>}, {pipeline_mode = #tpu.pipeline_mode<synchronous>, transform_indices = @transform_1, window_bounds = array<i64: 1, 192>}, {pipeline_mode = #tpu.pipeline_mode<synchronous>, transform_indices = @transform_2, window_bounds = array<i64: 1, 192>}, {pipeline_mode = #tpu.pipeline_mode<synchronous>, transform_indices = @transform_3, window_bounds = array<i64: 8, 192>}, {transform_indices = @transform_4, window_bounds = array<i64: 1728, 256>}, {transform_indices = @transform_5, window_bounds = array<i64: 1, 2, 1728>}, {transform_indices = @transform_6, window_bounds = array<i64: 1, 2, 1728>}]} {
    %get3A = arith.constant 0 : index
    %get3A_0 = arith.constant 0 : index
    %get3A_1 = vector.load %arg1[%get3A, %get3A_0] : memref<1728x192xf32, #tpu.memory_space<vmem>>, vector<1728x192xf32>
    %get3A_2 = arith.constant 0 : index
    %get3A_3 = arith.constant 0 : index
    %get3A_4 = vector.load %arg2[%get3A_2, %get3A_3] : memref<1x192xf32, #tpu.memory_space<vmem>>, vector<1x192xf32>
    %get3A_5 = vector.shape_cast %get3A_4 : vector<1x192xf32> to vector<192xf32>
    %get3A_6 = arith.constant 0 : index
    %get3A_7 = arith.constant 0 : index
    %get3A_8 = vector.load %arg3[%get3A_6, %get3A_7] : memref<1x192xf32, #tpu.memory_space<vmem>>, vector<1x192xf32>
    %get3A_9 = vector.shape_cast %get3A_8 : vector<1x192xf32> to vector<192xf32>
    %reduce_sum3A = arith.constant dense<0.000000e+00> : vector<1728xf32>
    %reduce_sum3A_10 = vector.multi_reduction <add>, %get3A_1, %reduce_sum3A [1] : vector<1728x192xf32> to vector<1728xf32>
    %broadcast_in_dim3A = vector.shape_cast %reduce_sum3A_10 : vector<1728xf32> to vector<1728x1xf32>
    %div3A = arith.constant 1.920000e+02 : f32
    %div3A_11 = vector.broadcast %div3A : f32 to vector<1728x1xf32>
    %div3A_12 = arith.divf %broadcast_in_dim3A, %div3A_11 : vector<1728x1xf32>
    %sub3A = vector.broadcast %div3A_12 : vector<1728x1xf32> to vector<1728x192xf32>
    %sub3A_13 = arith.subf %get3A_1, %sub3A : vector<1728x192xf32>
    %integer_pow3A = arith.mulf %sub3A_13, %sub3A_13 : vector<1728x192xf32>
    %reduce_sum3A_14 = arith.constant dense<0.000000e+00> : vector<1728xf32>
    %reduce_sum3A_15 = vector.multi_reduction <add>, %integer_pow3A, %reduce_sum3A_14 [1] : vector<1728x192xf32> to vector<1728xf32>
    %broadcast_in_dim3A_16 = vector.shape_cast %reduce_sum3A_15 : vector<1728xf32> to vector<1728x1xf32>
    %div3A_17 = arith.constant 1.920000e+02 : f32
    %div3A_18 = vector.broadcast %div3A_17 : f32 to vector<1728x1xf32>
    %div3A_19 = arith.divf %broadcast_in_dim3A_16, %div3A_18 : vector<1728x1xf32>
    %sub3A_20 = vector.broadcast %div3A_12 : vector<1728x1xf32> to vector<1728x192xf32>
    %sub3A_21 = arith.subf %get3A_1, %sub3A_20 : vector<1728x192xf32>
    %add3A = arith.constant 9.99999974E-6 : f32
    %add3A_22 = vector.broadcast %add3A : f32 to vector<1728x1xf32>
    %add3A_23 = arith.addf %div3A_19, %add3A_22 : vector<1728x1xf32>
    %sqrt3A = math.sqrt %add3A_23 : vector<1728x1xf32>
    %div3A_24 = vector.broadcast %sqrt3A : vector<1728x1xf32> to vector<1728x192xf32>
    %div3A_25 = arith.divf %sub3A_21, %div3A_24 : vector<1728x192xf32>
    %broadcast_in_dim3A_26 = vector.shape_cast %get3A_5 : vector<192xf32> to vector<1x192xf32>
    %mul3A = vector.broadcast %broadcast_in_dim3A_26 : vector<1x192xf32> to vector<1728x192xf32>
    %mul3A_27 = arith.mulf %div3A_25, %mul3A : vector<1728x192xf32>
    %broadcast_in_dim3A_28 = vector.shape_cast %get3A_9 : vector<192xf32> to vector<1x192xf32>
    %add3A_29 = vector.broadcast %broadcast_in_dim3A_28 : vector<1x192xf32> to vector<1728x192xf32>
    %add3A_30 = arith.addf %mul3A_27, %add3A_29 : vector<1728x192xf32>
    %broadcast_in_dim3A_31 = arith.constant 0.000000e+00 : f32
    %broadcast_in_dim3A_32 = vector.broadcast %broadcast_in_dim3A_31 : f32 to vector<1728x64xf32>
    %concatenate3A = tpu.concatenate %add3A_30, %broadcast_in_dim3A_32 in 1 : vector<1728x192xf32>, vector<1728x64xf32> -> vector<1728x256xf32>
    %swap3A = arith.constant 0 : index
    %swap3A_33 = arith.constant 0 : index
    %swap3A_34 = vector.load %arg5[%swap3A, %swap3A_33] : memref<1728x256xf32, #tpu.memory_space<vmem>>, vector<1728x256xf32>
    tpu.vector_store %arg5[%swap3A, %swap3A_33], %concatenate3A {strides = array<i32>} : memref<1728x256xf32, #tpu.memory_space<vmem>>, vector<1728x256xf32>,
    %get3A_35 = arith.constant 0 : index
    %get3A_36 = arith.constant 0 : index
    %get3A_37 = vector.load %arg4[%get3A_35, %get3A_36] : memref<8x192xf32, #tpu.memory_space<vmem>>, vector<8x192xf32>
    %dot_general3A = arith.constant dense<0.000000e+00> : vector<8x1728xf32>
    %dot_general3A_38 = tpu.matmul %get3A_37, %add3A_30, %dot_general3A {dimension_numbers = #tpu.dot_dimension_numbers<[1], [1], [0], [0], [0, 0, 1, 0], [], []>, transpose_lhs_hint = false} : vector<8x192xf32>, vector<1728x192xf32>, vector<8x1728xf32> -> vector<8x1728xf32>
    %broadcast_in_dim3A_39 = arith.constant 0xFF800000 : f32
    %broadcast_in_dim3A_40 = vector.broadcast %broadcast_in_dim3A_39 : f32 to vector<1x1728xf32>
    %broadcast_in_dim3A_41 = arith.constant 0.000000e+00 : f32
    %broadcast_in_dim3A_42 = vector.broadcast %broadcast_in_dim3A_41 : f32 to vector<1x1728xf32>
    %slice3A = vector.extract_strided_slice %dot_general3A_38 {offsets = [0, 0], sizes = [1, 1728], strides = [1, 1]} : vector<8x1728xf32> to vector<1x1728xf32>
    %gt3A = arith.cmpf ogt, %slice3A, %broadcast_in_dim3A_40 : vector<1x1728xf32>
    %jit3A = arith.constant 0.000000e+00 : f32
    %broadcast_in_dim3A_43 = vector.broadcast %jit3A : f32 to vector<1x1728xf32>
    %select_n3A = arith.select %gt3A, %broadcast_in_dim3A_43, %broadcast_in_dim3A_42 : vector<1x1728xi1>, vector<1x1728xf32>
    %select_n3A_44 = arith.select %gt3A, %slice3A, %broadcast_in_dim3A_40 : vector<1x1728xi1>, vector<1x1728xf32>
    %slice3A_45 = vector.extract_strided_slice %dot_general3A_38 {offsets = [1, 0], sizes = [1, 1728], strides = [1, 1]} : vector<8x1728xf32> to vector<1x1728xf32>
    %gt3A_46 = arith.cmpf ogt, %slice3A_45, %select_n3A_44 : vector<1x1728xf32>
    %jit3A_47 = arith.constant 1.000000e+00 : f32
    %broadcast_in_dim3A_48 = vector.broadcast %jit3A_47 : f32 to vector<1x1728xf32>
    %select_n3A_49 = arith.select %gt3A_46, %broadcast_in_dim3A_48, %select_n3A : vector<1x1728xi1>, vector<1x1728xf32>
    %select_n3A_50 = arith.select %gt3A_46, %slice3A_45, %select_n3A_44 : vector<1x1728xi1>, vector<1x1728xf32>
    %slice3A_51 = vector.extract_strided_slice %dot_general3A_38 {offsets = [2, 0], sizes = [1, 1728], strides = [1, 1]} : vector<8x1728xf32> to vector<1x1728xf32>
    %gt3A_52 = arith.cmpf ogt, %slice3A_51, %select_n3A_50 : vector<1x1728xf32>
    %jit3A_53 = arith.constant 2.000000e+00 : f32
    %broadcast_in_dim3A_54 = vector.broadcast %jit3A_53 : f32 to vector<1x1728xf32>
    %select_n3A_55 = arith.select %gt3A_52, %broadcast_in_dim3A_54, %select_n3A_49 : vector<1x1728xi1>, vector<1x1728xf32>
    %select_n3A_56 = arith.select %gt3A_52, %slice3A_51, %select_n3A_50 : vector<1x1728xi1>, vector<1x1728xf32>
    %slice3A_57 = vector.extract_strided_slice %dot_general3A_38 {offsets = [3, 0], sizes = [1, 1728], strides = [1, 1]} : vector<8x1728xf32> to vector<1x1728xf32>
    %gt3A_58 = arith.cmpf ogt, %slice3A_57, %select_n3A_56 : vector<1x1728xf32>
    %jit3A_59 = arith.constant 3.000000e+00 : f32
    %broadcast_in_dim3A_60 = vector.broadcast %jit3A_59 : f32 to vector<1x1728xf32>
    %select_n3A_61 = arith.select %gt3A_58, %broadcast_in_dim3A_60, %select_n3A_55 : vector<1x1728xi1>, vector<1x1728xf32>
    %select_n3A_62 = arith.select %gt3A_58, %slice3A_57, %select_n3A_56 : vector<1x1728xi1>, vector<1x1728xf32>
    %slice3A_63 = vector.extract_strided_slice %dot_general3A_38 {offsets = [4, 0], sizes = [1, 1728], strides = [1, 1]} : vector<8x1728xf32> to vector<1x1728xf32>
    %gt3A_64 = arith.cmpf ogt, %slice3A_63, %select_n3A_62 : vector<1x1728xf32>
    %jit3A_65 = arith.constant 4.000000e+00 : f32
    %broadcast_in_dim3A_66 = vector.broadcast %jit3A_65 : f32 to vector<1x1728xf32>
    %select_n3A_67 = arith.select %gt3A_64, %broadcast_in_dim3A_66, %select_n3A_61 : vector<1x1728xi1>, vector<1x1728xf32>
    %select_n3A_68 = arith.select %gt3A_64, %slice3A_63, %select_n3A_62 : vector<1x1728xi1>, vector<1x1728xf32>
    %slice3A_69 = vector.extract_strided_slice %dot_general3A_38 {offsets = [5, 0], sizes = [1, 1728], strides = [1, 1]} : vector<8x1728xf32> to vector<1x1728xf32>
    %gt3A_70 = arith.cmpf ogt, %slice3A_69, %select_n3A_68 : vector<1x1728xf32>
    %jit3A_71 = arith.constant 5.000000e+00 : f32
    %broadcast_in_dim3A_72 = vector.broadcast %jit3A_71 : f32 to vector<1x1728xf32>
    %select_n3A_73 = arith.select %gt3A_70, %broadcast_in_dim3A_72, %select_n3A_67 : vector<1x1728xi1>, vector<1x1728xf32>
    %select_n3A_74 = arith.select %gt3A_70, %slice3A_69, %select_n3A_68 : vector<1x1728xi1>, vector<1x1728xf32>
    %slice3A_75 = vector.extract_strided_slice %dot_general3A_38 {offsets = [6, 0], sizes = [1, 1728], strides = [1, 1]} : vector<8x1728xf32> to vector<1x1728xf32>
    %gt3A_76 = arith.cmpf ogt, %slice3A_75, %select_n3A_74 : vector<1x1728xf32>
    %jit3A_77 = arith.constant 6.000000e+00 : f32
    %broadcast_in_dim3A_78 = vector.broadcast %jit3A_77 : f32 to vector<1x1728xf32>
    %select_n3A_79 = arith.select %gt3A_76, %broadcast_in_dim3A_78, %select_n3A_73 : vector<1x1728xi1>, vector<1x1728xf32>
    %select_n3A_80 = arith.select %gt3A_76, %slice3A_75, %select_n3A_74 : vector<1x1728xi1>, vector<1x1728xf32>
    %slice3A_81 = vector.extract_strided_slice %dot_general3A_38 {offsets = [7, 0], sizes = [1, 1728], strides = [1, 1]} : vector<8x1728xf32> to vector<1x1728xf32>
    %gt3A_82 = arith.cmpf ogt, %slice3A_81, %select_n3A_80 : vector<1x1728xf32>
    %jit3A_83 = arith.constant 7.000000e+00 : f32
    %broadcast_in_dim3A_84 = vector.broadcast %jit3A_83 : f32 to vector<1x1728xf32>
    %select_n3A_85 = arith.select %gt3A_82, %broadcast_in_dim3A_84, %select_n3A_79 : vector<1x1728xi1>, vector<1x1728xf32>
    %select_n3A_86 = arith.select %gt3A_82, %slice3A_81, %select_n3A_80 : vector<1x1728xi1>, vector<1x1728xf32>
    %broadcast_in_dim3A_87 = arith.constant 0xFF800000 : f32
    %broadcast_in_dim3A_88 = vector.broadcast %broadcast_in_dim3A_87 : f32 to vector<1x1728xf32>
    %broadcast_in_dim3A_89 = arith.constant 0.000000e+00 : f32
    %broadcast_in_dim3A_90 = vector.broadcast %broadcast_in_dim3A_89 : f32 to vector<1x1728xf32>
    %slice3A_91 = vector.extract_strided_slice %dot_general3A_38 {offsets = [0, 0], sizes = [1, 1728], strides = [1, 1]} : vector<8x1728xf32> to vector<1x1728xf32>
    %gt3A_92 = arith.cmpf ogt, %slice3A_91, %broadcast_in_dim3A_88 : vector<1x1728xf32>
    %ne3A = arith.constant 0.000000e+00 : f32
    %ne3A_93 = vector.broadcast %ne3A : f32 to vector<1x1728xf32>
    %ne3A_94 = arith.cmpf one, %select_n3A_85, %ne3A_93 : vector<1x1728xf32>
    %and3A = arith.andi %gt3A_92, %ne3A_94 : vector<1x1728xi1>
    %jit3A_95 = arith.constant 0.000000e+00 : f32
    %broadcast_in_dim3A_96 = vector.broadcast %jit3A_95 : f32 to vector<1x1728xf32>
    %select_n3A_97 = arith.select %and3A, %broadcast_in_dim3A_96, %broadcast_in_dim3A_90 : vector<1x1728xi1>, vector<1x1728xf32>
    %select_n3A_98 = arith.select %and3A, %slice3A_91, %broadcast_in_dim3A_88 : vector<1x1728xi1>, vector<1x1728xf32>
    %slice3A_99 = vector.extract_strided_slice %dot_general3A_38 {offsets = [1, 0], sizes = [1, 1728], strides = [1, 1]} : vector<8x1728xf32> to vector<1x1728xf32>
    %gt3A_100 = arith.cmpf ogt, %slice3A_99, %select_n3A_98 : vector<1x1728xf32>
    %ne3A_101 = arith.constant 1.000000e+00 : f32
    %ne3A_102 = vector.broadcast %ne3A_101 : f32 to vector<1x1728xf32>
    %ne3A_103 = arith.cmpf one, %select_n3A_85, %ne3A_102 : vector<1x1728xf32>
    %and3A_104 = arith.andi %gt3A_100, %ne3A_103 : vector<1x1728xi1>
    %jit3A_105 = arith.constant 1.000000e+00 : f32
    %broadcast_in_dim3A_106 = vector.broadcast %jit3A_105 : f32 to vector<1x1728xf32>
    %select_n3A_107 = arith.select %and3A_104, %broadcast_in_dim3A_106, %select_n3A_97 : vector<1x1728xi1>, vector<1x1728xf32>
    %select_n3A_108 = arith.select %and3A_104, %slice3A_99, %select_n3A_98 : vector<1x1728xi1>, vector<1x1728xf32>
    %slice3A_109 = vector.extract_strided_slice %dot_general3A_38 {offsets = [2, 0], sizes = [1, 1728], strides = [1, 1]} : vector<8x1728xf32> to vector<1x1728xf32>
    %gt3A_110 = arith.cmpf ogt, %slice3A_109, %select_n3A_108 : vector<1x1728xf32>
    %ne3A_111 = arith.constant 2.000000e+00 : f32
    %ne3A_112 = vector.broadcast %ne3A_111 : f32 to vector<1x1728xf32>
    %ne3A_113 = arith.cmpf one, %select_n3A_85, %ne3A_112 : vector<1x1728xf32>
    %and3A_114 = arith.andi %gt3A_110, %ne3A_113 : vector<1x1728xi1>
    %jit3A_115 = arith.constant 2.000000e+00 : f32
    %broadcast_in_dim3A_116 = vector.broadcast %jit3A_115 : f32 to vector<1x1728xf32>
    %select_n3A_117 = arith.select %and3A_114, %broadcast_in_dim3A_116, %select_n3A_107 : vector<1x1728xi1>, vector<1x1728xf32>
    %select_n3A_118 = arith.select %and3A_114, %slice3A_109, %select_n3A_108 : vector<1x1728xi1>, vector<1x1728xf32>
    %slice3A_119 = vector.extract_strided_slice %dot_general3A_38 {offsets = [3, 0], sizes = [1, 1728], strides = [1, 1]} : vector<8x1728xf32> to vector<1x1728xf32>
    %gt3A_120 = arith.cmpf ogt, %slice3A_119, %select_n3A_118 : vector<1x1728xf32>
    %ne3A_121 = arith.constant 3.000000e+00 : f32
    %ne3A_122 = vector.broadcast %ne3A_121 : f32 to vector<1x1728xf32>
    %ne3A_123 = arith.cmpf one, %select_n3A_85, %ne3A_122 : vector<1x1728xf32>
    %and3A_124 = arith.andi %gt3A_120, %ne3A_123 : vector<1x1728xi1>
    %jit3A_125 = arith.constant 3.000000e+00 : f32
    %broadcast_in_dim3A_126 = vector.broadcast %jit3A_125 : f32 to vector<1x1728xf32>
    %select_n3A_127 = arith.select %and3A_124, %broadcast_in_dim3A_126, %select_n3A_117 : vector<1x1728xi1>, vector<1x1728xf32>
    %select_n3A_128 = arith.select %and3A_124, %slice3A_119, %select_n3A_118 : vector<1x1728xi1>, vector<1x1728xf32>
    %slice3A_129 = vector.extract_strided_slice %dot_general3A_38 {offsets = [4, 0], sizes = [1, 1728], strides = [1, 1]} : vector<8x1728xf32> to vector<1x1728xf32>
    %gt3A_130 = arith.cmpf ogt, %slice3A_129, %select_n3A_128 : vector<1x1728xf32>
    %ne3A_131 = arith.constant 4.000000e+00 : f32
    %ne3A_132 = vector.broadcast %ne3A_131 : f32 to vector<1x1728xf32>
    %ne3A_133 = arith.cmpf one, %select_n3A_85, %ne3A_132 : vector<1x1728xf32>
    %and3A_134 = arith.andi %gt3A_130, %ne3A_133 : vector<1x1728xi1>
    %jit3A_135 = arith.constant 4.000000e+00 : f32
    %broadcast_in_dim3A_136 = vector.broadcast %jit3A_135 : f32 to vector<1x1728xf32>
    %select_n3A_137 = arith.select %and3A_134, %broadcast_in_dim3A_136, %select_n3A_127 : vector<1x1728xi1>, vector<1x1728xf32>
    %select_n3A_138 = arith.select %and3A_134, %slice3A_129, %select_n3A_128 : vector<1x1728xi1>, vector<1x1728xf32>
    %slice3A_139 = vector.extract_strided_slice %dot_general3A_38 {offsets = [5, 0], sizes = [1, 1728], strides = [1, 1]} : vector<8x1728xf32> to vector<1x1728xf32>
    %gt3A_140 = arith.cmpf ogt, %slice3A_139, %select_n3A_138 : vector<1x1728xf32>
    %ne3A_141 = arith.constant 5.000000e+00 : f32
    %ne3A_142 = vector.broadcast %ne3A_141 : f32 to vector<1x1728xf32>
    %ne3A_143 = arith.cmpf one, %select_n3A_85, %ne3A_142 : vector<1x1728xf32>
    %and3A_144 = arith.andi %gt3A_140, %ne3A_143 : vector<1x1728xi1>
    %jit3A_145 = arith.constant 5.000000e+00 : f32
    %broadcast_in_dim3A_146 = vector.broadcast %jit3A_145 : f32 to vector<1x1728xf32>
    %select_n3A_147 = arith.select %and3A_144, %broadcast_in_dim3A_146, %select_n3A_137 : vector<1x1728xi1>, vector<1x1728xf32>
    %select_n3A_148 = arith.select %and3A_144, %slice3A_139, %select_n3A_138 : vector<1x1728xi1>, vector<1x1728xf32>
    %slice3A_149 = vector.extract_strided_slice %dot_general3A_38 {offsets = [6, 0], sizes = [1, 1728], strides = [1, 1]} : vector<8x1728xf32> to vector<1x1728xf32>
    %gt3A_150 = arith.cmpf ogt, %slice3A_149, %select_n3A_148 : vector<1x1728xf32>
    %ne3A_151 = arith.constant 6.000000e+00 : f32
    %ne3A_152 = vector.broadcast %ne3A_151 : f32 to vector<1x1728xf32>
    %ne3A_153 = arith.cmpf one, %select_n3A_85, %ne3A_152 : vector<1x1728xf32>
    %and3A_154 = arith.andi %gt3A_150, %ne3A_153 : vector<1x1728xi1>
    %jit3A_155 = arith.constant 6.000000e+00 : f32
    %broadcast_in_dim3A_156 = vector.broadcast %jit3A_155 : f32 to vector<1x1728xf32>
    %select_n3A_157 = arith.select %and3A_154, %broadcast_in_dim3A_156, %select_n3A_147 : vector<1x1728xi1>, vector<1x1728xf32>
    %select_n3A_158 = arith.select %and3A_154, %slice3A_149, %select_n3A_148 : vector<1x1728xi1>, vector<1x1728xf32>
    %slice3A_159 = vector.extract_strided_slice %dot_general3A_38 {offsets = [7, 0], sizes = [1, 1728], strides = [1, 1]} : vector<8x1728xf32> to vector<1x1728xf32>
    %gt3A_160 = arith.cmpf ogt, %slice3A_159, %select_n3A_158 : vector<1x1728xf32>
    %ne3A_161 = arith.constant 7.000000e+00 : f32
    %ne3A_162 = vector.broadcast %ne3A_161 : f32 to vector<1x1728xf32>
    %ne3A_163 = arith.cmpf one, %select_n3A_85, %ne3A_162 : vector<1x1728xf32>
    %and3A_164 = arith.andi %gt3A_160, %ne3A_163 : vector<1x1728xi1>
    %jit3A_165 = arith.constant 7.000000e+00 : f32
    %broadcast_in_dim3A_166 = vector.broadcast %jit3A_165 : f32 to vector<1x1728xf32>
    %select_n3A_167 = arith.select %and3A_164, %broadcast_in_dim3A_166, %select_n3A_157 : vector<1x1728xi1>, vector<1x1728xf32>
    %select_n3A_168 = arith.select %and3A_164, %slice3A_159, %select_n3A_158 : vector<1x1728xi1>, vector<1x1728xf32>
    %sub3A_169 = arith.subf %select_n3A_168, %select_n3A_86 : vector<1x1728xf32>
    %exp3A = math.exp %sub3A_169 : vector<1x1728xf32>
    %add3A_170 = arith.constant 1.000000e+00 : f32
    %add3A_171 = vector.broadcast %add3A_170 : f32 to vector<1x1728xf32>
    %add3A_172 = arith.addf %add3A_171, %exp3A : vector<1x1728xf32>
    %div3A_173 = arith.constant 1.000000e+00 : f32
    %div3A_174 = vector.broadcast %div3A_173 : f32 to vector<1x1728xf32>
    %div3A_175 = arith.divf %div3A_174, %add3A_172 : vector<1x1728xf32>
    %concatenate3A_176 = tpu.concatenate %select_n3A_85, %select_n3A_167 in 0 : vector<1x1728xf32>, vector<1x1728xf32> -> vector<2x1728xf32>
    %swap3A_177 = arith.constant 0 : index
    %swap3A_178 = arith.constant 0 : index
    %swap3A_179 = arith.constant 0 : index
    %swap3A_180 = vector.load %arg6[%swap3A_177, %swap3A_178, %swap3A_179] : memref<1x2x1728xf32, #tpu.memory_space<vmem>>, vector<1x2x1728xf32>
    %swap3A_181 = vector.shape_cast %swap3A_180 : vector<1x2x1728xf32> to vector<2x1728xf32>
    %swap3A_182 = vector.shape_cast %concatenate3A_176 : vector<2x1728xf32> to vector<1x2x1728xf32>
    tpu.vector_store %arg6[%swap3A_177, %swap3A_178, %swap3A_179], %swap3A_182 {strides = array<i32>} : memref<1x2x1728xf32, #tpu.memory_space<vmem>>, vector<1x2x1728xf32>,
    %sub3A_183 = arith.constant 1.000000e+00 : f32
    %sub3A_184 = vector.broadcast %sub3A_183 : f32 to vector<1x1728xf32>
    %sub3A_185 = arith.subf %sub3A_184, %div3A_175 : vector<1x1728xf32>
    %concatenate3A_186 = tpu.concatenate %div3A_175, %sub3A_185 in 0 : vector<1x1728xf32>, vector<1x1728xf32> -> vector<2x1728xf32>
    %swap3A_187 = arith.constant 0 : index
    %swap3A_188 = arith.constant 0 : index
    %swap3A_189 = arith.constant 0 : index
    %swap3A_190 = vector.load %arg7[%swap3A_187, %swap3A_188, %swap3A_189] : memref<1x2x1728xf32, #tpu.memory_space<vmem>>, vector<1x2x1728xf32>
    %swap3A_191 = vector.shape_cast %swap3A_190 : vector<1x2x1728xf32> to vector<2x1728xf32>
    %swap3A_192 = vector.shape_cast %concatenate3A_186 : vector<2x1728xf32> to vector<1x2x1728xf32>
    tpu.vector_store %arg7[%swap3A_187, %swap3A_188, %swap3A_189], %swap3A_192 {strides = array<i32>} : memref<1x2x1728xf32, #tpu.memory_space<vmem>>, vector<1x2x1728xf32>,
    return
  }
  func.func @transform_0(%arg0: i32) -> (i32, i32) {
    %c0_i32 = arith.constant 0 : i32
    %c0_i32_0 = arith.constant 0 : i32
    return %arg0, %c0_i32 : i32, i32
  }
  func.func @transform_1(%arg0: i32) -> (i32, i32) {
    %c0_i32 = arith.constant 0 : i32
    %c0_i32_0 = arith.constant 0 : i32
    %c0_i32_1 = arith.constant 0 : i32
    return %c0_i32, %c0_i32_0 : i32, i32
  }
  func.func @transform_2(%arg0: i32) -> (i32, i32) {
    %c0_i32 = arith.constant 0 : i32
    %c0_i32_0 = arith.constant 0 : i32
    %c0_i32_1 = arith.constant 0 : i32
    return %c0_i32, %c0_i32_0 : i32, i32
  }
  func.func @transform_3(%arg0: i32) -> (i32, i32) {
    %c0_i32 = arith.constant 0 : i32
    %c0_i32_0 = arith.constant 0 : i32
    %c0_i32_1 = arith.constant 0 : i32
    return %c0_i32, %c0_i32_0 : i32, i32
  }
  func.func @transform_4(%arg0: i32) -> (i32, i32) {
    %c0_i32 = arith.constant 0 : i32
    %c0_i32_0 = arith.constant 0 : i32
    return %arg0, %c0_i32 : i32, i32
  }
  func.func @transform_5(%arg0: i32) -> (i32, i32, i32) {
    %c0_i32 = arith.constant 0 : i32
    %c0_i32_0 = arith.constant 0 : i32
    %c0_i32_1 = arith.constant 0 : i32
    return %arg0, %c0_i32, %c0_i32_0 : i32, i32, i32
  }
  func.func @transform_6(%arg0: i32) -> (i32, i32, i32) {
    %c0_i32 = arith.constant 0 : i32
    %c0_i32_0 = arith.constant 0 : i32
    %c0_i32_1 = arith.constant 0 : i32
    return %arg0, %c0_i32, %c0_i32_0 : i32, i32, i32
  }
}

module attributes {stable_mosaic.version = 14 : i64} {
  func.func @_gmm_body(%arg0: i32, %arg1: memref<35xi32, #tpu.memory_space<smem>>, %arg2: memref<1024x256xf32, #tpu.memory_space<vmem>>, %arg3: memref<1x384x192xf32, #tpu.memory_space<vmem>>, %arg4: memref<1x1x384xf32, #tpu.memory_space<vmem>>, %arg5: memref<1x192x384xf32, #tpu.memory_space<vmem>>, %arg6: memref<1x1x192xf32, #tpu.memory_space<vmem>>, %arg7: memref<1024x256xf32, #tpu.memory_space<vmem>>) attributes {dimension_semantics = [#tpu.dimension_semantics<parallel>], iteration_bounds = array<i64: 35>, scalar_prefetch = 1 : i64, scratch_operands = 0 : i64, tpu.core_type = #tpu.core_type<tc>, window_params = [{transform_indices = @transform_0, window_bounds = array<i64: 1024, 256>}, {transform_indices = @transform_1, window_bounds = array<i64: 1, 384, 192>}, {transform_indices = @transform_2, window_bounds = array<i64: 1, 1, 384>}, {transform_indices = @transform_3, window_bounds = array<i64: 1, 192, 384>}, {transform_indices = @transform_4, window_bounds = array<i64: 1, 1, 192>}, {transform_indices = @transform_5, window_bounds = array<i64: 1024, 256>}]} {
    %get3A = arith.constant 0 : index
    %get3A_0 = arith.constant 0 : index
    %get3A_1 = vector.load %arg2[%get3A, %get3A_0] : memref<1024x256xf32, #tpu.memory_space<vmem>>, vector<1024x256xf32>
    %convert_element_type3A = arith.truncf %get3A_1 : vector<1024x256xf32> to vector<1024x256xbf16>
    %get3A_2 = arith.constant 0 : index
    %get3A_3 = arith.constant 0 : index
    %get3A_4 = arith.constant 0 : index
    %get3A_5 = vector.load %arg3[%get3A_2, %get3A_3, %get3A_4] : memref<1x384x192xf32, #tpu.memory_space<vmem>>, vector<1x384x192xf32>
    %get3A_6 = vector.shape_cast %get3A_5 : vector<1x384x192xf32> to vector<384x192xf32>
    %convert_element_type3A_7 = arith.truncf %get3A_6 : vector<384x192xf32> to vector<384x192xbf16>
    %broadcast_in_dim3A = arith.constant 0.000000e+00 : bf16
    %broadcast_in_dim3A_8 = vector.broadcast %broadcast_in_dim3A : bf16 to vector<384x64xbf16>
    %concatenate3A = tpu.concatenate %convert_element_type3A_7, %broadcast_in_dim3A_8 in 1 : vector<384x192xbf16>, vector<384x64xbf16> -> vector<384x256xbf16>
    %dot_general3A = arith.constant dense<0.000000e+00> : vector<1024x384xf32>
    %dot_general3A_9 = tpu.matmul %convert_element_type3A, %concatenate3A, %dot_general3A {dimension_numbers = #tpu.dot_dimension_numbers<[1], [1], [0], [0], [0, 0, 1, 0], [], []>, transpose_lhs_hint = false} : vector<1024x256xbf16>, vector<384x256xbf16>, vector<1024x384xf32> -> vector<1024x384xf32>
    %get3A_10 = arith.constant 0 : index
    %get3A_11 = arith.constant 0 : index
    %get3A_12 = arith.constant 0 : index
    %get3A_13 = vector.load %arg4[%get3A_10, %get3A_11, %get3A_12] : memref<1x1x384xf32, #tpu.memory_space<vmem>>, vector<1x1x384xf32>
    %get3A_14 = vector.shape_cast %get3A_13 : vector<1x1x384xf32> to vector<384xf32>
    %broadcast_in_dim3A_15 = vector.shape_cast %get3A_14 : vector<384xf32> to vector<1x384xf32>
    %add3A = vector.broadcast %broadcast_in_dim3A_15 : vector<1x384xf32> to vector<1024x384xf32>
    %add3A_16 = arith.addf %dot_general3A_9, %add3A : vector<1024x384xf32>
    %mul3A = arith.constant 5.000000e-01 : f32
    %mul3A_17 = vector.broadcast %mul3A : f32 to vector<1024x384xf32>
    %mul3A_18 = arith.mulf %mul3A_17, %add3A_16 : vector<1024x384xf32>
    %mul3A_19 = arith.constant 0.707106769 : f32
    %mul3A_20 = vector.broadcast %mul3A_19 : f32 to vector<1024x384xf32>
    %mul3A_21 = arith.mulf %add3A_16, %mul3A_20 : vector<1024x384xf32>
    %erf3A = math.erf %mul3A_21 : vector<1024x384xf32>
    %add3A_22 = arith.constant 1.000000e+00 : f32
    %add3A_23 = vector.broadcast %add3A_22 : f32 to vector<1024x384xf32>
    %add3A_24 = arith.addf %add3A_23, %erf3A : vector<1024x384xf32>
    %mul3A_25 = arith.mulf %mul3A_18, %add3A_24 : vector<1024x384xf32>
    %convert_element_type3A_26 = arith.truncf %mul3A_25 : vector<1024x384xf32> to vector<1024x384xbf16>
    %get3A_27 = arith.constant 0 : index
    %get3A_28 = arith.constant 0 : index
    %get3A_29 = arith.constant 0 : index
    %get3A_30 = vector.load %arg5[%get3A_27, %get3A_28, %get3A_29] : memref<1x192x384xf32, #tpu.memory_space<vmem>>, vector<1x192x384xf32>
    %get3A_31 = vector.shape_cast %get3A_30 : vector<1x192x384xf32> to vector<192x384xf32>
    %convert_element_type3A_32 = arith.truncf %get3A_31 : vector<192x384xf32> to vector<192x384xbf16>
    %dot_general3A_33 = arith.constant dense<0.000000e+00> : vector<1024x192xf32>
    %dot_general3A_34 = tpu.matmul %convert_element_type3A_26, %convert_element_type3A_32, %dot_general3A_33 {dimension_numbers = #tpu.dot_dimension_numbers<[1], [1], [0], [0], [0, 0, 1, 0], [], []>, transpose_lhs_hint = false} : vector<1024x384xbf16>, vector<192x384xbf16>, vector<1024x192xf32> -> vector<1024x192xf32>
    %get3A_35 = arith.constant 0 : index
    %get3A_36 = arith.constant 0 : index
    %get3A_37 = arith.constant 0 : index
    %get3A_38 = vector.load %arg6[%get3A_35, %get3A_36, %get3A_37] : memref<1x1x192xf32, #tpu.memory_space<vmem>>, vector<1x1x192xf32>
    %get3A_39 = vector.shape_cast %get3A_38 : vector<1x1x192xf32> to vector<192xf32>
    %broadcast_in_dim3A_40 = vector.shape_cast %get3A_39 : vector<192xf32> to vector<1x192xf32>
    %add3A_41 = vector.broadcast %broadcast_in_dim3A_40 : vector<1x192xf32> to vector<1024x192xf32>
    %add3A_42 = arith.addf %dot_general3A_34, %add3A_41 : vector<1024x192xf32>
    %broadcast_in_dim3A_43 = arith.constant 0.000000e+00 : f32
    %broadcast_in_dim3A_44 = vector.broadcast %broadcast_in_dim3A_43 : f32 to vector<1024x64xf32>
    %concatenate3A_45 = tpu.concatenate %add3A_42, %broadcast_in_dim3A_44 in 1 : vector<1024x192xf32>, vector<1024x64xf32> -> vector<1024x256xf32>
    %swap3A = arith.constant 0 : index
    %swap3A_46 = arith.constant 0 : index
    %swap3A_47 = vector.load %arg7[%swap3A, %swap3A_46] : memref<1024x256xf32, #tpu.memory_space<vmem>>, vector<1024x256xf32>
    tpu.vector_store %arg7[%swap3A, %swap3A_46], %concatenate3A_45 {strides = array<i32>} : memref<1024x256xf32, #tpu.memory_space<vmem>>, vector<1024x256xf32>,
    return
  }
  func.func @transform_0(%arg0: i32, %arg1: memref<35xi32, #tpu.memory_space<smem>>) -> (i32, i32) {
    %c0_i32 = arith.constant 0 : i32
    %c0_i32_0 = arith.constant 0 : i32
    return %arg0, %c0_i32 : i32, i32
  }
  func.func @transform_1(%arg0: i32, %arg1: memref<35xi32, #tpu.memory_space<smem>>) -> (i32, i32, i32) {
    %get3A = arith.index_cast %arg0 : i32 to index
    %get3A_0 = memref.load %arg1[%get3A] : memref<35xi32, #tpu.memory_space<smem>>
    %c0_i32 = arith.constant 0 : i32
    %c0_i32_1 = arith.constant 0 : i32
    %c0_i32_2 = arith.constant 0 : i32
    return %get3A_0, %c0_i32, %c0_i32_1 : i32, i32, i32
  }
  func.func @transform_2(%arg0: i32, %arg1: memref<35xi32, #tpu.memory_space<smem>>) -> (i32, i32, i32) {
    %get3A = arith.index_cast %arg0 : i32 to index
    %get3A_0 = memref.load %arg1[%get3A] : memref<35xi32, #tpu.memory_space<smem>>
    %c0_i32 = arith.constant 0 : i32
    %c0_i32_1 = arith.constant 0 : i32
    %c0_i32_2 = arith.constant 0 : i32
    return %get3A_0, %c0_i32, %c0_i32_1 : i32, i32, i32
  }
  func.func @transform_3(%arg0: i32, %arg1: memref<35xi32, #tpu.memory_space<smem>>) -> (i32, i32, i32) {
    %get3A = arith.index_cast %arg0 : i32 to index
    %get3A_0 = memref.load %arg1[%get3A] : memref<35xi32, #tpu.memory_space<smem>>
    %c0_i32 = arith.constant 0 : i32
    %c0_i32_1 = arith.constant 0 : i32
    %c0_i32_2 = arith.constant 0 : i32
    return %get3A_0, %c0_i32, %c0_i32_1 : i32, i32, i32
  }
  func.func @transform_4(%arg0: i32, %arg1: memref<35xi32, #tpu.memory_space<smem>>) -> (i32, i32, i32) {
    %get3A = arith.index_cast %arg0 : i32 to index
    %get3A_0 = memref.load %arg1[%get3A] : memref<35xi32, #tpu.memory_space<smem>>
    %c0_i32 = arith.constant 0 : i32
    %c0_i32_1 = arith.constant 0 : i32
    %c0_i32_2 = arith.constant 0 : i32
    return %get3A_0, %c0_i32, %c0_i32_1 : i32, i32, i32
  }
  func.func @transform_5(%arg0: i32, %arg1: memref<35xi32, #tpu.memory_space<smem>>) -> (i32, i32) {
    %c0_i32 = arith.constant 0 : i32
    %c0_i32_0 = arith.constant 0 : i32
    return %arg0, %c0_i32 : i32, i32
  }
}

</mosaic_0001>

<sc_bundles>
// kernel: kernel.11.cloned.1.call-start
scs
__scs_entry_jumppad:
0x0: {  	(pc) =	sbr.rel $0x88, $3  }
0x1: {  	(tag) =	ssettag $0x0;
	lr =	simm.s32 $0x1  }
0x2: {  	[smem:$0x3F92] =	sst lr;
	_ =	strace $0xD0000000  }
0x3: {  	_ = 	snop  }
0x4: {  	_ = 	snop  }
0x5: {  	_ = 	snop  }
0x6: {  	_ = 	snop  }
0x7: {  	_ = 	snop  }
__scs_overlays_trampoline_lowered:
0x8: {  	[smem:$0x3FA1] =	sst s0  }
0x9: {  	[smem:$0x3FA2] =	sst s1  }
0xa: {  	[smem:$0x3FA3] =	sst s2  }
0xb: {  	[smem:$0x3FA4] =	sst s3  }
0xc: {  	[smem:$0x3FA5] =	sst s4  }
0xd: {  	[smem:$0x3FA6] =	sst s5  }
0xe: {  	[smem:$0x3FA7] =	sst s6  }
0xf: {  	[smem:$0x3FA8] =	sst s7  }
0x10: {  	[smem:$0x3FA9] =	sst s8  }
0x11: {  	[smem:$0x3FAA] =	sst s9;
	s0 =	simm.s32 @!p0 $0x0  }
0x12: {  	s1 =	sld [smem:$0x3F90];
	s0 =	simm.s32 @p0 $0x1  }
0x13: {  	[smem:$0x3FAB] =	sst s0;
	s0 =	simm.s32 @!p1 $0x0  }
0x14: {  	s2 =	sld [smem:$0x3F8F];
	s0 =	simm.s32 @p1 $0x1  }
0x15: {  	[smem:$0x3FAC] =	sst s0;
	s0 =	simm.s32 @!p2 $0x0  }
0x16: {  	s3 =	sld [smem:$0x3FDB];
	s0 =	simm.s32 @p2 $0x1  }
0x17: {  	s4 =	simm.s32 $0x1BF5;
	[smem:$0x3FAE] =	sst s0  }
0x18: {  	s0 =	sld [smem:$0x3F91];
	_ =	swait.ge [sflag:s4], $0x0  }
0x19: {  	s7 =	sld [smem:$0x3F92]  }
0x1a: {  	s8 =	sadd.s32 $0xFFFFE003, lr  }
0x1b: {  	s9 =	sadd.s32 $0xFFFFFEF7, lr;
	s5 =	simm.s32 $0xFFFFFFFF;
	p2 =	slt.u32 s8, $0xFFFFF086  }
0x1c: {  	p1 =	slt.u32 s9, $0xF7A;
	s5 =	simm.s32 @!p2 $0x0  }
0x1d: {  	s5 =	simm.s32 @p1 $0x1;
	p0 =	seq.s32 s7, s2  }
0x1e: {  	s7 =	smul.u32 @!p0 $0xF7A, s2;
	p2 =	seq.s32 @!p0 s5, $0x0  }
0x1f: {  	s9 =	smul.u32 $0xF7A, s1;
	s8 =	simm.s32 @!p0 $0x1BF5;
	p2 =	por !p2, p0  }
0x20: {  	[sflag:s8] =	ssyncset.s32 @!p0 $0xFFFFF086;
	s6 =	sadd.s32 @!p0 s3, s7;
	s7 =	simm.s32 @!p0 $0x108  }
0x21: {  	s3 =	sadd.s32 s3, s9;
	s6 =	sadd.s32 @!p0 $0x88, s6;
	s7 =	simm.s32 @p2 $0x1082  }
0x22: {  	[simem:s7], [sflag:s8] =	dma.local @!p0 [hbm:s6], $0xF7A  }
0x23: {  	s9 =	sor.u32 $0xD0000000, s2;
	s6 =	simm.s32 $0x108;
	_ =	swait.ge @!p0 [sflag:s8], $0x0  }
0x24: {  	s3 =	sadd.s32 $0x88, s3;
	s6 =	simm.s32 @!p1 $0x1082;
	[sflag:s4] =	ssyncset.s32 $0xFFFFF086  }
0x25: {  	[simem:s6], [sflag:s4] =	dma.local [hbm:s3], $0xF7A  }
0x26: {  	[smem:$0x3F92] =	sst s1;
	(tag) =	ssettag s2;
	_ =	strace s9  }
0x27: {  	s1 =	sld [smem:$0x3FA2]  }
0x28: {  	s2 =	sld [smem:$0x3FA3]  }
0x29: {  	s4 =	sld [smem:$0x3FA5]  }
0x2a: {  	p0 =	seq.s32 s5, $0x0;
	s5 =	sld [smem:$0x3FA6]  }
0x2b: {  	s6 =	sld [smem:$0x3FA7]  }
0x2c: {  	s7 =	sld [smem:$0x3FA8]  }
0x2d: {  	s3 =	simm.s32 $0x108;
	s8 =	sld [smem:$0x3FA9]  }
0x2e: {  	s3 =	simm.s32 @!p0 $0x1082;
	s9 =	sld [smem:$0x3FAA]  }
0x2f: {  	lr =	sadd.s32 s0, s3;
	s0 =	sld [smem:$0x3FA1]  }
0x30: {  	s3 =	sld [smem:$0x3FA4]  }
0x31: {  	[smem:$0x3FAD] =	sst s10  }
0x32: {  	s10 =	sld [smem:$0x3FAB];
	_ =	sdelay $0x3  }
0x33: {  	p0 =	seq.s32 s10, $0x1;
	s10 =	sld [smem:$0x3FAD];
	_ =	sdelay $0x3  }
0x34: {  	[smem:$0x3FAD] =	sst s10  }
0x35: {  	s10 =	sld [smem:$0x3FAC];
	_ =	sdelay $0x3  }
0x36: {  	p1 =	seq.s32 s10, $0x1;
	s10 =	sld [smem:$0x3FAD];
	_ =	sdelay $0x3  }
0x37: {  	[smem:$0x3FAD] =	sst s10  }
0x38: {  	s10 =	sld [smem:$0x3FAE]  }
0x39: {  	_ = 	snop;
	(pc) =	sbr.ind lr, $3  }
0x3a: {  	_ = 	snop  }
0x3b: {  	_ = 	snop  }
0x3c: {  	p2 =	seq.s32 s10, $0x1;
	s10 =	sld [smem:$0x3FAD]  }
0x3d: {  	_ =	shalt  }
0x3e: {  	_ =	shalt  }
0x3f: {  	_ =	shalt  }
0x40: {  	_ =	shalt  }
0x41: {  	_ =	shalt  }
0x42: {  	_ =	shalt  }
0x43: {  	_ =	shalt  }
0x44: {  	_ =	shalt  }
0x45: {  	_ =	shalt  }
0x46: {  	_ =	shalt  }
0x47: {  	_ =	shalt  }
0x48: {  	_ =	shalt  }
0x49: {  	_ =	shalt  }
0x4a: {  	_ =	shalt  }
0x4b: {  	_ =	shalt  }
0x4c: {  	_ =	shalt  }
0x4d: {  	_ =	shalt  }
0x4e: {  	_ =	shalt  }
0x4f: {  	_ =	shalt  }
0x50: {  	_ =	shalt  }
0x51: {  	_ =	shalt  }
0x52: {  	_ =	shalt  }
0x53: {  	_ =	shalt  }
0x54: {  	_ =	shalt  }
0x55: {  	_ =	shalt  }
0x56: {  	_ =	shalt  }
0x57: {  	_ =	shalt  }
0x58: {  	_ =	shalt  }
0x59: {  	_ =	shalt  }
0x5a: {  	_ =	shalt  }
0x5b: {  	_ =	shalt  }
0x5c: {  	_ =	shalt  }
0x5d: {  	_ =	shalt  }
0x5e: {  	_ =	shalt  }
0x5f: {  	_ =	shalt  }
0x60: {  	_ =	shalt  }
0x61: {  	_ =	shalt  }
0x62: {  	_ =	shalt  }
0x63: {  	_ =	shalt  }
0x64: {  	_ =	shalt  }
0x65: {  	_ =	shalt  }
0x66: {  	_ =	shalt  }
0x67: {  	_ =	shalt  }
0x68: {  	_ =	shalt  }
0x69: {  	_ =	shalt  }
0x6a: {  	_ =	shalt  }
0x6b: {  	_ =	shalt  }
0x6c: {  	_ =	shalt  }
0x6d: {  	_ =	shalt  }
0x6e: {  	_ =	shalt  }
0x6f: {  	_ =	shalt  }
0x70: {  	_ =	shalt  }
0x71: {  	_ =	shalt  }
0x72: {  	_ =	shalt  }
0x73: {  	_ =	shalt  }
0x74: {  	_ =	shalt  }
0x75: {  	_ =	shalt  }
0x76: {  	_ =	shalt  }
0x77: {  	_ =	shalt  }
0x78: {  	_ =	shalt  }
0x79: {  	_ =	shalt  }
0x7a: {  	_ =	shalt  }
0x7b: {  	_ =	shalt  }
0x7c: {  	_ =	shalt  }
0x7d: {  	_ =	shalt  }
0x7e: {  	_ =	shalt  }
0x7f: {  	_ =	shalt  }
0x80: {  	_ =	shalt  }
0x81: {  	_ =	shalt  }
0x82: {  	_ =	shalt  }
0x83: {  	_ =	shalt  }
0x84: {  	_ =	shalt  }
0x85: {  	_ =	shalt  }
0x86: {  	_ =	shalt  }
0x87: {  	_ =	shalt  }
.Lfunc_end0:
.L_simem_size_0:
called_computation.1_lowered:
.L_overlay_start_0:
0x88: {  	s2 =	sld [smem:$0x3FD9]  }
0x89: {  	s3 =	sld [smem:$0x3FFE];
	_ =	sdelay $0x1  }
0x8a: {  	s1 =	srdreg.scid  }
0x8b: {  	s0 =	sand.u32 $0x1, s1  }
0x8c: {  	s16 =	sshll.u32 s0, $0xA;
	s2 =	sadd.s32 s3, s2  }
0x8d: {  	s2 =	sadd.s32 s2, s16  }
0x8e: {  	[smem:$0x3FB9] =	sst s2  }
0x8f: {  	_ = 	snop  }
0x90: {  	(tm) =	ssettm $0x1  }
0x91: {  	s17 =	sld [smem:$0x3FFB];
	_ =	sdelay $0x3  }
0x92: {  	_ =	strace s17  }
0x93: {  	s2 =	sld [smem:$0x3FFC];
	_ =	sdelay $0x3  }
0x94: {  	_ =	strace s2  }
0x95: {  	s2 =	sld [smem:$0x3FFD];
	_ =	sdelay $0x3  }
0x96: {  	_ =	strace s2  }
0x97: {  	_ =	strace $0x8FFFFFFF  }
0x98: {  	s18 =	sld [smem:$0x3FDB];
	_ =	sdelay $0x1  }
0x99: {  	s19 =	simm.s32 $_scs_section_size  }
0x9a: {  	s4 =	simm.s32 $_size__tile_overlayer_lowered;
	s5 =	simm.s32 $_tile_overlayer_lowered  }
0x9b: {  	s22 =	simm.s32 $0x1BFF;
	s21 =	sshll.u32 s5, $0x1;
	s2 =	sadd.s32 s19, s18  }
0x9c: {  	s6 =	simm.s32 $0x0;
	s20 =	sshll.u32 s4, $0x1;
	s4 =	sadd.s32 s21, s2  }
0x9d: {  	[timem:s6], [sflag:s22] =	dma.local [hbm:s4], s20  }
0x9e: {  	_ =	swait.ge [sflag:s22], s20  }
0x9f: {  	s3 =	ssub.s32 $0x0, s20;
	[sflag:s22] =	ssyncset.done $0x0  }
0xa0: {  	[sflag:s22] =	ssyncadd.s32 s3;
	_ =	sdelay $0x1  }
0xa1: {  	s23 =	simm.s32 $0x1B8B  }
0xa2: {  	_ =	swait.ge [sflag:s23], $0x1  }
0xa3: {  	[sflag:s23] =	ssyncset.done $0x0  }
0xa4: {  	s25 =	simm.s32 $0x1B8E;
	s24 =	sld [smem:$0x3FFE];
	[sflag:s23] =	ssyncadd.s32 $0xFFFFFFFF  }
0xa5: {  	s26 =	simm.s32 $execute0_lowered;
	[smem:$0x3FD2] =	sst s25  }
0xa6: {  	s4 =	sshll.u32 s26, $0x1;
	_ =	strace $0x8000004F;
	[dreg:$0x1] =	wrdreg $0xFFFFFFFF  }
0xa7: {  	s28 =	simm.s32 $_size_execute0_lowered;
	s2 =	sadd.s32 s2, s4;
	[dreg:$0x0] =	wrdreg $0x0  }
0xa8: {  	s4 =	sshll.u32 s28, $0x1;
	[dreg:$0x2] =	wrdreg s2  }
0xa9: {  	[dreg:$0x3] =	wrdreg s4  }
0xaa: {  	[dreg:$0x4] =	wrdreg $0xC0  }
0xab: {  	_ =	task [dreg:s6], $0x5FFFF  }
0xac: {  	[dreg:$0x1] =	wrdreg $0xFFFFFFFF  }
0xad: {  	[dreg:$0x0] =	wrdreg $0x60  }
0xae: {  	[dreg:$0x2] =	wrdreg s24  }
0xaf: {  	[dreg:$0x3] =	wrdreg $0x9  }
0xb0: {  	_ =	task.clear_ibuf [dreg:s6], $0x4FFFF;
	_ =	strace $0x9000004F  }
0xb1: {  	s29 =	simm.s32 $0x9;
	_ =	strace $0x80000058  }
0xb2: {  	_ =	swait.ge [sflag:s29], $0x1  }
0xb3: {  	[sflag:s29] =	ssyncadd.s32 $0xFFFFFFFF  }
0xb4: {  	_ =	strace $0x90000058  }
0xb5: {  	_ =	sfence  }
0xb6: {  	s30 =	sld [smem:$0x0];
	_ =	sdelay $0x2  }
0xb7: {  	s31 =	sshll.u32 s1, $0xD;
	s1 =	sshrl.u32 s1, $0x2  }
0xb8: {  	s3 =	sand.u32 $0x4000, s31;
	s1 =	sadd.s32 s1, s30  }
0xb9: {  	s0 =	sor.u32 s3, s0;
	s1 =	sshll.u32 s1, $0x11  }
0xba: {  	s0 =	sor.u32 s1, s0  }
0xbb: {  	s0 =	sadd.s32 $0x8F2B, s0  }
0xbc: {  	[sflag:s0] =	ssyncadd.remote.s32 $0x1  }
0xbd: {  	_ =	sfence.sel $0xFFFF  }
0xbe: {  	[dreg:$0x0] =	wrdreg $0xFFFFFFFF;
	(pc) =	sbr.abs _section_cstart, $3  }
0xbf: {  	[dreg:$0x1] =	wrdreg $0xFFFFFFFF  }
0xc0: {  	_ =	task.clear_ibuf [dreg:s6], $0x2FFFF;
	_ =	strace $0x9FFFFFFF  }
0xc1: {  	(tm) =	ssettm $0x7FFFFFFF  }
tec
execute0_lowered:
.L_overlay_start_1:
0x0: {  	(tag) =	ssettag $0x1  }
0x1: {  	s0 =	srdreg.scid  }
0x2: {  	s5 =	rddreg [dreg:$0x0];
	s1 =	stileid.u32;
	s6 =	sand.u32 $0x1, s0  }
0x3: {  	s2 =	simm.s32 $0x0;
	s10 =	simm.s32 $0x5;
	s3 =	sshll.u32 s6, $0x4  }
0x4: {  	s11 =	simm.s32 $0x0;
	s0 =	rddreg [dreg:$0x1];
	s4 =	sor.u32 s1, s3  }
0x5: {  	[smem:$0x7FF] =	sst s2;
	s9 =	sadd.s32 $0x3600, s5;
	s7 =	smul.u32 $0x6, s4  }
0x6: {  	_ =	strace $0x80000050;
	[dreg:$0x2] =	wrdreg s9;
	s8 =	smul.u32 $0x7, s4  }
0x7: {  	s30 =	ssub.s32 $0x2, s6;
	p0 =	slt.u32 s4, $0x18;
	s4 =	sadd.s32 $0x18, s7  }
0x8: {  	s6 =	simm.s32 $0x7;
	s3 =	sadd.s32 $0x189200, s5;
	s4 =	smov.u32 @p0 s8  }
0x9: {  	v2 =	vlaneseq.u32;
	s5 =	sadd.s32 $0x188400, s5;
	s31 =	sshrl.u32 s30, $0x1;
	s8 =	sshll.u32 s4, $0x4  }
0xa: {  	vm0 =	vmmov $0xffff;
	v1 =	vshrl.u32 v2, $0x3;
	s9 =	ssub.s32 s30, s31;
	s6 =	simm.s32 @!p0 $0x6;
	s8 =	sand.u32 $0x1FFFFFF0, s8  }
0xb: {  	v0 =	vand.u32 $0x7, v2;
	v2 =	vor.u32 $0x8, v2;
	v1 =	vmul.u32 $0x8, v1;
	s9 =	smax.u32 s9, $0x1;
	s7 =	sadd.s32 s5, s8;
	s8 =	sadd.s32 $0xFFFFFFFF, s6  }
.LBB2_1:
0xc: {  	_ =	strace $0x80000051;
	s13 =	simm.s32 $0x0  }
0xd: {  	s12 =	simm.s32 $0x0;
	s14 =	simm.s32 $0x0;
	s15 =	simm.s32 $0x0  }
0xe: {  	[tilespmem:s2], [sflag:$0x1] =	stream.linear.gather [hbm4b:s7+s2], $0x80, $0x200038;
	[tilespmem:$0x10100] =	vst v63  }
0xf: {  	s16 =	simm.s32 $0x1;
	s17 =	simm.s32 $0x0;
	_ =	strace $0x90000051  }
.LBB2_2:
0x10: {  	s18 =	smov.u32 s13;
	s13 =	sadd.s32 $0x1, s13  }
0x11: {  	p0 =	seq.s32 s13, s6  }
0x12: {  	s13 =	simm.s32 @p0 $0x0  }
0x13: {  	p6 =	slt.u32 s17, s8;
	p1 =	sne.s32 s18, s13  }
0x14: {  	p0 =	por !p6, !p1  }
0x15: {  	p0 =	por !p0, !p0  }
0x16: {  	s19 =	sadd.s32 @p0 s4, s13  }
0x17: {  	s20 =	sand.u32 @p0 $0x1, s16;
	s19 =	sshll.u32 @p0 s19, $0x4  }
0x18: {  	_ =	strace @p0 $0x80000052;
	s22 =	simm.s32 @p0 $0x0;
	s19 =	sand.u32 @p0 $0x1FFFFFF0, s19  }
0x19: {  	s21 =	sshll.u32 @p0 s20, $0x7;
	s20 =	sadd.s32 @p0 $0x1, s20;
	s19 =	sadd.s32 @p0 s5, s19  }
0x1a: {  	[tilespmem:s21], [sflag:s20] =	stream.linear.gather @p0 [hbm4b:s19+s22], $0x80, $0x200038;
	[tilespmem:$0x10100] =	vst v63  }
0x1b: {  	s23 =	sand.u32 $0x1, s15;
	_ =	strace @p0 $0x90000052  }
0x1c: {  	s19 =	sadd.s32 $0x1, s23;
	_ =	strace $0x80000053  }
0x1d: {  	_ =	swait.ge [sflag:s19], $0x80  }
0x1e: {  	[sflag:s19] =	ssyncset.done $0x0  }
0x1f: {  	[sflag:s19] =	ssyncadd.s32 $0xFFFFFF80  }
0x20: {  	s24 =	sshll.u32 s15, $0x7;
	_ =	strace $0x90000053  }
0x21: {  	s22 =	sand.u32 $0x80, s24;
	_ =	strace $0x80000054  }
0x22: {  	v3 =	vld [tilespmem:s22+$0x0];
	_ =	sdelay $0x4  }
0x23: {  	v4 =	vshll.u32 v3, $0x1  }
0x24: {  	v3 =	vand.u32 $0x7, v3;
	v4 =	vand.u32 $0xFFFFFFF0, v4  }
0x25: {  	v3 =	vor.u32 v3, v4  }
0x26: {  	v4 =	vperm.xlane v3, v0;
	_ =	sdelay $0x1  }
0x27: {  	v3 =	vperm.xlane v3, v2;
	v4 =	vadd.s32 v1, v4;
	_ =	sdelay $0x1  }
0x28: {  	s19 =	sand.u32 $0x1, s14;
	v3 =	vadd.s32 v1, v3  }
0x29: {  	s21 =	sshll.u32 s19, $0xF  }
0x2a: {  	s20 =	sor.u32 $0x100, s21  }
0x2b: {  	[tilespmem:s20], [sflag:$0x5] =	stream.indirect_vreg.gather [hbm4b:s3+s2], $0x80, v4, vm0, $0x2000b8;
	[tilespmem:$0x10100] =	vst v63  }
0x2c: {  	s23 =	sor.u32 $0x900, s21  }
0x2d: {  	[tilespmem:s23], [sflag:$0x5] =	stream.indirect_vreg.gather [hbm4b:s3+s2], $0x80, v3, vm0, $0x2000b8;
	[tilespmem:$0x10100] =	vst v63  }
0x2e: {  	v3 =	vld [tilespmem:s22+$0x10];
	_ =	sdelay $0x4  }
0x2f: {  	v57 =	vshll.u32 v3, $0x1  }
0x30: {  	v3 =	vand.u32 $0x7, v3;
	v4 =	vand.u32 $0xFFFFFFF0, v57  }
0x31: {  	v3 =	vor.u32 v3, v4  }
0x32: {  	v4 =	vperm.xlane v3, v0;
	_ =	sdelay $0x1  }
0x33: {  	v3 =	vperm.xlane v3, v2;
	v4 =	vadd.s32 v1, v4;
	_ =	sdelay $0x1  }
0x34: {  	v3 =	vadd.s32 v1, v3;
	_ =	sdelay $0x1  }
0x35: {  	s25 =	sor.u32 $0x1100, s21  }
0x36: {  	[tilespmem:s25], [sflag:$0x5] =	stream.indirect_vreg.gather [hbm4b:s3+s2], $0x80, v4, vm0, $0x2000b8;
	[tilespmem:$0x10100] =	vst v63  }
0x37: {  	s26 =	sor.u32 $0x1900, s21  }
0x38: {  	[tilespmem:s26], [sflag:$0x5] =	stream.indirect_vreg.gather [hbm4b:s3+s2], $0x80, v3, vm0, $0x2000b8;
	[tilespmem:$0x10100] =	vst v63  }
0x39: {  	v3 =	vld [tilespmem:s22+$0x20];
	_ =	sdelay $0x4  }
0x3a: {  	v58 =	vshll.u32 v3, $0x1  }
0x3b: {  	v3 =	vand.u32 $0x7, v3;
	v4 =	vand.u32 $0xFFFFFFF0, v58  }
0x3c: {  	v3 =	vor.u32 v3, v4  }
0x3d: {  	v4 =	vperm.xlane v3, v0;
	_ =	sdelay $0x1  }
0x3e: {  	v3 =	vperm.xlane v3, v2;
	v4 =	vadd.s32 v1, v4;
	_ =	sdelay $0x1  }
0x3f: {  	v3 =	vadd.s32 v1, v3;
	_ =	sdelay $0x1  }
0x40: {  	s28 =	sor.u32 $0x2100, s21  }
0x41: {  	[tilespmem:s28], [sflag:$0x5] =	stream.indirect_vreg.gather [hbm4b:s3+s2], $0x80, v4, vm0, $0x2000b8;
	[tilespmem:$0x10100] =	vst v63  }
0x42: {  	s29 =	sor.u32 $0x2900, s21  }
0x43: {  	[tilespmem:s29], [sflag:$0x5] =	stream.indirect_vreg.gather [hbm4b:s3+s2], $0x80, v3, vm0, $0x2000b8;
	[tilespmem:$0x10100] =	vst v63  }
0x44: {  	v3 =	vld [tilespmem:s22+$0x30];
	_ =	sdelay $0x4  }
0x45: {  	v59 =	vshll.u32 v3, $0x1  }
0x46: {  	v3 =	vand.u32 $0x7, v3;
	v4 =	vand.u32 $0xFFFFFFF0, v59  }
0x47: {  	v3 =	vor.u32 v3, v4  }
0x48: {  	v4 =	vperm.xlane v3, v0;
	_ =	sdelay $0x1  }
0x49: {  	v3 =	vperm.xlane v3, v2;
	v4 =	vadd.s32 v1, v4;
	_ =	sdelay $0x1  }
0x4a: {  	v3 =	vadd.s32 v1, v3;
	_ =	sdelay $0x1  }
0x4b: {  	s30 =	sor.u32 $0x3100, s21  }
0x4c: {  	[tilespmem:s30], [sflag:$0x5] =	stream.indirect_vreg.gather [hbm4b:s3+s2], $0x80, v4, vm0, $0x2000b8;
	[tilespmem:$0x10100] =	vst v63  }
0x4d: {  	s31 =	sor.u32 $0x3900, s21  }
0x4e: {  	[tilespmem:s31], [sflag:$0x5] =	stream.indirect_vreg.gather [hbm4b:s3+s2], $0x80, v3, vm0, $0x2000b8;
	[tilespmem:$0x10100] =	vst v63  }
0x4f: {  	v3 =	vld [tilespmem:s22+$0x40];
	_ =	sdelay $0x4  }
0x50: {  	v60 =	vshll.u32 v3, $0x1  }
0x51: {  	v3 =	vand.u32 $0x7, v3;
	v4 =	vand.u32 $0xFFFFFFF0, v60  }
0x52: {  	v3 =	vor.u32 v3, v4  }
0x53: {  	v4 =	vperm.xlane v3, v0;
	_ =	sdelay $0x1  }
0x54: {  	v3 =	vperm.xlane v3, v2;
	v4 =	vadd.s32 v1, v4;
	_ =	sdelay $0x1  }
0x55: {  	v3 =	vadd.s32 v1, v3;
	_ =	sdelay $0x1  }
0x56: {  	s24 =	sor.u32 $0x4100, s21  }
0x57: {  	[tilespmem:s24], [sflag:$0x5] =	stream.indirect_vreg.gather [hbm4b:s3+s2], $0x80, v4, vm0, $0x2000b8;
	[tilespmem:$0x10100] =	vst v63  }
0x58: {  	s25 =	sor.u32 $0x4900, s21  }
0x59: {  	[tilespmem:s25], [sflag:$0x5] =	stream.indirect_vreg.gather [hbm4b:s3+s2], $0x80, v3, vm0, $0x2000b8;
	[tilespmem:$0x10100] =	vst v63  }
0x5a: {  	v3 =	vld [tilespmem:s22+$0x50];
	_ =	sdelay $0x4  }
0x5b: {  	v61 =	vshll.u32 v3, $0x1  }
0x5c: {  	v3 =	vand.u32 $0x7, v3;
	v4 =	vand.u32 $0xFFFFFFF0, v61  }
0x5d: {  	v3 =	vor.u32 v3, v4  }
0x5e: {  	v4 =	vperm.xlane v3, v0;
	_ =	sdelay $0x1  }
0x5f: {  	v3 =	vperm.xlane v3, v2;
	v4 =	vadd.s32 v1, v4;
	_ =	sdelay $0x1  }
0x60: {  	v3 =	vadd.s32 v1, v3;
	_ =	sdelay $0x1  }
0x61: {  	s26 =	sor.u32 $0x5100, s21  }
0x62: {  	[tilespmem:s26], [sflag:$0x5] =	stream.indirect_vreg.gather [hbm4b:s3+s2], $0x80, v4, vm0, $0x2000b8;
	[tilespmem:$0x10100] =	vst v63  }
0x63: {  	s28 =	sor.u32 $0x5900, s21  }
0x64: {  	[tilespmem:s28], [sflag:$0x5] =	stream.indirect_vreg.gather [hbm4b:s3+s2], $0x80, v3, vm0, $0x2000b8;
	[tilespmem:$0x10100] =	vst v63  }
0x65: {  	v3 =	vld [tilespmem:s22+$0x60];
	_ =	sdelay $0x4  }
0x66: {  	v62 =	vshll.u32 v3, $0x1  }
0x67: {  	v3 =	vand.u32 $0x7, v3;
	v4 =	vand.u32 $0xFFFFFFF0, v62  }
0x68: {  	v3 =	vor.u32 v3, v4  }
0x69: {  	v4 =	vperm.xlane v3, v0;
	_ =	sdelay $0x1  }
0x6a: {  	v3 =	vperm.xlane v3, v2;
	v4 =	vadd.s32 v1, v4;
	_ =	sdelay $0x1  }
0x6b: {  	v3 =	vadd.s32 v1, v3;
	_ =	sdelay $0x1  }
0x6c: {  	s29 =	sor.u32 $0x6100, s21  }
0x6d: {  	[tilespmem:s29], [sflag:$0x5] =	stream.indirect_vreg.gather [hbm4b:s3+s2], $0x80, v4, vm0, $0x2000b8;
	[tilespmem:$0x10100] =	vst v63  }
0x6e: {  	s30 =	sor.u32 $0x6900, s21  }
0x6f: {  	[tilespmem:s30], [sflag:$0x5] =	stream.indirect_vreg.gather [hbm4b:s3+s2], $0x80, v3, vm0, $0x2000b8;
	[tilespmem:$0x10100] =	vst v63  }
0x70: {  	v3 =	vld [tilespmem:s22+$0x70];
	_ =	sdelay $0x4  }
0x71: {  	v63 =	vshll.u32 v3, $0x1  }
0x72: {  	v3 =	vand.u32 $0x7, v3;
	v4 =	vand.u32 $0xFFFFFFF0, v63  }
0x73: {  	v3 =	vor.u32 v3, v4  }
0x74: {  	v4 =	vperm.xlane v3, v0;
	_ =	sdelay $0x1  }
0x75: {  	v3 =	vperm.xlane v3, v2;
	v4 =	vadd.s32 v1, v4;
	_ =	sdelay $0x1  }
0x76: {  	v3 =	vadd.s32 v1, v3;
	_ =	sdelay $0x1  }
0x77: {  	s31 =	sor.u32 $0x7100, s21  }
0x78: {  	[tilespmem:s31], [sflag:$0x5] =	stream.indirect_vreg.gather [hbm4b:s3+s2], $0x80, v4, vm0, $0x2000b8;
	[tilespmem:$0x10100] =	vst v63  }
0x79: {  	s21 =	sor.u32 $0x7900, s21  }
0x7a: {  	[tilespmem:s21], [sflag:$0x5] =	stream.indirect_vreg.gather [hbm4b:s3+s2], $0x80, v3, vm0, $0x2000b8;
	[tilespmem:$0x10100] =	vst v63  }
0x7b: {  	_ =	swait.ge [sflag:s10], $0x8000  }
0x7c: {  	p2 =	seq.s32 s8, s17;
	[sflag:s10] =	ssyncset.done $0x0  }
0x7d: {  	s18 =	sadd.s32 s4, s18;
	p1 =	por p2, p1;
	[sflag:s10] =	ssyncadd.s32 $0xFFFF8000  }
0x7e: {  	s18 =	sshll.u32 @p1 s18, $0xC;
	_ =	strace $0x90000054  }
0x7f: {  	s18 =	sand.u32 @p1 $0x1FFFF000, s18;
	s22 =	simm.s32 $0x1;
	_ =	strace @p1 $0x80000055  }
0x80: {  	s19 =	sadd.s32 @p1 $0x3, s19;
	s22 =	simm.s32 @!p0 $0x0;
	s21 =	rddreg [dreg:$0x2]  }
0x81: {  	p0 =	seq.s32 s17, $0x0;
	s18 =	sadd.s32 @p1 s21, s18;
	s21 =	simm.s32 @p1 $0x0  }
0x82: {  	[hbm4b:s18+s21] =	stream.linear.scatter @p1 [tilespmem:s20], [sflag:s19], $0x8000, $0x200038;
	[tilespmem:$0x10100] =	vst v63  }
0x83: {  	s18 =	simm.s32 $0x1;
	s20 =	simm.s32 $0x1;
	_ =	strace @p1 $0x90000055  }
0x84: {  	s18 =	simm.s32 @!p1 $0x0;
	p1 =	sne.s32 s17, $0x0;
	s17 =	sadd.s32 $0x1, s17  }
0x85: {  	s19 =	sand.u32 @!p0 $0x1, s12;
	s20 =	simm.s32 @!p1 $0x0;
	p1 =	sne.s32 s6, s17  }
.Ltmp0:
0x86: {  	s19 =	sadd.s32 @!p0 $0x3, s19;
	_ =	strace @!p0 $0x80000056;
	(pc) =	sbr.rel @p1 .LBB2_2-.Ltmp0, $4  }
0x87: {  	_ =	swait.ge @!p0 [sflag:s19], $0x8000  }
0x88: {  	[sflag:s19] =	ssyncset.done @!p0 $0x0  }
0x89: {  	s16 =	sadd.s32 s22, s16;
	s14 =	sadd.s32 s18, s14;
	[sflag:s19] =	ssyncadd.s32 @!p0 $0xFFFF8000  }
0x8a: {  	s15 =	sadd.s32 s18, s15;
	s12 =	sadd.s32 s20, s12;
	_ =	strace @!p0 $0x90000056  }
0x8b: {  	s11 =	sadd.s32 $0x1, s11  }
0x8c: {  	s12 =	sand.u32 $0x1, s12;
	p0 =	sne.s32 s11, s9  }
.Ltmp1:
0x8d: {  	_ =	strace $0x80000057;
	s12 =	sadd.s32 $0x3, s12;
	(pc) =	sbr.rel @p0 .LBB2_1-.Ltmp1, $4  }
0x8e: {  	_ =	swait.ge [sflag:s12], $0x8000  }
0x8f: {  	[sflag:s12] =	ssyncset.done $0x0  }
0x90: {  	[sflag:s12] =	ssyncadd.s32 $0xFFFF8000  }
0x91: {  	_ =	strace $0x90000057  }
0x92: {  	_ =	sfence.sel $0x180000  }
0x93: {  	[bflag:$0x0] =	sbarrier.arrive $0xFFFF  }
0x94: {  	p0 =	sne.s32 s1, $0x0;
	_ =	strace $0x90000050  }
0x95: {  	s0 =	sadd.s32 @!p0 $0x100000, s0;
	[bflag:$0x2] =	sbarrier.arrive $0xFFFF  }
0x96: {  	[sflag:s0] =	ssyncadd.tile.s32 @!p0 $0x1;
	_ =	shalt  }
.Lfunc_end2:
_tile_overlayer_lowered:
.L_overlay_start_2:
0x97: {  	(tag) =	ssettag $0x2  }
0x98: {  	s0 =	rddreg [dreg:$0x0];
	s2 =	stileid.u32  }
0x99: {  	s1 =	rddreg [dreg:$0x1];
	p0 =	sne.s32 s2, $0x0  }
0x9a: {  	s3 =	rddreg [dreg:$0x2];
	[bflag:$0x3] =	sbarrier.arrive $0xFFFF;
	s2 =	simm.s32 @!p0 $0x1C01  }
0x9b: {  	[timem:s3], [sflag:s2] =	dma.local @!p0 [hbm:s0], s1  }
0x9c: {  	s0 =	simm.s32 @!p0 $0x1  }
0x9d: {  	_ =	swait.ge @!p0 [sflag:s0], s1  }
0x9e: {  	s1 =	ssub.s32 @!p0 $0x0, s1;
	[sflag:s0] =	ssyncset.done @!p0 $0x0  }
0x9f: {  	[sflag:s0] =	ssyncadd.s32 @!p0 s1  }
0xa0: {  	[bflag:$0x3] =	sbarrier.arrive $0xFFFF  }
0xa1: {  	_ =	shalt  }

// kernel: kernel.8.cloned.1.call-start
scs
__scs_entry_jumppad:
0x0: {  	(pc) =	sbr.rel $0x88, $3  }
0x1: {  	(tag) =	ssettag $0x0;
	lr =	simm.s32 $0x1  }
0x2: {  	[smem:$0x3F92] =	sst lr;
	_ =	strace $0xD0000000  }
0x3: {  	_ = 	snop  }
0x4: {  	_ = 	snop  }
0x5: {  	_ = 	snop  }
0x6: {  	_ = 	snop  }
0x7: {  	_ = 	snop  }
__scs_overlays_trampoline_lowered:
0x8: {  	[smem:$0x3FA1] =	sst s0  }
0x9: {  	[smem:$0x3FA2] =	sst s1  }
0xa: {  	[smem:$0x3FA3] =	sst s2  }
0xb: {  	[smem:$0x3FA4] =	sst s3  }
0xc: {  	[smem:$0x3FA5] =	sst s4  }
0xd: {  	[smem:$0x3FA6] =	sst s5  }
0xe: {  	[smem:$0x3FA7] =	sst s6  }
0xf: {  	[smem:$0x3FA8] =	sst s7  }
0x10: {  	[smem:$0x3FA9] =	sst s8  }
0x11: {  	[smem:$0x3FAA] =	sst s9;
	s0 =	simm.s32 @!p0 $0x0  }
0x12: {  	s1 =	sld [smem:$0x3F90];
	s0 =	simm.s32 @p0 $0x1  }
0x13: {  	[smem:$0x3FAB] =	sst s0;
	s0 =	simm.s32 @!p1 $0x0  }
0x14: {  	s2 =	sld [smem:$0x3F8F];
	s0 =	simm.s32 @p1 $0x1  }
0x15: {  	[smem:$0x3FAC] =	sst s0;
	s0 =	simm.s32 @!p2 $0x0  }
0x16: {  	s3 =	sld [smem:$0x3FDB];
	s0 =	simm.s32 @p2 $0x1  }
0x17: {  	s4 =	simm.s32 $0x1BF5;
	[smem:$0x3FAE] =	sst s0  }
0x18: {  	s0 =	sld [smem:$0x3F91];
	_ =	swait.ge [sflag:s4], $0x0  }
0x19: {  	s7 =	sld [smem:$0x3F92]  }
0x1a: {  	s8 =	sadd.s32 $0xFFFFE003, lr  }
0x1b: {  	s9 =	sadd.s32 $0xFFFFFEF7, lr;
	s5 =	simm.s32 $0xFFFFFFFF;
	p2 =	slt.u32 s8, $0xFFFFF086  }
0x1c: {  	p1 =	slt.u32 s9, $0xF7A;
	s5 =	simm.s32 @!p2 $0x0  }
0x1d: {  	s5 =	simm.s32 @p1 $0x1;
	p0 =	seq.s32 s7, s2  }
0x1e: {  	s7 =	smul.u32 @!p0 $0xF7A, s2;
	p2 =	seq.s32 @!p0 s5, $0x0  }
0x1f: {  	s9 =	smul.u32 $0xF7A, s1;
	s8 =	simm.s32 @!p0 $0x1BF5;
	p2 =	por !p2, p0  }
0x20: {  	[sflag:s8] =	ssyncset.s32 @!p0 $0xFFFFF086;
	s6 =	sadd.s32 @!p0 s3, s7;
	s7 =	simm.s32 @!p0 $0x108  }
0x21: {  	s3 =	sadd.s32 s3, s9;
	s6 =	sadd.s32 @!p0 $0x88, s6;
	s7 =	simm.s32 @p2 $0x1082  }
0x22: {  	[simem:s7], [sflag:s8] =	dma.local @!p0 [hbm:s6], $0xF7A  }
0x23: {  	s9 =	sor.u32 $0xD0000000, s2;
	s6 =	simm.s32 $0x108;
	_ =	swait.ge @!p0 [sflag:s8], $0x0  }
0x24: {  	s3 =	sadd.s32 $0x88, s3;
	s6 =	simm.s32 @!p1 $0x1082;
	[sflag:s4] =	ssyncset.s32 $0xFFFFF086  }
0x25: {  	[simem:s6], [sflag:s4] =	dma.local [hbm:s3], $0xF7A  }
0x26: {  	[smem:$0x3F92] =	sst s1;
	(tag) =	ssettag s2;
	_ =	strace s9  }
0x27: {  	s1 =	sld [smem:$0x3FA2]  }
0x28: {  	s2 =	sld [smem:$0x3FA3]  }
0x29: {  	s4 =	sld [smem:$0x3FA5]  }
0x2a: {  	p0 =	seq.s32 s5, $0x0;
	s5 =	sld [smem:$0x3FA6]  }
0x2b: {  	s6 =	sld [smem:$0x3FA7]  }
0x2c: {  	s7 =	sld [smem:$0x3FA8]  }
0x2d: {  	s3 =	simm.s32 $0x108;
	s8 =	sld [smem:$0x3FA9]  }
0x2e: {  	s3 =	simm.s32 @!p0 $0x1082;
	s9 =	sld [smem:$0x3FAA]  }
0x2f: {  	lr =	sadd.s32 s0, s3;
	s0 =	sld [smem:$0x3FA1]  }
0x30: {  	s3 =	sld [smem:$0x3FA4]  }
0x31: {  	[smem:$0x3FAD] =	sst s10  }
0x32: {  	s10 =	sld [smem:$0x3FAB];
	_ =	sdelay $0x3  }
0x33: {  	p0 =	seq.s32 s10, $0x1;
	s10 =	sld [smem:$0x3FAD];
	_ =	sdelay $0x3  }
0x34: {  	[smem:$0x3FAD] =	sst s10  }
0x35: {  	s10 =	sld [smem:$0x3FAC];
	_ =	sdelay $0x3  }
0x36: {  	p1 =	seq.s32 s10, $0x1;
	s10 =	sld [smem:$0x3FAD];
	_ =	sdelay $0x3  }
0x37: {  	[smem:$0x3FAD] =	sst s10  }
0x38: {  	s10 =	sld [smem:$0x3FAE]  }
0x39: {  	_ = 	snop;
	(pc) =	sbr.ind lr, $3  }
0x3a: {  	_ = 	snop  }
0x3b: {  	_ = 	snop  }
0x3c: {  	p2 =	seq.s32 s10, $0x1;
	s10 =	sld [smem:$0x3FAD]  }
0x3d: {  	_ =	shalt  }
0x3e: {  	_ =	shalt  }
0x3f: {  	_ =	shalt  }
0x40: {  	_ =	shalt  }
0x41: {  	_ =	shalt  }
0x42: {  	_ =	shalt  }
0x43: {  	_ =	shalt  }
0x44: {  	_ =	shalt  }
0x45: {  	_ =	shalt  }
0x46: {  	_ =	shalt  }
0x47: {  	_ =	shalt  }
0x48: {  	_ =	shalt  }
0x49: {  	_ =	shalt  }
0x4a: {  	_ =	shalt  }
0x4b: {  	_ =	shalt  }
0x4c: {  	_ =	shalt  }
0x4d: {  	_ =	shalt  }
0x4e: {  	_ =	shalt  }
0x4f: {  	_ =	shalt  }
0x50: {  	_ =	shalt  }
0x51: {  	_ =	shalt  }
0x52: {  	_ =	shalt  }
0x53: {  	_ =	shalt  }
0x54: {  	_ =	shalt  }
0x55: {  	_ =	shalt  }
0x56: {  	_ =	shalt  }
0x57: {  	_ =	shalt  }
0x58: {  	_ =	shalt  }
0x59: {  	_ =	shalt  }
0x5a: {  	_ =	shalt  }
0x5b: {  	_ =	shalt  }
0x5c: {  	_ =	shalt  }
0x5d: {  	_ =	shalt  }
0x5e: {  	_ =	shalt  }
0x5f: {  	_ =	shalt  }
0x60: {  	_ =	shalt  }
0x61: {  	_ =	shalt  }
0x62: {  	_ =	shalt  }
0x63: {  	_ =	shalt  }
0x64: {  	_ =	shalt  }
0x65: {  	_ =	shalt  }
0x66: {  	_ =	shalt  }
0x67: {  	_ =	shalt  }
0x68: {  	_ =	shalt  }
0x69: {  	_ =	shalt  }
0x6a: {  	_ =	shalt  }
0x6b: {  	_ =	shalt  }
0x6c: {  	_ =	shalt  }
0x6d: {  	_ =	shalt  }
0x6e: {  	_ =	shalt  }
0x6f: {  	_ =	shalt  }
0x70: {  	_ =	shalt  }
0x71: {  	_ =	shalt  }
0x72: {  	_ =	shalt  }
0x73: {  	_ =	shalt  }
0x74: {  	_ =	shalt  }
0x75: {  	_ =	shalt  }
0x76: {  	_ =	shalt  }
0x77: {  	_ =	shalt  }
0x78: {  	_ =	shalt  }
0x79: {  	_ =	shalt  }
0x7a: {  	_ =	shalt  }
0x7b: {  	_ =	shalt  }
0x7c: {  	_ =	shalt  }
0x7d: {  	_ =	shalt  }
0x7e: {  	_ =	shalt  }
0x7f: {  	_ =	shalt  }
0x80: {  	_ =	shalt  }
0x81: {  	_ =	shalt  }
0x82: {  	_ =	shalt  }
0x83: {  	_ =	shalt  }
0x84: {  	_ =	shalt  }
0x85: {  	_ =	shalt  }
0x86: {  	_ =	shalt  }
0x87: {  	_ =	shalt  }
.Lfunc_end0:
.L_simem_size_0:
called_computation_lowered:
.L_overlay_start_0:
0x88: {  	s2 =	sld [smem:$0x3FD9]  }
0x89: {  	s3 =	sld [smem:$0x3FFE];
	_ =	sdelay $0x1  }
0x8a: {  	s1 =	srdreg.scid  }
0x8b: {  	s0 =	sand.u32 $0x1, s1  }
0x8c: {  	s16 =	sshll.u32 s0, $0xA;
	s2 =	sadd.s32 s3, s2  }
0x8d: {  	s2 =	sadd.s32 s2, s16  }
0x8e: {  	[smem:$0x3FB9] =	sst s2  }
0x8f: {  	_ = 	snop  }
0x90: {  	(tm) =	ssettm $0x1  }
0x91: {  	s17 =	sld [smem:$0x3FFB];
	_ =	sdelay $0x3  }
0x92: {  	_ =	strace s17  }
0x93: {  	s2 =	sld [smem:$0x3FFC];
	_ =	sdelay $0x3  }
0x94: {  	_ =	strace s2  }
0x95: {  	s2 =	sld [smem:$0x3FFD];
	_ =	sdelay $0x3  }
0x96: {  	_ =	strace s2  }
0x97: {  	_ =	strace $0x8FFFFFFF  }
0x98: {  	s18 =	sld [smem:$0x3FDB];
	_ =	sdelay $0x1  }
0x99: {  	s19 =	simm.s32 $_scs_section_size  }
0x9a: {  	s4 =	simm.s32 $_size__tile_overlayer_lowered;
	s5 =	simm.s32 $_tile_overlayer_lowered  }
0x9b: {  	s22 =	simm.s32 $0x1BFF;
	s21 =	sshll.u32 s5, $0x1;
	s2 =	sadd.s32 s19, s18  }
0x9c: {  	s6 =	simm.s32 $0x0;
	s20 =	sshll.u32 s4, $0x1;
	s4 =	sadd.s32 s21, s2  }
0x9d: {  	[timem:s6], [sflag:s22] =	dma.local [hbm:s4], s20  }
0x9e: {  	_ =	swait.ge [sflag:s22], s20  }
0x9f: {  	s3 =	ssub.s32 $0x0, s20;
	[sflag:s22] =	ssyncset.done $0x0  }
0xa0: {  	[sflag:s22] =	ssyncadd.s32 s3;
	_ =	sdelay $0x1  }
0xa1: {  	s23 =	simm.s32 $0x1B8B  }
0xa2: {  	_ =	swait.ge [sflag:s23], $0x1  }
0xa3: {  	[sflag:s23] =	ssyncset.done $0x0  }
0xa4: {  	s25 =	simm.s32 $0x1B8E;
	s24 =	sld [smem:$0x3FFE];
	[sflag:s23] =	ssyncadd.s32 $0xFFFFFFFF  }
0xa5: {  	s26 =	simm.s32 $execute0_lowered;
	[smem:$0x3FD2] =	sst s25  }
0xa6: {  	s4 =	sshll.u32 s26, $0x1;
	_ =	strace $0x80000046;
	[dreg:$0x1] =	wrdreg $0xFFFFFFFF  }
0xa7: {  	s28 =	simm.s32 $_size_execute0_lowered;
	s2 =	sadd.s32 s2, s4;
	[dreg:$0x0] =	wrdreg $0x0  }
0xa8: {  	s4 =	sshll.u32 s28, $0x1;
	[dreg:$0x2] =	wrdreg s2  }
0xa9: {  	[dreg:$0x3] =	wrdreg s4  }
0xaa: {  	[dreg:$0x4] =	wrdreg $0xC0  }
0xab: {  	_ =	task [dreg:s6], $0x5FFFF  }
0xac: {  	[dreg:$0x1] =	wrdreg $0xFFFFFFFF  }
0xad: {  	[dreg:$0x0] =	wrdreg $0x60  }
0xae: {  	[dreg:$0x2] =	wrdreg s24  }
0xaf: {  	[dreg:$0x3] =	wrdreg $0x9  }
0xb0: {  	_ =	task.clear_ibuf [dreg:s6], $0x4FFFF;
	_ =	strace $0x90000046  }
0xb1: {  	s29 =	simm.s32 $0x9;
	_ =	strace $0x8000004E  }
0xb2: {  	_ =	swait.ge [sflag:s29], $0x1  }
0xb3: {  	[sflag:s29] =	ssyncadd.s32 $0xFFFFFFFF  }
0xb4: {  	_ =	strace $0x9000004E  }
0xb5: {  	_ =	sfence  }
0xb6: {  	s30 =	sld [smem:$0x0];
	_ =	sdelay $0x2  }
0xb7: {  	s31 =	sshll.u32 s1, $0xD;
	s1 =	sshrl.u32 s1, $0x2  }
0xb8: {  	s3 =	sand.u32 $0x4000, s31;
	s1 =	sadd.s32 s1, s30  }
0xb9: {  	s0 =	sor.u32 s3, s0;
	s1 =	sshll.u32 s1, $0x11  }
0xba: {  	s0 =	sor.u32 s1, s0  }
0xbb: {  	s0 =	sadd.s32 $0x8F2B, s0  }
0xbc: {  	[sflag:s0] =	ssyncadd.remote.s32 $0x1  }
0xbd: {  	_ =	sfence.sel $0xFFFF  }
0xbe: {  	[dreg:$0x0] =	wrdreg $0xFFFFFFFF;
	(pc) =	sbr.abs _section_cstart, $3  }
0xbf: {  	[dreg:$0x1] =	wrdreg $0xFFFFFFFF  }
0xc0: {  	_ =	task.clear_ibuf [dreg:s6], $0x2FFFF;
	_ =	strace $0x9FFFFFFF  }
0xc1: {  	(tm) =	ssettm $0x7FFFFFFF  }
tec
execute0_lowered:
.L_overlay_start_1:
0x0: {  	(tag) =	ssettag $0x1  }
0x1: {  	s6 =	rddreg [dreg:$0x0];
	s1 =	srdreg.scid  }
0x2: {  	s0 =	rddreg [dreg:$0x1];
	s2 =	simm.s32 $0x0;
	s13 =	simm.s32 $0x10000  }
0x3: {  	s14 =	simm.s32 $0x5;
	s15 =	simm.s32 $0x0;
	s5 =	sand.u32 $0x1, s1  }
0x4: {  	s1 =	stileid.u32;
	[smem:$0x7FF] =	sst s2;
	s3 =	sshll.u32 s5, $0x4  }
0x5: {  	s4 =	sadd.s32 $0x6F600, s6;
	_ =	strace $0x80000047;
	s7 =	sor.u32 s1, s3  }
0x6: {  	s9 =	ssub.s32 $0x2, s5;
	s3 =	sadd.s32 $0x3600, s6;
	s8 =	smul.u32 $0x3, s7  }
0x7: {  	s6 =	sadd.s32 $0x70400, s6;
	s29 =	sshrl.u32 s9, $0x1;
	p0 =	slt.u32 s7, $0xC  }
0x8: {  	s7 =	sshll.u32 s7, $0x2;
	s12 =	ssub.s32 s9, s29;
	s5 =	sadd.s32 $0xC, s8  }
0x9: {  	s12 =	smax.u32 s12, $0x1;
	s5 =	smov.u32 @p0 s7;
	s7 =	simm.s32 $0x4  }
0xa: {  	v2 =	vlaneseq.u32;
	s30 =	sshll.u32 s5, $0xC;
	s7 =	simm.s32 @!p0 $0x3;
	s10 =	sshll.u32 s5, $0x5  }
0xb: {  	vm0 =	vmmov $0xffff;
	v1 =	vshrl.u32 v2, $0x3;
	s31 =	sand.u32 $0x1FFFF000, s30;
	s8 =	sshll.u32 s7, $0x1;
	s10 =	sand.u32 $0x1FFFFFE0, s10  }
0xc: {  	v0 =	vand.u32 $0x7, v2;
	v2 =	vor.u32 $0x8, v2;
	v1 =	vmul.u32 $0x8, v1;
	s9 =	sadd.s32 s3, s31;
	s10 =	sadd.s32 s4, s10;
	s11 =	sadd.s32 $0xFFFFFFFF, s8  }
.LBB2_1:
0xd: {  	_ =	strace $0x80000048;
	s23 =	simm.s32 $0x0;
	s24 =	simm.s32 $0x0  }
0xe: {  	[tilespmem:s2], [sflag:$0x1] =	stream.linear.gather [hbm4b:s9+s2], $0x8000, $0x200038;
	[tilespmem:$0x10100] =	vst v63  }
0xf: {  	s16 =	simm.s32 $0x0;
	s17 =	simm.s32 $0x1;
	s18 =	simm.s32 $0x0  }
0x10: {  	[tilespmem:s13], [sflag:$0x3] =	stream.linear.gather [hbm4b:s10+s2], $0x80, $0x200038;
	[tilespmem:$0x10100] =	vst v63  }
0x11: {  	s19 =	simm.s32 $0x1;
	s20 =	simm.s32 $0x0;
	_ =	strace $0x90000048  }
.LBB2_2:
0x12: {  	s21 =	sadd.s32 $0x1, s23  }
0x13: {  	p0 =	seq.s32 s21, s7  }
0x14: {  	s22 =	simm.s32 $0x1;
	s21 =	simm.s32 @p0 $0x0  }
0x15: {  	p3 =	slt.s32 s20, s11;
	s22 =	simm.s32 @!p0 $0x0;
	p0 =	sne.s32 s23, s21  }
0x16: {  	s22 =	sadd.s32 s22, s24;
	p1 =	por !p3, !p0  }
0x17: {  	s25 =	sadd.s32 s5, s21;
	p4 =	seq.s32 s22, $0x2;
	p2 =	por !p1, !p1  }
0x18: {  	s22 =	simm.s32 @p4 $0x0;
	s26 =	sand.u32 @p2 $0x1, s19;
	s28 =	sshll.u32 @p2 s25, $0xC  }
0x19: {  	_ =	strace @p2 $0x80000049;
	s30 =	simm.s32 @p2 $0x0;
	s28 =	sand.u32 @p2 $0x1FFFF000, s28  }
0x1a: {  	s29 =	sshll.u32 @p2 s26, $0xF;
	s26 =	sadd.s32 @p2 $0x1, s26;
	s28 =	sadd.s32 @p2 s3, s28  }
0x1b: {  	[tilespmem:s29], [sflag:s26] =	stream.linear.gather @p2 [hbm4b:s28+s30], $0x8000, $0x200038;
	[tilespmem:$0x10100] =	vst v63  }
0x1c: {  	p6 =	sne.s32 s24, s22;
	s26 =	simm.s32 @!p0 $0x0  }
0x1d: {  	s26 =	simm.s32 @p0 $0x1;
	p0 =	por p0, p6  }
0x1e: {  	[smem:$0x7FC] =	sst s26;
	s26 =	simm.s32 @!p0 $0x0;
	p3 =	por !p3, !p0  }
0x1f: {  	s26 =	simm.s32 @p0 $0x1;
	p3 =	por !p3, !p3  }
0x20: {  	[smem:$0x7FD] =	sst s26;
	s26 =	sshrl.u32 @p3 s22, $0x1  }
0x21: {  	p4 =	seq.s32 s23, $0x0;
	s28 =	smov.u32 s23;
	s26 =	smul.u32 @p3 $0x6C00, s26  }
0x22: {  	s28 =	smov.u32 @p4 s7;
	s25 =	sshll.u32 @p3 s25, $0x8;
	s29 =	sshll.u32 @p3 s22, $0x7  }
0x23: {  	s30 =	simm.s32 @p3 $0x0;
	s25 =	sadd.s32 @p3 s25, s26;
	s26 =	sand.u32 @p3 $0x80, s29  }
0x24: {  	_ =	strace @p2 $0x90000049;
	s29 =	sand.u32 @p3 $0x1, s17;
	s25 =	sor.u32 @p3 s26, s25  }
0x25: {  	_ =	strace @p3 $0x8000004A;
	s26 =	sshll.u32 @p3 s29, $0x7;
	s25 =	sshrl.u32 @p3 s25, $0x3  }
0x26: {  	s29 =	sadd.s32 @p3 $0x3, s29;
	s26 =	sor.u32 @p3 $0x10000, s26;
	s25 =	sadd.s32 @p3 s4, s25  }
0x27: {  	[tilespmem:s26], [sflag:s29] =	stream.linear.gather @p3 [hbm4b:s25+s30], $0x80, $0x200038;
	[tilespmem:$0x10100] =	vst v63  }
0x28: {  	p5 =	seq.s32 s20, $0x0;
	s25 =	sadd.s32 $0xFFFFFFFF, s28  }
0x29: {  	p6 =	seq.s32 @!p5 s23, s25  }
0x2a: {  	p6 =	por p5, !p6  }
0x2b: {  	_ =	strace @p3 $0x9000004A;
	s26 =	sand.u32 @p6 $0x1, s18  }
0x2c: {  	_ =	strace @p6 $0x8000004B;
	s26 =	sadd.s32 @p6 $0x1, s26  }
0x2d: {  	_ =	swait.ge @p6 [sflag:s26], $0x8000  }
0x2e: {  	[sflag:s26] =	ssyncset.done @p6 $0x0  }
0x2f: {  	[sflag:s26] =	ssyncadd.s32 @p6 $0xFFFF8000;
	s26 =	simm.s32 $0x1  }
0x30: {  	s26 =	simm.s32 @!p4 $0x0  }
0x31: {  	p1 =	sne.s32 s24, $0x1;
	s26 =	ssub.s32 s24, s26  }
0x32: {  	p0 =	sne.s32 @!p5 s23, s25;
	_ =	strace @p6 $0x9000004B;
	p6 =	seq.s32 s26, $0xFFFFFFFF  }
0x33: {  	p0 =	por p5, p0;
	p1 =	por @!p6 p4, p4  }
0x34: {  	p0 =	por p0, p1  }
0x35: {  	s23 =	sand.u32 @p0 $0x1, s16  }
0x36: {  	_ =	strace @p0 $0x8000004C;
	s23 =	sadd.s32 @p0 $0x3, s23  }
0x37: {  	_ =	swait.ge @p0 [sflag:s23], $0x80  }
0x38: {  	[sflag:s23] =	ssyncset.done @p0 $0x0  }
0x39: {  	[sflag:s23] =	ssyncadd.s32 @p0 $0xFFFFFF80  }
0x3a: {  	s29 =	sshll.u32 s16, $0x7;
	_ =	strace @p0 $0x9000004C  }
0x3b: {  	s24 =	sand.u32 $0x80, s29;
	_ =	strace $0x8000004D  }
0x3c: {  	v3 =	vld [tilespmem:s24+$0x10000];
	_ =	sdelay $0x4  }
0x3d: {  	v4 =	vshll.u32 v3, $0x1  }
0x3e: {  	v3 =	vand.u32 $0x7, v3;
	v4 =	vand.u32 $0xFFFFFFF0, v4  }
0x3f: {  	v3 =	vor.u32 v3, v4  }
0x40: {  	v4 =	vperm.xlane v3, v0;
	_ =	sdelay $0x1  }
0x41: {  	v3 =	vperm.xlane v3, v2;
	v4 =	vadd.s32 v1, v4;
	_ =	sdelay $0x1  }
0x42: {  	v3 =	vadd.s32 v1, v3  }
0x43: {  	s30 =	sshll.u32 s18, $0xF  }
0x44: {  	s23 =	sand.u32 $0x8000, s30  }
0x45: {  	[hbm4b:s6+s2] =	stream.indirect_vreg.scatter [tilespmem:s23], [sflag:$0x5], $0x80, v4, vm0, $0x2000b8;
	[tilespmem:$0x10100] =	vst v63  }
0x46: {  	s31 =	sor.u32 $0x800, s23  }
0x47: {  	[hbm4b:s6+s2] =	stream.indirect_vreg.scatter [tilespmem:s31], [sflag:$0x5], $0x80, v3, vm0, $0x2000b8;
	[tilespmem:$0x10100] =	vst v63  }
0x48: {  	v3 =	vld [tilespmem:s24+$0x10010];
	_ =	sdelay $0x4  }
0x49: {  	v57 =	vshll.u32 v3, $0x1  }
0x4a: {  	v3 =	vand.u32 $0x7, v3;
	v4 =	vand.u32 $0xFFFFFFF0, v57  }
0x4b: {  	v3 =	vor.u32 v3, v4  }
0x4c: {  	v4 =	vperm.xlane v3, v0;
	_ =	sdelay $0x1  }
0x4d: {  	v3 =	vperm.xlane v3, v2;
	v4 =	vadd.s32 v1, v4;
	_ =	sdelay $0x1  }
0x4e: {  	v3 =	vadd.s32 v1, v3;
	_ =	sdelay $0x1  }
0x4f: {  	s26 =	sor.u32 $0x1000, s23  }
0x50: {  	[hbm4b:s6+s2] =	stream.indirect_vreg.scatter [tilespmem:s26], [sflag:$0x5], $0x80, v4, vm0, $0x2000b8;
	[tilespmem:$0x10100] =	vst v63  }
0x51: {  	s28 =	sor.u32 $0x1800, s23  }
0x52: {  	[hbm4b:s6+s2] =	stream.indirect_vreg.scatter [tilespmem:s28], [sflag:$0x5], $0x80, v3, vm0, $0x2000b8;
	[tilespmem:$0x10100] =	vst v63  }
0x53: {  	v3 =	vld [tilespmem:s24+$0x10020];
	_ =	sdelay $0x4  }
0x54: {  	v58 =	vshll.u32 v3, $0x1  }
0x55: {  	v3 =	vand.u32 $0x7, v3;
	v4 =	vand.u32 $0xFFFFFFF0, v58  }
0x56: {  	v3 =	vor.u32 v3, v4  }
0x57: {  	v4 =	vperm.xlane v3, v0;
	_ =	sdelay $0x1  }
0x58: {  	v3 =	vperm.xlane v3, v2;
	v4 =	vadd.s32 v1, v4;
	_ =	sdelay $0x1  }
0x59: {  	v3 =	vadd.s32 v1, v3;
	_ =	sdelay $0x1  }
0x5a: {  	s29 =	sor.u32 $0x2000, s23  }
0x5b: {  	[hbm4b:s6+s2] =	stream.indirect_vreg.scatter [tilespmem:s29], [sflag:$0x5], $0x80, v4, vm0, $0x2000b8;
	[tilespmem:$0x10100] =	vst v63  }
0x5c: {  	s30 =	sor.u32 $0x2800, s23  }
0x5d: {  	[hbm4b:s6+s2] =	stream.indirect_vreg.scatter [tilespmem:s30], [sflag:$0x5], $0x80, v3, vm0, $0x2000b8;
	[tilespmem:$0x10100] =	vst v63  }
0x5e: {  	v3 =	vld [tilespmem:s24+$0x10030];
	_ =	sdelay $0x4  }
0x5f: {  	v59 =	vshll.u32 v3, $0x1  }
0x60: {  	v3 =	vand.u32 $0x7, v3;
	v4 =	vand.u32 $0xFFFFFFF0, v59  }
0x61: {  	v3 =	vor.u32 v3, v4  }
0x62: {  	v4 =	vperm.xlane v3, v0;
	_ =	sdelay $0x1  }
0x63: {  	v3 =	vperm.xlane v3, v2;
	v4 =	vadd.s32 v1, v4;
	_ =	sdelay $0x1  }
0x64: {  	v3 =	vadd.s32 v1, v3;
	_ =	sdelay $0x1  }
0x65: {  	s31 =	sor.u32 $0x3000, s23  }
0x66: {  	[hbm4b:s6+s2] =	stream.indirect_vreg.scatter [tilespmem:s31], [sflag:$0x5], $0x80, v4, vm0, $0x2000b8;
	[tilespmem:$0x10100] =	vst v63  }
0x67: {  	s26 =	sor.u32 $0x3800, s23  }
0x68: {  	[hbm4b:s6+s2] =	stream.indirect_vreg.scatter [tilespmem:s26], [sflag:$0x5], $0x80, v3, vm0, $0x2000b8;
	[tilespmem:$0x10100] =	vst v63  }
0x69: {  	v3 =	vld [tilespmem:s24+$0x10040];
	_ =	sdelay $0x4  }
0x6a: {  	v60 =	vshll.u32 v3, $0x1  }
0x6b: {  	v3 =	vand.u32 $0x7, v3;
	v4 =	vand.u32 $0xFFFFFFF0, v60  }
0x6c: {  	v3 =	vor.u32 v3, v4  }
0x6d: {  	v4 =	vperm.xlane v3, v0;
	_ =	sdelay $0x1  }
0x6e: {  	v3 =	vperm.xlane v3, v2;
	v4 =	vadd.s32 v1, v4;
	_ =	sdelay $0x1  }
0x6f: {  	v3 =	vadd.s32 v1, v3;
	_ =	sdelay $0x1  }
0x70: {  	s28 =	sor.u32 $0x4000, s23  }
0x71: {  	[hbm4b:s6+s2] =	stream.indirect_vreg.scatter [tilespmem:s28], [sflag:$0x5], $0x80, v4, vm0, $0x2000b8;
	[tilespmem:$0x10100] =	vst v63  }
0x72: {  	s29 =	sor.u32 $0x4800, s23  }
0x73: {  	[hbm4b:s6+s2] =	stream.indirect_vreg.scatter [tilespmem:s29], [sflag:$0x5], $0x80, v3, vm0, $0x2000b8;
	[tilespmem:$0x10100] =	vst v63  }
0x74: {  	v3 =	vld [tilespmem:s24+$0x10050];
	_ =	sdelay $0x4  }
0x75: {  	v61 =	vshll.u32 v3, $0x1  }
0x76: {  	v3 =	vand.u32 $0x7, v3;
	v4 =	vand.u32 $0xFFFFFFF0, v61  }
0x77: {  	v3 =	vor.u32 v3, v4  }
0x78: {  	v4 =	vperm.xlane v3, v0;
	_ =	sdelay $0x1  }
0x79: {  	v3 =	vperm.xlane v3, v2;
	v4 =	vadd.s32 v1, v4;
	_ =	sdelay $0x1  }
0x7a: {  	v3 =	vadd.s32 v1, v3;
	_ =	sdelay $0x1  }
0x7b: {  	s30 =	sor.u32 $0x5000, s23  }
0x7c: {  	[hbm4b:s6+s2] =	stream.indirect_vreg.scatter [tilespmem:s30], [sflag:$0x5], $0x80, v4, vm0, $0x2000b8;
	[tilespmem:$0x10100] =	vst v63  }
0x7d: {  	s31 =	sor.u32 $0x5800, s23  }
0x7e: {  	[hbm4b:s6+s2] =	stream.indirect_vreg.scatter [tilespmem:s31], [sflag:$0x5], $0x80, v3, vm0, $0x2000b8;
	[tilespmem:$0x10100] =	vst v63  }
0x7f: {  	v3 =	vld [tilespmem:s24+$0x10060];
	_ =	sdelay $0x4  }
0x80: {  	v62 =	vshll.u32 v3, $0x1  }
0x81: {  	v3 =	vand.u32 $0x7, v3;
	v4 =	vand.u32 $0xFFFFFFF0, v62  }
0x82: {  	v3 =	vor.u32 v3, v4  }
0x83: {  	v4 =	vperm.xlane v3, v0;
	_ =	sdelay $0x1  }
0x84: {  	v3 =	vperm.xlane v3, v2;
	v4 =	vadd.s32 v1, v4;
	_ =	sdelay $0x1  }
0x85: {  	v3 =	vadd.s32 v1, v3;
	_ =	sdelay $0x1  }
0x86: {  	s26 =	sor.u32 $0x6000, s23  }
0x87: {  	[hbm4b:s6+s2] =	stream.indirect_vreg.scatter [tilespmem:s26], [sflag:$0x5], $0x80, v4, vm0, $0x2000b8;
	[tilespmem:$0x10100] =	vst v63  }
0x88: {  	s28 =	sor.u32 $0x6800, s23  }
0x89: {  	[hbm4b:s6+s2] =	stream.indirect_vreg.scatter [tilespmem:s28], [sflag:$0x5], $0x80, v3, vm0, $0x2000b8;
	[tilespmem:$0x10100] =	vst v63  }
0x8a: {  	v3 =	vld [tilespmem:s24+$0x10070];
	_ =	sdelay $0x4  }
0x8b: {  	v63 =	vshll.u32 v3, $0x1  }
0x8c: {  	v3 =	vand.u32 $0x7, v3;
	v4 =	vand.u32 $0xFFFFFFF0, v63  }
0x8d: {  	v3 =	vor.u32 v3, v4  }
0x8e: {  	v4 =	vperm.xlane v3, v0;
	_ =	sdelay $0x1  }
0x8f: {  	v3 =	vperm.xlane v3, v2;
	v4 =	vadd.s32 v1, v4;
	_ =	sdelay $0x1  }
0x90: {  	v3 =	vadd.s32 v1, v3;
	_ =	sdelay $0x1  }
0x91: {  	s29 =	sor.u32 $0x7000, s23  }
0x92: {  	[hbm4b:s6+s2] =	stream.indirect_vreg.scatter [tilespmem:s29], [sflag:$0x5], $0x80, v4, vm0, $0x2000b8;
	[tilespmem:$0x10100] =	vst v63  }
0x93: {  	s23 =	sor.u32 $0x7800, s23  }
0x94: {  	[hbm4b:s6+s2] =	stream.indirect_vreg.scatter [tilespmem:s23], [sflag:$0x5], $0x80, v3, vm0, $0x2000b8;
	[tilespmem:$0x10100] =	vst v63  }
0x95: {  	_ =	swait.ge [sflag:s14], $0x8000  }
0x96: {  	s31 =	sld [smem:$0x7FD];
	_ =	sdelay $0x1  }
0x97: {  	p4 =	seq.s32 s11, s20;
	s20 =	sadd.s32 $0x1, s20;
	s24 =	simm.s32 $0x1  }
0x98: {  	s24 =	simm.s32 @!p2 $0x0;
	s30 =	sld [smem:$0x7FC];
	p6 =	seq.s32 s31, $0x1  }
0x99: {  	s19 =	sadd.s32 s24, s19;
	s24 =	simm.s32 $0x1;
	p0 =	por p4, p6  }
0x9a: {  	s24 =	simm.s32 @!p0 $0x0;
	p0 =	sne.s32 s8, s20  }
.Ltmp0:
0x9b: {  	s25 =	simm.s32 $0x1;
	p5 =	seq.s32 s30, $0x1;
	(pc) =	sbr.rel @p0 .LBB2_2-.Ltmp0, $4  }
0x9c: {  	s23 =	simm.s32 $0x1;
	[sflag:s14] =	ssyncset.done $0x0;
	p1 =	por p4, p5  }
0x9d: {  	s25 =	simm.s32 @!p3 $0x0;
	[sflag:s14] =	ssyncadd.s32 $0xFFFF8000;
	s23 =	simm.s32 @!p1 $0x0  }
0x9e: {  	s17 =	sadd.s32 s25, s17;
	_ =	strace $0x9000004D;
	s18 =	sadd.s32 s23, s18  }
0x9f: {  	s16 =	sadd.s32 s24, s16;
	s23 =	smov.u32 s21;
	s24 =	smov.u32 s22  }
0xa0: {  	s15 =	sadd.s32 $0x1, s15  }
0xa1: {  	p0 =	sne.s32 s15, s12  }
.Ltmp1:
0xa2: {  	_ = 	snop;
	(pc) =	sbr.rel @p0 .LBB2_1-.Ltmp1, $1  }
0xa3: {  	_ =	sdelay $0x3  }
0xa4: {  	_ =	sfence.sel $0x180000  }
0xa5: {  	[bflag:$0x0] =	sbarrier.arrive $0xFFFF  }
0xa6: {  	p0 =	sne.s32 s1, $0x0;
	_ =	strace $0x90000047  }
0xa7: {  	s0 =	sadd.s32 @!p0 $0x100000, s0;
	[bflag:$0x2] =	sbarrier.arrive $0xFFFF  }
0xa8: {  	[sflag:s0] =	ssyncadd.tile.s32 @!p0 $0x1;
	_ =	shalt  }
.Lfunc_end2:
_tile_overlayer_lowered:
.L_overlay_start_2:
0xa9: {  	(tag) =	ssettag $0x2  }
0xaa: {  	s0 =	rddreg [dreg:$0x0];
	s2 =	stileid.u32  }
0xab: {  	s1 =	rddreg [dreg:$0x1];
	p0 =	sne.s32 s2, $0x0  }
0xac: {  	s3 =	rddreg [dreg:$0x2];
	[bflag:$0x3] =	sbarrier.arrive $0xFFFF;
	s2 =	simm.s32 @!p0 $0x1C01  }
0xad: {  	[timem:s3], [sflag:s2] =	dma.local @!p0 [hbm:s0], s1  }
0xae: {  	s0 =	simm.s32 @!p0 $0x1  }
0xaf: {  	_ =	swait.ge @!p0 [sflag:s0], s1  }
0xb0: {  	s1 =	ssub.s32 @!p0 $0x0, s1;
	[sflag:s0] =	ssyncset.done @!p0 $0x0  }
0xb1: {  	[sflag:s0] =	ssyncadd.s32 @!p0 s1  }
0xb2: {  	[bflag:$0x3] =	sbarrier.arrive $0xFFFF  }
0xb3: {  	_ =	shalt  }

</sc_bundles>
